<compile_context>
chip_gen: v7x
topology: tpu7x:2x2x1
jax: 0.10.2.dev20260603
libtpu: 0.0.44.dev20260713+nightly
codegen_flags: <defaults>
</compile_context>

<pallas_src>
import functools

import jax
import jax.numpy as jnp
from jax import lax
from jax.experimental import pallas as pl
from jax.experimental.pallas import tpu as pltpu
from jax.experimental.pallas import tpu_sc as plsc

N, K, F, R = 10000, 32, 128, 128
E = N * K

NS = 16
NW = NS

NSPLIT = 5
NH = N // NSPLIT
EH = NH * K

CHUNK = 80
CPW = EH // (CHUNK * NW)
assert CPW * CHUNK * NW == EH and (CPW * CHUNK) % 8 == 0 and CHUNK % 8 == 0


def _softplus(z):
    return jnp.maximum(z, 0.0) + jnp.log1p(jnp.exp(-jnp.abs(z)))



def _v_body(x_ref, w_ref, b_ref, o_ref):
    z = jnp.dot(x_ref[...], w_ref[...], preferred_element_type=jnp.float32)
    o_ref[...] = _softplus(z + b_ref[...])


def _atom_layer1(x, W1, b1):
    blk = 2000
    return pl.pallas_call(
        _v_body,
        grid=(N // blk,),
        in_specs=[
            pl.BlockSpec((blk, F), lambda i: (i, 0)),
            pl.BlockSpec((F, F), lambda i: (0, 0)),
            pl.BlockSpec((1, F), lambda i: (0, 0)),
        ],
        out_specs=pl.BlockSpec((blk, F), lambda i: (i, 0)),
        out_shape=jax.ShapeDtypeStruct((N, F), jnp.float32),
    )(x, W1, b1.reshape(1, F))



SETS = 2
SETSZ = 5
NBUF = SETS * SETSZ
NG = CPW // SETSZ
FINAL_SEL = ((NG - 1) % 2) * SETSZ


def _sc_gather_body(table_hbm, idx_hbm, out_hbm, idx_v, rows_v, gsem, ssem):
    base = lax.axis_index("s") * CPW
    pltpu.sync_copy(idx_hbm.at[pl.ds(base * CHUNK, CPW * CHUNK)], idx_v)

    def group(g, carry):
        sel = (g % 2) * SETSZ
        for b in range(SETSZ):
            pltpu.async_copy(
                table_hbm.at[idx_v.at[pl.ds((g * SETSZ + b) * CHUNK, CHUNK)]],
                rows_v.at[pl.ds((sel + b) * CHUNK, CHUNK)], gsem)
        @pl.when(g > 0)
        def _():
            osel = SETSZ - sel
            pltpu.make_async_copy(
                rows_v.at[pl.ds(osel * CHUNK, SETSZ * CHUNK)],
                out_hbm.at[pl.ds((base + (g - 1) * SETSZ) * CHUNK,
                                 SETSZ * CHUNK)],
                ssem).wait()

        for b in range(SETSZ):
            pltpu.make_async_copy(
                table_hbm.at[idx_v.at[pl.ds((g * SETSZ + b) * CHUNK, CHUNK)]],
                rows_v.at[pl.ds((sel + b) * CHUNK, CHUNK)], gsem).wait()
        pltpu.async_copy(
            rows_v.at[pl.ds(sel * CHUNK, SETSZ * CHUNK)],
            out_hbm.at[pl.ds((base + g * SETSZ) * CHUNK, SETSZ * CHUNK)],
            ssem)
        return carry

    lax.fori_loop(0, NG, group, 0)
    pltpu.make_async_copy(
        rows_v.at[pl.ds(FINAL_SEL * CHUNK, SETSZ * CHUNK)],
        out_hbm.at[pl.ds((base + (NG - 1) * SETSZ) * CHUNK, SETSZ * CHUNK)],
        ssem).wait()


@functools.cache
def _make_sc_gather():
    return pl.kernel(
        _sc_gather_body,
        out_type=jax.ShapeDtypeStruct((EH, F), jnp.float32),
        mesh=plsc.VectorSubcoreMesh(core_axis_name="c", subcore_axis_name="s",
                                    num_cores=1),
        scratch_types=[
            pltpu.VMEM((CPW * CHUNK,), jnp.int32),
            pltpu.VMEM((NBUF * CHUNK, F), jnp.float32),
            pltpu.SemaphoreType.DMA,
            pltpu.SemaphoreType.DMA,
        ],
    )



BN = 400
BE = BN * K


def _main_body(rbf_ref, nbr_ref, x_ref, wf1_ref, bf1_ref, wf2_ref, bf2_ref,
               w2_ref, b2_ref, o_ref):
    h = _softplus(
        jnp.dot(rbf_ref[...].astype(jnp.bfloat16), wf1_ref[...],
                preferred_element_type=jnp.float32)
        + bf1_ref[...])
    filt = (jnp.dot(h.astype(jnp.bfloat16), wf2_ref[...],
                    preferred_element_type=jnp.float32)
            + bf2_ref[...])
    prod = filt * nbr_ref[...]
    agg = prod.reshape(BN, K, F).sum(axis=1)
    v2 = _softplus(
        jnp.dot(agg, w2_ref[...], preferred_element_type=jnp.float32)
        + b2_ref[...])
    o_ref[...] = x_ref[...] + v2


@functools.cache
def _make_cfconv_out(piece):
    off = piece * (NH // BN)

    return pl.pallas_call(
        _main_body,
        grid=(NH // BN,),
        in_specs=[
            pl.BlockSpec((BE, R), lambda i: (i + off, 0)),
            pl.BlockSpec((BE, F), lambda i: (i, 0)),
            pl.BlockSpec((BN, F), lambda i: (i + off, 0)),
            pl.BlockSpec((R, F), lambda i: (0, 0)),
            pl.BlockSpec((1, F), lambda i: (0, 0)),
            pl.BlockSpec((F, F), lambda i: (0, 0)),
            pl.BlockSpec((1, F), lambda i: (0, 0)),
            pl.BlockSpec((F, F), lambda i: (0, 0)),
            pl.BlockSpec((1, F), lambda i: (0, 0)),
        ],
        out_specs=pl.BlockSpec((BN, F), lambda i: (i, 0)),
        out_shape=jax.ShapeDtypeStruct((NH, F), jnp.float32),
    )


def _cfconv_out(piece, rbf_flat, nbr, x, Wf1, bf1, Wf2, bf2, W2, b2):
    return _make_cfconv_out(piece)(
        rbf_flat, nbr, x,
        Wf1.astype(jnp.bfloat16), bf1.reshape(1, F),
        Wf2.astype(jnp.bfloat16), bf2.reshape(1, F),
        W2, b2.reshape(1, F))



@jax.jit
def kernel(x, rbf, neighbors, W1, b1, Wf1, bf1, Wf2, bf2, W2, b2):
    v = _atom_layer1(x, W1, b1)
    rbf_flat = rbf.reshape(E, R)
    flat_nb = neighbors.reshape(-1)
    gather = _make_sc_gather()
    nbrs = [
        gather(v, lax.dynamic_slice_in_dim(flat_nb, p * EH, EH))
        for p in range(NSPLIT)
    ]
    outs = [
        _cfconv_out(p, rbf_flat, nbrs[p], x, Wf1, bf1, Wf2, bf2, W2, b2)
        for p in range(NSPLIT)
    ]
    return jnp.concatenate(outs, axis=0)

# --- scband reference (transcript-rebuilt; emitter-appended) ---
"""Pipeline reference for scband-interaction-block-40355512713238 (READ-ONLY COPY).

The authoritative reference and input builder live on the scoring server;
editing this copy changes nothing except your own understanding.
"""

import jax, jax.numpy as jnp
import numpy as np

N, K, F, R = 10000, 32, 128, 128

def setup_inputs(seed: int = 0) -> dict:
    key = jax.random.key(seed)
    ks = jax.random.split(key, 8)
    x = jax.random.normal(ks[0], (N, F), dtype=jnp.float32)
    rbf = jax.random.uniform(ks[1], (N, K, R), dtype=jnp.float32)
    neighbors = jax.random.randint(ks[2], (N, K), 0, N, dtype=jnp.int32)
    s = 0.05
    W1 = jax.random.normal(ks[3], (F, F), dtype=jnp.float32) * s
    b1 = jnp.zeros((F,), dtype=jnp.float32)
    Wf1 = jax.random.normal(ks[4], (R, F), dtype=jnp.float32) * s
    bf1 = jnp.zeros((F,), dtype=jnp.float32)
    Wf2 = jax.random.normal(ks[5], (F, F), dtype=jnp.float32) * s
    bf2 = jnp.zeros((F,), dtype=jnp.float32)
    W2 = jax.random.normal(ks[6], (F, F), dtype=jnp.float32) * s
    b2 = jnp.zeros((F,), dtype=jnp.float32)
    return {"x": x, "rbf": rbf, "neighbors": neighbors,
            "W1": W1, "b1": b1, "Wf1": Wf1, "bf1": bf1,
            "Wf2": Wf2, "bf2": bf2, "W2": W2, "b2": b2}

def reference(x, rbf, neighbors, W1, b1, Wf1, bf1, Wf2, bf2, W2, b2):
    sp = jax.nn.softplus
    # atom_layer1 + softplus
    v = sp(x @ W1 + b1)
    # CFConv: filter network on rbf -> continuous filters [N, K, F]
    filt = sp(jnp.einsum('nkr,rf->nkf', rbf, Wf1) + bf1)
    filt = jnp.einsum('nkf,fg->nkg', filt, Wf2) + bf2
    # gather neighbor features and aggregate (filter-weighted sum over K)
    nbr = jnp.take(v, neighbors, axis=0)  # [N, K, F]
    agg = jnp.sum(nbr * filt, axis=1)     # [N, F]
    # atom_layer2 + softplus
    v2 = sp(agg @ W2 + b2)
    # residual
    return x + v2

if __name__ == "__main__":
    import jax
    _d = setup_inputs()
    print(jax.jit(kernel)(*tuple(_d.values())))

</pallas_src>

<mosaic_0001>
#map = affine_map<(d0, d1) -> (0, 0)>
#map1 = affine_map<(d0, d1) -> (0)>
module attributes {stable_mosaic.version = 14 : i64} {
  func.func @_sc_gather_body(%arg0: i32, %arg1: i32, %arg2: memref<10000x128xf32, #tpu.memory_space<hbm>>, %arg3: memref<64000xi32, #tpu.memory_space<hbm>>, %arg4: memref<64000x128xf32, #tpu.memory_space<hbm>>, %arg5: memref<4000xi32, #tpu.memory_space<vmem>>, %arg6: memref<800x128xf32, #tpu.memory_space<vmem>>, %arg7: memref<!tpu.dma_semaphore, #tpu.memory_space<semaphore_mem>>, %arg8: memref<!tpu.dma_semaphore, #tpu.memory_space<semaphore_mem>>) attributes {dimension_semantics = [#tpu.dimension_semantics<core_parallel>, #tpu.dimension_semantics<subcore_parallel>], iteration_bounds = array<i64: 1, 16>, scalar_prefetch = 0 : i64, scratch_operands = 4 : i64, tpu.core_type = #tpu.core_type<sc_vector_subcore>, window_params = [{transform_indices = #map}, {transform_indices = #map1}, {transform_indices = #map}]} {
    %mul3A = arith.constant 50 : i32
    %mul3A_0 = arith.muli %arg1, %mul3A : i32
    %mul3A_1 = arith.constant 80 : i32
    %mul3A_2 = arith.muli %mul3A_0, %mul3A_1 : i32
    "tpu.region"() ({
      %run_scoped3A = tpu.sem_alloc : memref<!tpu.dma_semaphore, #tpu.memory_space<semaphore_mem>>
      %dma_start3A = tpu.memref_slice %arg3[%mul3A_2] : memref<64000xi32, #tpu.memory_space<hbm>> -> memref<4000xi32, #tpu.memory_space<hbm>>
      %dma_start3A_20 = tpu.memref_slice %arg3[%mul3A_2] : memref<64000xi32, #tpu.memory_space<hbm>> -> memref<4000xi32, #tpu.memory_space<hbm>>
      tpu.enqueue_dma source(%dma_start3A_20 : memref<4000xi32, #tpu.memory_space<hbm>>) target(%arg5 : memref<4000xi32, #tpu.memory_space<vmem>>) target_semaphore(%run_scoped3A : memref<!tpu.dma_semaphore, #tpu.memory_space<semaphore_mem>>)
      %dma_wait3A_21 = tpu.memref_slice %arg3[%mul3A_2] : memref<64000xi32, #tpu.memory_space<hbm>> -> memref<4000xi32, #tpu.memory_space<hbm>>
      %dma_wait3A_22 = tpu.memref_slice %arg3[%mul3A_2] : memref<64000xi32, #tpu.memory_space<hbm>> -> memref<4000xi32, #tpu.memory_space<hbm>>
      tpu.wait_dma2 semaphore(%run_scoped3A : memref<!tpu.dma_semaphore, #tpu.memory_space<semaphore_mem>>) src(%dma_wait3A_22 : memref<4000xi32, #tpu.memory_space<hbm>>) dst(%arg5 : memref<4000xi32, #tpu.memory_space<vmem>>)
      tpu.yield
    }) : () -> ()
    %scan3A = arith.constant 0 : i32
    %scan3A_3 = arith.constant 0 : i32
    %scan3A_4 = arith.constant 10 : i32
    %scan3A_5 = arith.addi %scan3A_3, %scan3A_4 : i32
    %scan3A_6 = arith.constant 1 : i32
    scf.for %scan3A_20 = %scan3A_3 to %scan3A_5 step %scan3A_6  : i32 {
      %jit3A = arith.constant 2 : i32
      %eq3A = arith.constant 0 : i32
      %eq3A_21 = arith.cmpi eq, %jit3A, %eq3A : i32
      %jit3A_22 = arith.constant 1 : i32
      %select_n3A = arith.select %eq3A_21, %jit3A_22, %jit3A : i32
      %rem3A = arith.remsi %scan3A_20, %select_n3A : i32
      %ne3A = arith.constant 0 : i32
      %ne3A_23 = arith.cmpi ne, %rem3A, %ne3A : i32
      %lt3A = arith.constant 0 : i32
      %lt3A_24 = arith.cmpi slt, %rem3A, %lt3A : i32
      %lt3A_25 = arith.constant 0 : i32
      %lt3A_26 = arith.cmpi slt, %select_n3A, %lt3A_25 : i32
      %ne3A_27 = arith.xori %lt3A_24, %lt3A_26 : i1
      %and3A = arith.andi %ne3A_27, %ne3A_23 : i1
      %add3A_28 = arith.addi %rem3A, %select_n3A : i32
      %select_n3A_29 = arith.select %and3A, %add3A_28, %rem3A : i32
      %mul3A_30 = arith.constant 5 : i32
      %mul3A_31 = arith.muli %select_n3A_29, %mul3A_30 : i32
      %mul3A_32 = arith.constant 5 : i32
      %mul3A_33 = arith.muli %scan3A_20, %mul3A_32 : i32
      %add3A_34 = arith.constant 0 : i32
      %add3A_35 = arith.addi %mul3A_33, %add3A_34 : i32
      %mul3A_36 = arith.constant 80 : i32
      %mul3A_37 = arith.muli %add3A_35, %mul3A_36 : i32
      %add3A_38 = arith.constant 0 : i32
      %add3A_39 = arith.addi %mul3A_31, %add3A_38 : i32
      %mul3A_40 = arith.constant 80 : i32
      %mul3A_41 = arith.muli %add3A_39, %mul3A_40 : i32
      %dma_start3A = arith.constant 0 : i32
      %dma_start3A_42 = tpu.memref_slice %arg6[%mul3A_41, %dma_start3A] : memref<800x128xf32, #tpu.memory_space<vmem>> -> memref<80x128xf32, #tpu.memory_space<vmem>>
      %dma_start3A_43 = tpu.memref_slice %arg5[%mul3A_37] : memref<4000xi32, #tpu.memory_space<vmem>> -> memref<80xi32, #tpu.memory_space<vmem>>
      %dma_start3A_44 = arith.constant 0 : i32
      %dma_start3A_45 = arith.constant 0 : i32
      %dma_start3A_46 = tpu.memref_slice %arg2[%dma_start3A_44, %dma_start3A_45] : memref<10000x128xf32, #tpu.memory_space<hbm>> -> memref<10000x128xf32, #tpu.memory_space<hbm>>
      tpu.enqueue_indirect_dma source(%dma_start3A_46 : memref<10000x128xf32, #tpu.memory_space<hbm>>) target(%dma_start3A_42 : memref<80x128xf32, #tpu.memory_space<vmem>>) offsets(%dma_start3A_43 : memref<80xi32, #tpu.memory_space<vmem>>) semaphore(%arg7 : memref<!tpu.dma_semaphore, #tpu.memory_space<semaphore_mem>>)
      %mul3A_47 = arith.constant 5 : i32
      %mul3A_48 = arith.muli %scan3A_20, %mul3A_47 : i32
      %add3A_49 = arith.constant 1 : i32
      %add3A_50 = arith.addi %mul3A_48, %add3A_49 : i32
      %mul3A_51 = arith.constant 80 : i32
      %mul3A_52 = arith.muli %add3A_50, %mul3A_51 : i32
      %add3A_53 = arith.constant 1 : i32
      %add3A_54 = arith.addi %mul3A_31, %add3A_53 : i32
      %mul3A_55 = arith.constant 80 : i32
      %mul3A_56 = arith.muli %add3A_54, %mul3A_55 : i32
      %dma_start3A_57 = arith.constant 0 : i32
      %dma_start3A_58 = tpu.memref_slice %arg6[%mul3A_56, %dma_start3A_57] : memref<800x128xf32, #tpu.memory_space<vmem>> -> memref<80x128xf32, #tpu.memory_space<vmem>>
      %dma_start3A_59 = tpu.memref_slice %arg5[%mul3A_52] : memref<4000xi32, #tpu.memory_space<vmem>> -> memref<80xi32, #tpu.memory_space<vmem>>
      %dma_start3A_60 = arith.constant 0 : i32
      %dma_start3A_61 = arith.constant 0 : i32
      %dma_start3A_62 = tpu.memref_slice %arg2[%dma_start3A_60, %dma_start3A_61] : memref<10000x128xf32, #tpu.memory_space<hbm>> -> memref<10000x128xf32, #tpu.memory_space<hbm>>
      tpu.enqueue_indirect_dma source(%dma_start3A_62 : memref<10000x128xf32, #tpu.memory_space<hbm>>) target(%dma_start3A_58 : memref<80x128xf32, #tpu.memory_space<vmem>>) offsets(%dma_start3A_59 : memref<80xi32, #tpu.memory_space<vmem>>) semaphore(%arg7 : memref<!tpu.dma_semaphore, #tpu.memory_space<semaphore_mem>>)
      %mul3A_63 = arith.constant 5 : i32
      %mul3A_64 = arith.muli %scan3A_20, %mul3A_63 : i32
      %add3A_65 = arith.constant 2 : i32
      %add3A_66 = arith.addi %mul3A_64, %add3A_65 : i32
      %mul3A_67 = arith.constant 80 : i32
      %mul3A_68 = arith.muli %add3A_66, %mul3A_67 : i32
      %add3A_69 = arith.constant 2 : i32
      %add3A_70 = arith.addi %mul3A_31, %add3A_69 : i32
      %mul3A_71 = arith.constant 80 : i32
      %mul3A_72 = arith.muli %add3A_70, %mul3A_71 : i32
      %dma_start3A_73 = arith.constant 0 : i32
      %dma_start3A_74 = tpu.memref_slice %arg6[%mul3A_72, %dma_start3A_73] : memref<800x128xf32, #tpu.memory_space<vmem>> -> memref<80x128xf32, #tpu.memory_space<vmem>>
      %dma_start3A_75 = tpu.memref_slice %arg5[%mul3A_68] : memref<4000xi32, #tpu.memory_space<vmem>> -> memref<80xi32, #tpu.memory_space<vmem>>
      %dma_start3A_76 = arith.constant 0 : i32
      %dma_start3A_77 = arith.constant 0 : i32
      %dma_start3A_78 = tpu.memref_slice %arg2[%dma_start3A_76, %dma_start3A_77] : memref<10000x128xf32, #tpu.memory_space<hbm>> -> memref<10000x128xf32, #tpu.memory_space<hbm>>
      tpu.enqueue_indirect_dma source(%dma_start3A_78 : memref<10000x128xf32, #tpu.memory_space<hbm>>) target(%dma_start3A_74 : memref<80x128xf32, #tpu.memory_space<vmem>>) offsets(%dma_start3A_75 : memref<80xi32, #tpu.memory_space<vmem>>) semaphore(%arg7 : memref<!tpu.dma_semaphore, #tpu.memory_space<semaphore_mem>>)
      %mul3A_79 = arith.constant 5 : i32
      %mul3A_80 = arith.muli %scan3A_20, %mul3A_79 : i32
      %add3A_81 = arith.constant 3 : i32
      %add3A_82 = arith.addi %mul3A_80, %add3A_81 : i32
      %mul3A_83 = arith.constant 80 : i32
      %mul3A_84 = arith.muli %add3A_82, %mul3A_83 : i32
      %add3A_85 = arith.constant 3 : i32
      %add3A_86 = arith.addi %mul3A_31, %add3A_85 : i32
      %mul3A_87 = arith.constant 80 : i32
      %mul3A_88 = arith.muli %add3A_86, %mul3A_87 : i32
      %dma_start3A_89 = arith.constant 0 : i32
      %dma_start3A_90 = tpu.memref_slice %arg6[%mul3A_88, %dma_start3A_89] : memref<800x128xf32, #tpu.memory_space<vmem>> -> memref<80x128xf32, #tpu.memory_space<vmem>>
      %dma_start3A_91 = tpu.memref_slice %arg5[%mul3A_84] : memref<4000xi32, #tpu.memory_space<vmem>> -> memref<80xi32, #tpu.memory_space<vmem>>
      %dma_start3A_92 = arith.constant 0 : i32
      %dma_start3A_93 = arith.constant 0 : i32
      %dma_start3A_94 = tpu.memref_slice %arg2[%dma_start3A_92, %dma_start3A_93] : memref<10000x128xf32, #tpu.memory_space<hbm>> -> memref<10000x128xf32, #tpu.memory_space<hbm>>
      tpu.enqueue_indirect_dma source(%dma_start3A_94 : memref<10000x128xf32, #tpu.memory_space<hbm>>) target(%dma_start3A_90 : memref<80x128xf32, #tpu.memory_space<vmem>>) offsets(%dma_start3A_91 : memref<80xi32, #tpu.memory_space<vmem>>) semaphore(%arg7 : memref<!tpu.dma_semaphore, #tpu.memory_space<semaphore_mem>>)
      %mul3A_95 = arith.constant 5 : i32
      %mul3A_96 = arith.muli %scan3A_20, %mul3A_95 : i32
      %add3A_97 = arith.constant 4 : i32
      %add3A_98 = arith.addi %mul3A_96, %add3A_97 : i32
      %mul3A_99 = arith.constant 80 : i32
      %mul3A_100 = arith.muli %add3A_98, %mul3A_99 : i32
      %add3A_101 = arith.constant 4 : i32
      %add3A_102 = arith.addi %mul3A_31, %add3A_101 : i32
      %mul3A_103 = arith.constant 80 : i32
      %mul3A_104 = arith.muli %add3A_102, %mul3A_103 : i32
      %dma_start3A_105 = arith.constant 0 : i32
      %dma_start3A_106 = tpu.memref_slice %arg6[%mul3A_104, %dma_start3A_105] : memref<800x128xf32, #tpu.memory_space<vmem>> -> memref<80x128xf32, #tpu.memory_space<vmem>>
      %dma_start3A_107 = tpu.memref_slice %arg5[%mul3A_100] : memref<4000xi32, #tpu.memory_space<vmem>> -> memref<80xi32, #tpu.memory_space<vmem>>
      %dma_start3A_108 = arith.constant 0 : i32
      %dma_start3A_109 = arith.constant 0 : i32
      %dma_start3A_110 = tpu.memref_slice %arg2[%dma_start3A_108, %dma_start3A_109] : memref<10000x128xf32, #tpu.memory_space<hbm>> -> memref<10000x128xf32, #tpu.memory_space<hbm>>
      tpu.enqueue_indirect_dma source(%dma_start3A_110 : memref<10000x128xf32, #tpu.memory_space<hbm>>) target(%dma_start3A_106 : memref<80x128xf32, #tpu.memory_space<vmem>>) offsets(%dma_start3A_107 : memref<80xi32, #tpu.memory_space<vmem>>) semaphore(%arg7 : memref<!tpu.dma_semaphore, #tpu.memory_space<semaphore_mem>>)
      %gt3A = arith.constant 0 : i32
      %gt3A_111 = arith.cmpi sgt, %scan3A_20, %gt3A : i32
      %convert_element_type3A = arith.extui %gt3A_111 : i1 to i32
      %cond3A = arith.constant 0 : i32
      %cond3A_112 = arith.cmpi ne, %convert_element_type3A, %cond3A : i32
      scf.if %cond3A_112 {
        %sub3A = arith.constant 5 : i32
        %sub3A_208 = arith.subi %sub3A, %mul3A_31 : i32
        %mul3A_209 = arith.constant 80 : i32
        %mul3A_210 = arith.muli %sub3A_208, %mul3A_209 : i32
        %sub3A_211 = arith.constant 1 : i32
        %sub3A_212 = arith.subi %scan3A_20, %sub3A_211 : i32
        %mul3A_213 = arith.constant 5 : i32
        %mul3A_214 = arith.muli %sub3A_212, %mul3A_213 : i32
        %add3A_215 = arith.addi %mul3A_0, %mul3A_214 : i32
        %mul3A_216 = arith.constant 80 : i32
        %mul3A_217 = arith.muli %add3A_215, %mul3A_216 : i32
        %dma_wait3A_218 = arith.constant 0 : i32
        %dma_wait3A_219 = tpu.memref_slice %arg6[%mul3A_210, %dma_wait3A_218] : memref<800x128xf32, #tpu.memory_space<vmem>> -> memref<400x128xf32, #tpu.memory_space<vmem>>
        %dma_wait3A_220 = arith.constant 0 : i32
        %dma_wait3A_221 = tpu.memref_slice %arg4[%mul3A_217, %dma_wait3A_220] : memref<64000x128xf32, #tpu.memory_space<hbm>> -> memref<400x128xf32, #tpu.memory_space<hbm>>
        %dma_wait3A_222 = arith.constant 0 : i32
        %dma_wait3A_223 = tpu.memref_slice %arg4[%mul3A_217, %dma_wait3A_222] : memref<64000x128xf32, #tpu.memory_space<hbm>> -> memref<400x128xf32, #tpu.memory_space<hbm>>
        %dma_wait3A_224 = arith.constant 0 : i32
        %dma_wait3A_225 = tpu.memref_slice %arg6[%mul3A_210, %dma_wait3A_224] : memref<800x128xf32, #tpu.memory_space<vmem>> -> memref<400x128xf32, #tpu.memory_space<vmem>>
        tpu.wait_dma2 semaphore(%arg8 : memref<!tpu.dma_semaphore, #tpu.memory_space<semaphore_mem>>) src(%dma_wait3A_225 : memref<400x128xf32, #tpu.memory_space<vmem>>) dst(%dma_wait3A_223 : memref<400x128xf32, #tpu.memory_space<hbm>>)
      } else {
      }
      %mul3A_113 = arith.constant 5 : i32
      %mul3A_114 = arith.muli %scan3A_20, %mul3A_113 : i32
      %add3A_115 = arith.constant 0 : i32
      %add3A_116 = arith.addi %mul3A_114, %add3A_115 : i32
      %mul3A_117 = arith.constant 80 : i32
      %mul3A_118 = arith.muli %add3A_116, %mul3A_117 : i32
      %add3A_119 = arith.constant 0 : i32
      %add3A_120 = arith.addi %mul3A_31, %add3A_119 : i32
      %mul3A_121 = arith.constant 80 : i32
      %mul3A_122 = arith.muli %add3A_120, %mul3A_121 : i32
      %dma_wait3A_123 = arith.constant 0 : i32
      %dma_wait3A_124 = tpu.memref_slice %arg6[%mul3A_122, %dma_wait3A_123] : memref<800x128xf32, #tpu.memory_space<vmem>> -> memref<80x128xf32, #tpu.memory_space<vmem>>
      %dma_wait3A_125 = tpu.memref_slice %arg5[%mul3A_118] : memref<4000xi32, #tpu.memory_space<vmem>> -> memref<80xi32, #tpu.memory_space<vmem>>
      %dma_wait3A_126 = arith.constant 0 : i32
      %dma_wait3A_127 = arith.constant 0 : i32
      %dma_wait3A_128 = tpu.memref_slice %arg2[%dma_wait3A_126, %dma_wait3A_127] : memref<10000x128xf32, #tpu.memory_space<hbm>> -> memref<10000x128xf32, #tpu.memory_space<hbm>>
      tpu.wait_indirect_dma semaphore(%arg7 : memref<!tpu.dma_semaphore, #tpu.memory_space<semaphore_mem>>) src(%dma_wait3A_128 : memref<10000x128xf32, #tpu.memory_space<hbm>>) dst(%dma_wait3A_124 : memref<80x128xf32, #tpu.memory_space<vmem>>)
      %mul3A_129 = arith.constant 5 : i32
      %mul3A_130 = arith.muli %scan3A_20, %mul3A_129 : i32
      %add3A_131 = arith.constant 1 : i32
      %add3A_132 = arith.addi %mul3A_130, %add3A_131 : i32
      %mul3A_133 = arith.constant 80 : i32
      %mul3A_134 = arith.muli %add3A_132, %mul3A_133 : i32
      %add3A_135 = arith.constant 1 : i32
      %add3A_136 = arith.addi %mul3A_31, %add3A_135 : i32
      %mul3A_137 = arith.constant 80 : i32
      %mul3A_138 = arith.muli %add3A_136, %mul3A_137 : i32
      %dma_wait3A_139 = arith.constant 0 : i32
      %dma_wait3A_140 = tpu.memref_slice %arg6[%mul3A_138, %dma_wait3A_139] : memref<800x128xf32, #tpu.memory_space<vmem>> -> memref<80x128xf32, #tpu.memory_space<vmem>>
      %dma_wait3A_141 = tpu.memref_slice %arg5[%mul3A_134] : memref<4000xi32, #tpu.memory_space<vmem>> -> memref<80xi32, #tpu.memory_space<vmem>>
      %dma_wait3A_142 = arith.constant 0 : i32
      %dma_wait3A_143 = arith.constant 0 : i32
      %dma_wait3A_144 = tpu.memref_slice %arg2[%dma_wait3A_142, %dma_wait3A_143] : memref<10000x128xf32, #tpu.memory_space<hbm>> -> memref<10000x128xf32, #tpu.memory_space<hbm>>
      tpu.wait_indirect_dma semaphore(%arg7 : memref<!tpu.dma_semaphore, #tpu.memory_space<semaphore_mem>>) src(%dma_wait3A_144 : memref<10000x128xf32, #tpu.memory_space<hbm>>) dst(%dma_wait3A_140 : memref<80x128xf32, #tpu.memory_space<vmem>>)
      %mul3A_145 = arith.constant 5 : i32
      %mul3A_146 = arith.muli %scan3A_20, %mul3A_145 : i32
      %add3A_147 = arith.constant 2 : i32
      %add3A_148 = arith.addi %mul3A_146, %add3A_147 : i32
      %mul3A_149 = arith.constant 80 : i32
      %mul3A_150 = arith.muli %add3A_148, %mul3A_149 : i32
      %add3A_151 = arith.constant 2 : i32
      %add3A_152 = arith.addi %mul3A_31, %add3A_151 : i32
      %mul3A_153 = arith.constant 80 : i32
      %mul3A_154 = arith.muli %add3A_152, %mul3A_153 : i32
      %dma_wait3A_155 = arith.constant 0 : i32
      %dma_wait3A_156 = tpu.memref_slice %arg6[%mul3A_154, %dma_wait3A_155] : memref<800x128xf32, #tpu.memory_space<vmem>> -> memref<80x128xf32, #tpu.memory_space<vmem>>
      %dma_wait3A_157 = tpu.memref_slice %arg5[%mul3A_150] : memref<4000xi32, #tpu.memory_space<vmem>> -> memref<80xi32, #tpu.memory_space<vmem>>
      %dma_wait3A_158 = arith.constant 0 : i32
      %dma_wait3A_159 = arith.constant 0 : i32
      %dma_wait3A_160 = tpu.memref_slice %arg2[%dma_wait3A_158, %dma_wait3A_159] : memref<10000x128xf32, #tpu.memory_space<hbm>> -> memref<10000x128xf32, #tpu.memory_space<hbm>>
      tpu.wait_indirect_dma semaphore(%arg7 : memref<!tpu.dma_semaphore, #tpu.memory_space<semaphore_mem>>) src(%dma_wait3A_160 : memref<10000x128xf32, #tpu.memory_space<hbm>>) dst(%dma_wait3A_156 : memref<80x128xf32, #tpu.memory_space<vmem>>)
      %mul3A_161 = arith.constant 5 : i32
      %mul3A_162 = arith.muli %scan3A_20, %mul3A_161 : i32
      %add3A_163 = arith.constant 3 : i32
      %add3A_164 = arith.addi %mul3A_162, %add3A_163 : i32
      %mul3A_165 = arith.constant 80 : i32
      %mul3A_166 = arith.muli %add3A_164, %mul3A_165 : i32
      %add3A_167 = arith.constant 3 : i32
      %add3A_168 = arith.addi %mul3A_31, %add3A_167 : i32
      %mul3A_169 = arith.constant 80 : i32
      %mul3A_170 = arith.muli %add3A_168, %mul3A_169 : i32
      %dma_wait3A_171 = arith.constant 0 : i32
      %dma_wait3A_172 = tpu.memref_slice %arg6[%mul3A_170, %dma_wait3A_171] : memref<800x128xf32, #tpu.memory_space<vmem>> -> memref<80x128xf32, #tpu.memory_space<vmem>>
      %dma_wait3A_173 = tpu.memref_slice %arg5[%mul3A_166] : memref<4000xi32, #tpu.memory_space<vmem>> -> memref<80xi32, #tpu.memory_space<vmem>>
      %dma_wait3A_174 = arith.constant 0 : i32
      %dma_wait3A_175 = arith.constant 0 : i32
      %dma_wait3A_176 = tpu.memref_slice %arg2[%dma_wait3A_174, %dma_wait3A_175] : memref<10000x128xf32, #tpu.memory_space<hbm>> -> memref<10000x128xf32, #tpu.memory_space<hbm>>
      tpu.wait_indirect_dma semaphore(%arg7 : memref<!tpu.dma_semaphore, #tpu.memory_space<semaphore_mem>>) src(%dma_wait3A_176 : memref<10000x128xf32, #tpu.memory_space<hbm>>) dst(%dma_wait3A_172 : memref<80x128xf32, #tpu.memory_space<vmem>>)
      %mul3A_177 = arith.constant 5 : i32
      %mul3A_178 = arith.muli %scan3A_20, %mul3A_177 : i32
      %add3A_179 = arith.constant 4 : i32
      %add3A_180 = arith.addi %mul3A_178, %add3A_179 : i32
      %mul3A_181 = arith.constant 80 : i32
      %mul3A_182 = arith.muli %add3A_180, %mul3A_181 : i32
      %add3A_183 = arith.constant 4 : i32
      %add3A_184 = arith.addi %mul3A_31, %add3A_183 : i32
      %mul3A_185 = arith.constant 80 : i32
      %mul3A_186 = arith.muli %add3A_184, %mul3A_185 : i32
      %dma_wait3A_187 = arith.constant 0 : i32
      %dma_wait3A_188 = tpu.memref_slice %arg6[%mul3A_186, %dma_wait3A_187] : memref<800x128xf32, #tpu.memory_space<vmem>> -> memref<80x128xf32, #tpu.memory_space<vmem>>
      %dma_wait3A_189 = tpu.memref_slice %arg5[%mul3A_182] : memref<4000xi32, #tpu.memory_space<vmem>> -> memref<80xi32, #tpu.memory_space<vmem>>
      %dma_wait3A_190 = arith.constant 0 : i32
      %dma_wait3A_191 = arith.constant 0 : i32
      %dma_wait3A_192 = tpu.memref_slice %arg2[%dma_wait3A_190, %dma_wait3A_191] : memref<10000x128xf32, #tpu.memory_space<hbm>> -> memref<10000x128xf32, #tpu.memory_space<hbm>>
      tpu.wait_indirect_dma semaphore(%arg7 : memref<!tpu.dma_semaphore, #tpu.memory_space<semaphore_mem>>) src(%dma_wait3A_192 : memref<10000x128xf32, #tpu.memory_space<hbm>>) dst(%dma_wait3A_188 : memref<80x128xf32, #tpu.memory_space<vmem>>)
      %mul3A_193 = arith.constant 80 : i32
      %mul3A_194 = arith.muli %mul3A_31, %mul3A_193 : i32
      %mul3A_195 = arith.constant 5 : i32
      %mul3A_196 = arith.muli %scan3A_20, %mul3A_195 : i32
      %add3A_197 = arith.addi %mul3A_0, %mul3A_196 : i32
      %mul3A_198 = arith.constant 80 : i32
      %mul3A_199 = arith.muli %add3A_197, %mul3A_198 : i32
      %dma_start3A_200 = arith.constant 0 : i32
      %dma_start3A_201 = tpu.memref_slice %arg6[%mul3A_194, %dma_start3A_200] : memref<800x128xf32, #tpu.memory_space<vmem>> -> memref<400x128xf32, #tpu.memory_space<vmem>>
      %dma_start3A_202 = arith.constant 0 : i32
      %dma_start3A_203 = tpu.memref_slice %arg4[%mul3A_199, %dma_start3A_202] : memref<64000x128xf32, #tpu.memory_space<hbm>> -> memref<400x128xf32, #tpu.memory_space<hbm>>
      %dma_start3A_204 = arith.constant 0 : i32
      %dma_start3A_205 = tpu.memref_slice %arg4[%mul3A_199, %dma_start3A_204] : memref<64000x128xf32, #tpu.memory_space<hbm>> -> memref<400x128xf32, #tpu.memory_space<hbm>>
      %dma_start3A_206 = arith.constant 0 : i32
      %dma_start3A_207 = tpu.memref_slice %arg6[%mul3A_194, %dma_start3A_206] : memref<800x128xf32, #tpu.memory_space<vmem>> -> memref<400x128xf32, #tpu.memory_space<vmem>>
      tpu.enqueue_dma source(%dma_start3A_207 : memref<400x128xf32, #tpu.memory_space<vmem>>) target(%dma_start3A_205 : memref<400x128xf32, #tpu.memory_space<hbm>>) target_semaphore(%arg8 : memref<!tpu.dma_semaphore, #tpu.memory_space<semaphore_mem>>)
    }
    %scan3A_7 = arith.constant 10 : i32
    %add3A = arith.constant 45 : i32
    %add3A_8 = arith.addi %mul3A_0, %add3A : i32
    %mul3A_9 = arith.constant 80 : i32
    %mul3A_10 = arith.muli %add3A_8, %mul3A_9 : i32
    %dma_wait3A = arith.constant 400 : i32
    %dma_wait3A_11 = arith.constant 0 : i32
    %dma_wait3A_12 = tpu.memref_slice %arg6[%dma_wait3A, %dma_wait3A_11] : memref<800x128xf32, #tpu.memory_space<vmem>> -> memref<400x128xf32, #tpu.memory_space<vmem>>
    %dma_wait3A_13 = arith.constant 0 : i32
    %dma_wait3A_14 = tpu.memref_slice %arg4[%mul3A_10, %dma_wait3A_13] : memref<64000x128xf32, #tpu.memory_space<hbm>> -> memref<400x128xf32, #tpu.memory_space<hbm>>
    %dma_wait3A_15 = arith.constant 0 : i32
    %dma_wait3A_16 = tpu.memref_slice %arg4[%mul3A_10, %dma_wait3A_15] : memref<64000x128xf32, #tpu.memory_space<hbm>> -> memref<400x128xf32, #tpu.memory_space<hbm>>
    %dma_wait3A_17 = arith.constant 400 : i32
    %dma_wait3A_18 = arith.constant 0 : i32
    %dma_wait3A_19 = tpu.memref_slice %arg6[%dma_wait3A_17, %dma_wait3A_18] : memref<800x128xf32, #tpu.memory_space<vmem>> -> memref<400x128xf32, #tpu.memory_space<vmem>>
    tpu.wait_dma2 semaphore(%arg8 : memref<!tpu.dma_semaphore, #tpu.memory_space<semaphore_mem>>) src(%dma_wait3A_19 : memref<400x128xf32, #tpu.memory_space<vmem>>) dst(%dma_wait3A_16 : memref<400x128xf32, #tpu.memory_space<hbm>>)
    return
  }
}

#map = affine_map<(d0, d1) -> (0, 0)>
#map1 = affine_map<(d0, d1) -> (0)>
module attributes {stable_mosaic.version = 14 : i64} {
  func.func @_sc_gather_body(%arg0: i32, %arg1: i32, %arg2: memref<10000x128xf32, #tpu.memory_space<hbm>>, %arg3: memref<64000xi32, #tpu.memory_space<hbm>>, %arg4: memref<64000x128xf32, #tpu.memory_space<hbm>>, %arg5: memref<4000xi32, #tpu.memory_space<vmem>>, %arg6: memref<800x128xf32, #tpu.memory_space<vmem>>, %arg7: memref<!tpu.dma_semaphore, #tpu.memory_space<semaphore_mem>>, %arg8: memref<!tpu.dma_semaphore, #tpu.memory_space<semaphore_mem>>) attributes {dimension_semantics = [#tpu.dimension_semantics<core_parallel>, #tpu.dimension_semantics<subcore_parallel>], iteration_bounds = array<i64: 1, 16>, scalar_prefetch = 0 : i64, scratch_operands = 4 : i64, tpu.core_type = #tpu.core_type<sc_vector_subcore>, window_params = [{transform_indices = #map}, {transform_indices = #map1}, {transform_indices = #map}]} {
    %mul3A = arith.constant 50 : i32
    %mul3A_0 = arith.muli %arg1, %mul3A : i32
    %mul3A_1 = arith.constant 80 : i32
    %mul3A_2 = arith.muli %mul3A_0, %mul3A_1 : i32
    "tpu.region"() ({
      %run_scoped3A = tpu.sem_alloc : memref<!tpu.dma_semaphore, #tpu.memory_space<semaphore_mem>>
      %dma_start3A = tpu.memref_slice %arg3[%mul3A_2] : memref<64000xi32, #tpu.memory_space<hbm>> -> memref<4000xi32, #tpu.memory_space<hbm>>
      %dma_start3A_20 = tpu.memref_slice %arg3[%mul3A_2] : memref<64000xi32, #tpu.memory_space<hbm>> -> memref<4000xi32, #tpu.memory_space<hbm>>
      tpu.enqueue_dma source(%dma_start3A_20 : memref<4000xi32, #tpu.memory_space<hbm>>) target(%arg5 : memref<4000xi32, #tpu.memory_space<vmem>>) target_semaphore(%run_scoped3A : memref<!tpu.dma_semaphore, #tpu.memory_space<semaphore_mem>>)
      %dma_wait3A_21 = tpu.memref_slice %arg3[%mul3A_2] : memref<64000xi32, #tpu.memory_space<hbm>> -> memref<4000xi32, #tpu.memory_space<hbm>>
      %dma_wait3A_22 = tpu.memref_slice %arg3[%mul3A_2] : memref<64000xi32, #tpu.memory_space<hbm>> -> memref<4000xi32, #tpu.memory_space<hbm>>
      tpu.wait_dma2 semaphore(%run_scoped3A : memref<!tpu.dma_semaphore, #tpu.memory_space<semaphore_mem>>) src(%dma_wait3A_22 : memref<4000xi32, #tpu.memory_space<hbm>>) dst(%arg5 : memref<4000xi32, #tpu.memory_space<vmem>>)
      tpu.yield
    }) : () -> ()
    %scan3A = arith.constant 0 : i32
    %scan3A_3 = arith.constant 0 : i32
    %scan3A_4 = arith.constant 10 : i32
    %scan3A_5 = arith.addi %scan3A_3, %scan3A_4 : i32
    %scan3A_6 = arith.constant 1 : i32
    scf.for %scan3A_20 = %scan3A_3 to %scan3A_5 step %scan3A_6  : i32 {
      %jit3A = arith.constant 2 : i32
      %eq3A = arith.constant 0 : i32
      %eq3A_21 = arith.cmpi eq, %jit3A, %eq3A : i32
      %jit3A_22 = arith.constant 1 : i32
      %select_n3A = arith.select %eq3A_21, %jit3A_22, %jit3A : i32
      %rem3A = arith.remsi %scan3A_20, %select_n3A : i32
      %ne3A = arith.constant 0 : i32
      %ne3A_23 = arith.cmpi ne, %rem3A, %ne3A : i32
      %lt3A = arith.constant 0 : i32
      %lt3A_24 = arith.cmpi slt, %rem3A, %lt3A : i32
      %lt3A_25 = arith.constant 0 : i32
      %lt3A_26 = arith.cmpi slt, %select_n3A, %lt3A_25 : i32
      %ne3A_27 = arith.xori %lt3A_24, %lt3A_26 : i1
      %and3A = arith.andi %ne3A_27, %ne3A_23 : i1
      %add3A_28 = arith.addi %rem3A, %select_n3A : i32
      %select_n3A_29 = arith.select %and3A, %add3A_28, %rem3A : i32
      %mul3A_30 = arith.constant 5 : i32
      %mul3A_31 = arith.muli %select_n3A_29, %mul3A_30 : i32
      %mul3A_32 = arith.constant 5 : i32
      %mul3A_33 = arith.muli %scan3A_20, %mul3A_32 : i32
      %add3A_34 = arith.constant 0 : i32
      %add3A_35 = arith.addi %mul3A_33, %add3A_34 : i32
      %mul3A_36 = arith.constant 80 : i32
      %mul3A_37 = arith.muli %add3A_35, %mul3A_36 : i32
      %add3A_38 = arith.constant 0 : i32
      %add3A_39 = arith.addi %mul3A_31, %add3A_38 : i32
      %mul3A_40 = arith.constant 80 : i32
      %mul3A_41 = arith.muli %add3A_39, %mul3A_40 : i32
      %dma_start3A = arith.constant 0 : i32
      %dma_start3A_42 = tpu.memref_slice %arg6[%mul3A_41, %dma_start3A] : memref<800x128xf32, #tpu.memory_space<vmem>> -> memref<80x128xf32, #tpu.memory_space<vmem>>
      %dma_start3A_43 = tpu.memref_slice %arg5[%mul3A_37] : memref<4000xi32, #tpu.memory_space<vmem>> -> memref<80xi32, #tpu.memory_space<vmem>>
      %dma_start3A_44 = arith.constant 0 : i32
      %dma_start3A_45 = arith.constant 0 : i32
      %dma_start3A_46 = tpu.memref_slice %arg2[%dma_start3A_44, %dma_start3A_45] : memref<10000x128xf32, #tpu.memory_space<hbm>> -> memref<10000x128xf32, #tpu.memory_space<hbm>>
      tpu.enqueue_indirect_dma source(%dma_start3A_46 : memref<10000x128xf32, #tpu.memory_space<hbm>>) target(%dma_start3A_42 : memref<80x128xf32, #tpu.memory_space<vmem>>) offsets(%dma_start3A_43 : memref<80xi32, #tpu.memory_space<vmem>>) semaphore(%arg7 : memref<!tpu.dma_semaphore, #tpu.memory_space<semaphore_mem>>)
      %mul3A_47 = arith.constant 5 : i32
      %mul3A_48 = arith.muli %scan3A_20, %mul3A_47 : i32
      %add3A_49 = arith.constant 1 : i32
      %add3A_50 = arith.addi %mul3A_48, %add3A_49 : i32
      %mul3A_51 = arith.constant 80 : i32
      %mul3A_52 = arith.muli %add3A_50, %mul3A_51 : i32
      %add3A_53 = arith.constant 1 : i32
      %add3A_54 = arith.addi %mul3A_31, %add3A_53 : i32
      %mul3A_55 = arith.constant 80 : i32
      %mul3A_56 = arith.muli %add3A_54, %mul3A_55 : i32
      %dma_start3A_57 = arith.constant 0 : i32
      %dma_start3A_58 = tpu.memref_slice %arg6[%mul3A_56, %dma_start3A_57] : memref<800x128xf32, #tpu.memory_space<vmem>> -> memref<80x128xf32, #tpu.memory_space<vmem>>
      %dma_start3A_59 = tpu.memref_slice %arg5[%mul3A_52] : memref<4000xi32, #tpu.memory_space<vmem>> -> memref<80xi32, #tpu.memory_space<vmem>>
      %dma_start3A_60 = arith.constant 0 : i32
      %dma_start3A_61 = arith.constant 0 : i32
      %dma_start3A_62 = tpu.memref_slice %arg2[%dma_start3A_60, %dma_start3A_61] : memref<10000x128xf32, #tpu.memory_space<hbm>> -> memref<10000x128xf32, #tpu.memory_space<hbm>>
      tpu.enqueue_indirect_dma source(%dma_start3A_62 : memref<10000x128xf32, #tpu.memory_space<hbm>>) target(%dma_start3A_58 : memref<80x128xf32, #tpu.memory_space<vmem>>) offsets(%dma_start3A_59 : memref<80xi32, #tpu.memory_space<vmem>>) semaphore(%arg7 : memref<!tpu.dma_semaphore, #tpu.memory_space<semaphore_mem>>)
      %mul3A_63 = arith.constant 5 : i32
      %mul3A_64 = arith.muli %scan3A_20, %mul3A_63 : i32
      %add3A_65 = arith.constant 2 : i32
      %add3A_66 = arith.addi %mul3A_64, %add3A_65 : i32
      %mul3A_67 = arith.constant 80 : i32
      %mul3A_68 = arith.muli %add3A_66, %mul3A_67 : i32
      %add3A_69 = arith.constant 2 : i32
      %add3A_70 = arith.addi %mul3A_31, %add3A_69 : i32
      %mul3A_71 = arith.constant 80 : i32
      %mul3A_72 = arith.muli %add3A_70, %mul3A_71 : i32
      %dma_start3A_73 = arith.constant 0 : i32
      %dma_start3A_74 = tpu.memref_slice %arg6[%mul3A_72, %dma_start3A_73] : memref<800x128xf32, #tpu.memory_space<vmem>> -> memref<80x128xf32, #tpu.memory_space<vmem>>
      %dma_start3A_75 = tpu.memref_slice %arg5[%mul3A_68] : memref<4000xi32, #tpu.memory_space<vmem>> -> memref<80xi32, #tpu.memory_space<vmem>>
      %dma_start3A_76 = arith.constant 0 : i32
      %dma_start3A_77 = arith.constant 0 : i32
      %dma_start3A_78 = tpu.memref_slice %arg2[%dma_start3A_76, %dma_start3A_77] : memref<10000x128xf32, #tpu.memory_space<hbm>> -> memref<10000x128xf32, #tpu.memory_space<hbm>>
      tpu.enqueue_indirect_dma source(%dma_start3A_78 : memref<10000x128xf32, #tpu.memory_space<hbm>>) target(%dma_start3A_74 : memref<80x128xf32, #tpu.memory_space<vmem>>) offsets(%dma_start3A_75 : memref<80xi32, #tpu.memory_space<vmem>>) semaphore(%arg7 : memref<!tpu.dma_semaphore, #tpu.memory_space<semaphore_mem>>)
      %mul3A_79 = arith.constant 5 : i32
      %mul3A_80 = arith.muli %scan3A_20, %mul3A_79 : i32
      %add3A_81 = arith.constant 3 : i32
      %add3A_82 = arith.addi %mul3A_80, %add3A_81 : i32
      %mul3A_83 = arith.constant 80 : i32
      %mul3A_84 = arith.muli %add3A_82, %mul3A_83 : i32
      %add3A_85 = arith.constant 3 : i32
      %add3A_86 = arith.addi %mul3A_31, %add3A_85 : i32
      %mul3A_87 = arith.constant 80 : i32
      %mul3A_88 = arith.muli %add3A_86, %mul3A_87 : i32
      %dma_start3A_89 = arith.constant 0 : i32
      %dma_start3A_90 = tpu.memref_slice %arg6[%mul3A_88, %dma_start3A_89] : memref<800x128xf32, #tpu.memory_space<vmem>> -> memref<80x128xf32, #tpu.memory_space<vmem>>
      %dma_start3A_91 = tpu.memref_slice %arg5[%mul3A_84] : memref<4000xi32, #tpu.memory_space<vmem>> -> memref<80xi32, #tpu.memory_space<vmem>>
      %dma_start3A_92 = arith.constant 0 : i32
      %dma_start3A_93 = arith.constant 0 : i32
      %dma_start3A_94 = tpu.memref_slice %arg2[%dma_start3A_92, %dma_start3A_93] : memref<10000x128xf32, #tpu.memory_space<hbm>> -> memref<10000x128xf32, #tpu.memory_space<hbm>>
      tpu.enqueue_indirect_dma source(%dma_start3A_94 : memref<10000x128xf32, #tpu.memory_space<hbm>>) target(%dma_start3A_90 : memref<80x128xf32, #tpu.memory_space<vmem>>) offsets(%dma_start3A_91 : memref<80xi32, #tpu.memory_space<vmem>>) semaphore(%arg7 : memref<!tpu.dma_semaphore, #tpu.memory_space<semaphore_mem>>)
      %mul3A_95 = arith.constant 5 : i32
      %mul3A_96 = arith.muli %scan3A_20, %mul3A_95 : i32
      %add3A_97 = arith.constant 4 : i32
      %add3A_98 = arith.addi %mul3A_96, %add3A_97 : i32
      %mul3A_99 = arith.constant 80 : i32
      %mul3A_100 = arith.muli %add3A_98, %mul3A_99 : i32
      %add3A_101 = arith.constant 4 : i32
      %add3A_102 = arith.addi %mul3A_31, %add3A_101 : i32
      %mul3A_103 = arith.constant 80 : i32
      %mul3A_104 = arith.muli %add3A_102, %mul3A_103 : i32
      %dma_start3A_105 = arith.constant 0 : i32
      %dma_start3A_106 = tpu.memref_slice %arg6[%mul3A_104, %dma_start3A_105] : memref<800x128xf32, #tpu.memory_space<vmem>> -> memref<80x128xf32, #tpu.memory_space<vmem>>
      %dma_start3A_107 = tpu.memref_slice %arg5[%mul3A_100] : memref<4000xi32, #tpu.memory_space<vmem>> -> memref<80xi32, #tpu.memory_space<vmem>>
      %dma_start3A_108 = arith.constant 0 : i32
      %dma_start3A_109 = arith.constant 0 : i32
      %dma_start3A_110 = tpu.memref_slice %arg2[%dma_start3A_108, %dma_start3A_109] : memref<10000x128xf32, #tpu.memory_space<hbm>> -> memref<10000x128xf32, #tpu.memory_space<hbm>>
      tpu.enqueue_indirect_dma source(%dma_start3A_110 : memref<10000x128xf32, #tpu.memory_space<hbm>>) target(%dma_start3A_106 : memref<80x128xf32, #tpu.memory_space<vmem>>) offsets(%dma_start3A_107 : memref<80xi32, #tpu.memory_space<vmem>>) semaphore(%arg7 : memref<!tpu.dma_semaphore, #tpu.memory_space<semaphore_mem>>)
      %gt3A = arith.constant 0 : i32
      %gt3A_111 = arith.cmpi sgt, %scan3A_20, %gt3A : i32
      %convert_element_type3A = arith.extui %gt3A_111 : i1 to i32
      %cond3A = arith.constant 0 : i32
      %cond3A_112 = arith.cmpi ne, %convert_element_type3A, %cond3A : i32
      scf.if %cond3A_112 {
        %sub3A = arith.constant 5 : i32
        %sub3A_208 = arith.subi %sub3A, %mul3A_31 : i32
        %mul3A_209 = arith.constant 80 : i32
        %mul3A_210 = arith.muli %sub3A_208, %mul3A_209 : i32
        %sub3A_211 = arith.constant 1 : i32
        %sub3A_212 = arith.subi %scan3A_20, %sub3A_211 : i32
        %mul3A_213 = arith.constant 5 : i32
        %mul3A_214 = arith.muli %sub3A_212, %mul3A_213 : i32
        %add3A_215 = arith.addi %mul3A_0, %mul3A_214 : i32
        %mul3A_216 = arith.constant 80 : i32
        %mul3A_217 = arith.muli %add3A_215, %mul3A_216 : i32
        %dma_wait3A_218 = arith.constant 0 : i32
        %dma_wait3A_219 = tpu.memref_slice %arg6[%mul3A_210, %dma_wait3A_218] : memref<800x128xf32, #tpu.memory_space<vmem>> -> memref<400x128xf32, #tpu.memory_space<vmem>>
        %dma_wait3A_220 = arith.constant 0 : i32
        %dma_wait3A_221 = tpu.memref_slice %arg4[%mul3A_217, %dma_wait3A_220] : memref<64000x128xf32, #tpu.memory_space<hbm>> -> memref<400x128xf32, #tpu.memory_space<hbm>>
        %dma_wait3A_222 = arith.constant 0 : i32
        %dma_wait3A_223 = tpu.memref_slice %arg4[%mul3A_217, %dma_wait3A_222] : memref<64000x128xf32, #tpu.memory_space<hbm>> -> memref<400x128xf32, #tpu.memory_space<hbm>>
        %dma_wait3A_224 = arith.constant 0 : i32
        %dma_wait3A_225 = tpu.memref_slice %arg6[%mul3A_210, %dma_wait3A_224] : memref<800x128xf32, #tpu.memory_space<vmem>> -> memref<400x128xf32, #tpu.memory_space<vmem>>
        tpu.wait_dma2 semaphore(%arg8 : memref<!tpu.dma_semaphore, #tpu.memory_space<semaphore_mem>>) src(%dma_wait3A_225 : memref<400x128xf32, #tpu.memory_space<vmem>>) dst(%dma_wait3A_223 : memref<400x128xf32, #tpu.memory_space<hbm>>)
      } else {
      }
      %mul3A_113 = arith.constant 5 : i32
      %mul3A_114 = arith.muli %scan3A_20, %mul3A_113 : i32
      %add3A_115 = arith.constant 0 : i32
      %add3A_116 = arith.addi %mul3A_114, %add3A_115 : i32
      %mul3A_117 = arith.constant 80 : i32
      %mul3A_118 = arith.muli %add3A_116, %mul3A_117 : i32
      %add3A_119 = arith.constant 0 : i32
      %add3A_120 = arith.addi %mul3A_31, %add3A_119 : i32
      %mul3A_121 = arith.constant 80 : i32
      %mul3A_122 = arith.muli %add3A_120, %mul3A_121 : i32
      %dma_wait3A_123 = arith.constant 0 : i32
      %dma_wait3A_124 = tpu.memref_slice %arg6[%mul3A_122, %dma_wait3A_123] : memref<800x128xf32, #tpu.memory_space<vmem>> -> memref<80x128xf32, #tpu.memory_space<vmem>>
      %dma_wait3A_125 = tpu.memref_slice %arg5[%mul3A_118] : memref<4000xi32, #tpu.memory_space<vmem>> -> memref<80xi32, #tpu.memory_space<vmem>>
      %dma_wait3A_126 = arith.constant 0 : i32
      %dma_wait3A_127 = arith.constant 0 : i32
      %dma_wait3A_128 = tpu.memref_slice %arg2[%dma_wait3A_126, %dma_wait3A_127] : memref<10000x128xf32, #tpu.memory_space<hbm>> -> memref<10000x128xf32, #tpu.memory_space<hbm>>
      tpu.wait_indirect_dma semaphore(%arg7 : memref<!tpu.dma_semaphore, #tpu.memory_space<semaphore_mem>>) src(%dma_wait3A_128 : memref<10000x128xf32, #tpu.memory_space<hbm>>) dst(%dma_wait3A_124 : memref<80x128xf32, #tpu.memory_space<vmem>>)
      %mul3A_129 = arith.constant 5 : i32
      %mul3A_130 = arith.muli %scan3A_20, %mul3A_129 : i32
      %add3A_131 = arith.constant 1 : i32
      %add3A_132 = arith.addi %mul3A_130, %add3A_131 : i32
      %mul3A_133 = arith.constant 80 : i32
      %mul3A_134 = arith.muli %add3A_132, %mul3A_133 : i32
      %add3A_135 = arith.constant 1 : i32
      %add3A_136 = arith.addi %mul3A_31, %add3A_135 : i32
      %mul3A_137 = arith.constant 80 : i32
      %mul3A_138 = arith.muli %add3A_136, %mul3A_137 : i32
      %dma_wait3A_139 = arith.constant 0 : i32
      %dma_wait3A_140 = tpu.memref_slice %arg6[%mul3A_138, %dma_wait3A_139] : memref<800x128xf32, #tpu.memory_space<vmem>> -> memref<80x128xf32, #tpu.memory_space<vmem>>
      %dma_wait3A_141 = tpu.memref_slice %arg5[%mul3A_134] : memref<4000xi32, #tpu.memory_space<vmem>> -> memref<80xi32, #tpu.memory_space<vmem>>
      %dma_wait3A_142 = arith.constant 0 : i32
      %dma_wait3A_143 = arith.constant 0 : i32
      %dma_wait3A_144 = tpu.memref_slice %arg2[%dma_wait3A_142, %dma_wait3A_143] : memref<10000x128xf32, #tpu.memory_space<hbm>> -> memref<10000x128xf32, #tpu.memory_space<hbm>>
      tpu.wait_indirect_dma semaphore(%arg7 : memref<!tpu.dma_semaphore, #tpu.memory_space<semaphore_mem>>) src(%dma_wait3A_144 : memref<10000x128xf32, #tpu.memory_space<hbm>>) dst(%dma_wait3A_140 : memref<80x128xf32, #tpu.memory_space<vmem>>)
      %mul3A_145 = arith.constant 5 : i32
      %mul3A_146 = arith.muli %scan3A_20, %mul3A_145 : i32
      %add3A_147 = arith.constant 2 : i32
      %add3A_148 = arith.addi %mul3A_146, %add3A_147 : i32
      %mul3A_149 = arith.constant 80 : i32
      %mul3A_150 = arith.muli %add3A_148, %mul3A_149 : i32
      %add3A_151 = arith.constant 2 : i32
      %add3A_152 = arith.addi %mul3A_31, %add3A_151 : i32
      %mul3A_153 = arith.constant 80 : i32
      %mul3A_154 = arith.muli %add3A_152, %mul3A_153 : i32
      %dma_wait3A_155 = arith.constant 0 : i32
      %dma_wait3A_156 = tpu.memref_slice %arg6[%mul3A_154, %dma_wait3A_155] : memref<800x128xf32, #tpu.memory_space<vmem>> -> memref<80x128xf32, #tpu.memory_space<vmem>>
      %dma_wait3A_157 = tpu.memref_slice %arg5[%mul3A_150] : memref<4000xi32, #tpu.memory_space<vmem>> -> memref<80xi32, #tpu.memory_space<vmem>>
      %dma_wait3A_158 = arith.constant 0 : i32
      %dma_wait3A_159 = arith.constant 0 : i32
      %dma_wait3A_160 = tpu.memref_slice %arg2[%dma_wait3A_158, %dma_wait3A_159] : memref<10000x128xf32, #tpu.memory_space<hbm>> -> memref<10000x128xf32, #tpu.memory_space<hbm>>
      tpu.wait_indirect_dma semaphore(%arg7 : memref<!tpu.dma_semaphore, #tpu.memory_space<semaphore_mem>>) src(%dma_wait3A_160 : memref<10000x128xf32, #tpu.memory_space<hbm>>) dst(%dma_wait3A_156 : memref<80x128xf32, #tpu.memory_space<vmem>>)
      %mul3A_161 = arith.constant 5 : i32
      %mul3A_162 = arith.muli %scan3A_20, %mul3A_161 : i32
      %add3A_163 = arith.constant 3 : i32
      %add3A_164 = arith.addi %mul3A_162, %add3A_163 : i32
      %mul3A_165 = arith.constant 80 : i32
      %mul3A_166 = arith.muli %add3A_164, %mul3A_165 : i32
      %add3A_167 = arith.constant 3 : i32
      %add3A_168 = arith.addi %mul3A_31, %add3A_167 : i32
      %mul3A_169 = arith.constant 80 : i32
      %mul3A_170 = arith.muli %add3A_168, %mul3A_169 : i32
      %dma_wait3A_171 = arith.constant 0 : i32
      %dma_wait3A_172 = tpu.memref_slice %arg6[%mul3A_170, %dma_wait3A_171] : memref<800x128xf32, #tpu.memory_space<vmem>> -> memref<80x128xf32, #tpu.memory_space<vmem>>
      %dma_wait3A_173 = tpu.memref_slice %arg5[%mul3A_166] : memref<4000xi32, #tpu.memory_space<vmem>> -> memref<80xi32, #tpu.memory_space<vmem>>
      %dma_wait3A_174 = arith.constant 0 : i32
      %dma_wait3A_175 = arith.constant 0 : i32
      %dma_wait3A_176 = tpu.memref_slice %arg2[%dma_wait3A_174, %dma_wait3A_175] : memref<10000x128xf32, #tpu.memory_space<hbm>> -> memref<10000x128xf32, #tpu.memory_space<hbm>>
      tpu.wait_indirect_dma semaphore(%arg7 : memref<!tpu.dma_semaphore, #tpu.memory_space<semaphore_mem>>) src(%dma_wait3A_176 : memref<10000x128xf32, #tpu.memory_space<hbm>>) dst(%dma_wait3A_172 : memref<80x128xf32, #tpu.memory_space<vmem>>)
      %mul3A_177 = arith.constant 5 : i32
      %mul3A_178 = arith.muli %scan3A_20, %mul3A_177 : i32
      %add3A_179 = arith.constant 4 : i32
      %add3A_180 = arith.addi %mul3A_178, %add3A_179 : i32
      %mul3A_181 = arith.constant 80 : i32
      %mul3A_182 = arith.muli %add3A_180, %mul3A_181 : i32
      %add3A_183 = arith.constant 4 : i32
      %add3A_184 = arith.addi %mul3A_31, %add3A_183 : i32
      %mul3A_185 = arith.constant 80 : i32
      %mul3A_186 = arith.muli %add3A_184, %mul3A_185 : i32
      %dma_wait3A_187 = arith.constant 0 : i32
      %dma_wait3A_188 = tpu.memref_slice %arg6[%mul3A_186, %dma_wait3A_187] : memref<800x128xf32, #tpu.memory_space<vmem>> -> memref<80x128xf32, #tpu.memory_space<vmem>>
      %dma_wait3A_189 = tpu.memref_slice %arg5[%mul3A_182] : memref<4000xi32, #tpu.memory_space<vmem>> -> memref<80xi32, #tpu.memory_space<vmem>>
      %dma_wait3A_190 = arith.constant 0 : i32
      %dma_wait3A_191 = arith.constant 0 : i32
      %dma_wait3A_192 = tpu.memref_slice %arg2[%dma_wait3A_190, %dma_wait3A_191] : memref<10000x128xf32, #tpu.memory_space<hbm>> -> memref<10000x128xf32, #tpu.memory_space<hbm>>
      tpu.wait_indirect_dma semaphore(%arg7 : memref<!tpu.dma_semaphore, #tpu.memory_space<semaphore_mem>>) src(%dma_wait3A_192 : memref<10000x128xf32, #tpu.memory_space<hbm>>) dst(%dma_wait3A_188 : memref<80x128xf32, #tpu.memory_space<vmem>>)
      %mul3A_193 = arith.constant 80 : i32
      %mul3A_194 = arith.muli %mul3A_31, %mul3A_193 : i32
      %mul3A_195 = arith.constant 5 : i32
      %mul3A_196 = arith.muli %scan3A_20, %mul3A_195 : i32
      %add3A_197 = arith.addi %mul3A_0, %mul3A_196 : i32
      %mul3A_198 = arith.constant 80 : i32
      %mul3A_199 = arith.muli %add3A_197, %mul3A_198 : i32
      %dma_start3A_200 = arith.constant 0 : i32
      %dma_start3A_201 = tpu.memref_slice %arg6[%mul3A_194, %dma_start3A_200] : memref<800x128xf32, #tpu.memory_space<vmem>> -> memref<400x128xf32, #tpu.memory_space<vmem>>
      %dma_start3A_202 = arith.constant 0 : i32
      %dma_start3A_203 = tpu.memref_slice %arg4[%mul3A_199, %dma_start3A_202] : memref<64000x128xf32, #tpu.memory_space<hbm>> -> memref<400x128xf32, #tpu.memory_space<hbm>>
      %dma_start3A_204 = arith.constant 0 : i32
      %dma_start3A_205 = tpu.memref_slice %arg4[%mul3A_199, %dma_start3A_204] : memref<64000x128xf32, #tpu.memory_space<hbm>> -> memref<400x128xf32, #tpu.memory_space<hbm>>
      %dma_start3A_206 = arith.constant 0 : i32
      %dma_start3A_207 = tpu.memref_slice %arg6[%mul3A_194, %dma_start3A_206] : memref<800x128xf32, #tpu.memory_space<vmem>> -> memref<400x128xf32, #tpu.memory_space<vmem>>
      tpu.enqueue_dma source(%dma_start3A_207 : memref<400x128xf32, #tpu.memory_space<vmem>>) target(%dma_start3A_205 : memref<400x128xf32, #tpu.memory_space<hbm>>) target_semaphore(%arg8 : memref<!tpu.dma_semaphore, #tpu.memory_space<semaphore_mem>>)
    }
    %scan3A_7 = arith.constant 10 : i32
    %add3A = arith.constant 45 : i32
    %add3A_8 = arith.addi %mul3A_0, %add3A : i32
    %mul3A_9 = arith.constant 80 : i32
    %mul3A_10 = arith.muli %add3A_8, %mul3A_9 : i32
    %dma_wait3A = arith.constant 400 : i32
    %dma_wait3A_11 = arith.constant 0 : i32
    %dma_wait3A_12 = tpu.memref_slice %arg6[%dma_wait3A, %dma_wait3A_11] : memref<800x128xf32, #tpu.memory_space<vmem>> -> memref<400x128xf32, #tpu.memory_space<vmem>>
    %dma_wait3A_13 = arith.constant 0 : i32
    %dma_wait3A_14 = tpu.memref_slice %arg4[%mul3A_10, %dma_wait3A_13] : memref<64000x128xf32, #tpu.memory_space<hbm>> -> memref<400x128xf32, #tpu.memory_space<hbm>>
    %dma_wait3A_15 = arith.constant 0 : i32
    %dma_wait3A_16 = tpu.memref_slice %arg4[%mul3A_10, %dma_wait3A_15] : memref<64000x128xf32, #tpu.memory_space<hbm>> -> memref<400x128xf32, #tpu.memory_space<hbm>>
    %dma_wait3A_17 = arith.constant 400 : i32
    %dma_wait3A_18 = arith.constant 0 : i32
    %dma_wait3A_19 = tpu.memref_slice %arg6[%dma_wait3A_17, %dma_wait3A_18] : memref<800x128xf32, #tpu.memory_space<vmem>> -> memref<400x128xf32, #tpu.memory_space<vmem>>
    tpu.wait_dma2 semaphore(%arg8 : memref<!tpu.dma_semaphore, #tpu.memory_space<semaphore_mem>>) src(%dma_wait3A_19 : memref<400x128xf32, #tpu.memory_space<vmem>>) dst(%dma_wait3A_16 : memref<400x128xf32, #tpu.memory_space<hbm>>)
    return
  }
}

#map = affine_map<(d0, d1) -> (0, 0)>
#map1 = affine_map<(d0, d1) -> (0)>
module attributes {stable_mosaic.version = 14 : i64} {
  func.func @_sc_gather_body(%arg0: i32, %arg1: i32, %arg2: memref<10000x128xf32, #tpu.memory_space<hbm>>, %arg3: memref<64000xi32, #tpu.memory_space<hbm>>, %arg4: memref<64000x128xf32, #tpu.memory_space<hbm>>, %arg5: memref<4000xi32, #tpu.memory_space<vmem>>, %arg6: memref<800x128xf32, #tpu.memory_space<vmem>>, %arg7: memref<!tpu.dma_semaphore, #tpu.memory_space<semaphore_mem>>, %arg8: memref<!tpu.dma_semaphore, #tpu.memory_space<semaphore_mem>>) attributes {dimension_semantics = [#tpu.dimension_semantics<core_parallel>, #tpu.dimension_semantics<subcore_parallel>], iteration_bounds = array<i64: 1, 16>, scalar_prefetch = 0 : i64, scratch_operands = 4 : i64, tpu.core_type = #tpu.core_type<sc_vector_subcore>, window_params = [{transform_indices = #map}, {transform_indices = #map1}, {transform_indices = #map}]} {
    %mul3A = arith.constant 50 : i32
    %mul3A_0 = arith.muli %arg1, %mul3A : i32
    %mul3A_1 = arith.constant 80 : i32
    %mul3A_2 = arith.muli %mul3A_0, %mul3A_1 : i32
    "tpu.region"() ({
      %run_scoped3A = tpu.sem_alloc : memref<!tpu.dma_semaphore, #tpu.memory_space<semaphore_mem>>
      %dma_start3A = tpu.memref_slice %arg3[%mul3A_2] : memref<64000xi32, #tpu.memory_space<hbm>> -> memref<4000xi32, #tpu.memory_space<hbm>>
      %dma_start3A_20 = tpu.memref_slice %arg3[%mul3A_2] : memref<64000xi32, #tpu.memory_space<hbm>> -> memref<4000xi32, #tpu.memory_space<hbm>>
      tpu.enqueue_dma source(%dma_start3A_20 : memref<4000xi32, #tpu.memory_space<hbm>>) target(%arg5 : memref<4000xi32, #tpu.memory_space<vmem>>) target_semaphore(%run_scoped3A : memref<!tpu.dma_semaphore, #tpu.memory_space<semaphore_mem>>)
      %dma_wait3A_21 = tpu.memref_slice %arg3[%mul3A_2] : memref<64000xi32, #tpu.memory_space<hbm>> -> memref<4000xi32, #tpu.memory_space<hbm>>
      %dma_wait3A_22 = tpu.memref_slice %arg3[%mul3A_2] : memref<64000xi32, #tpu.memory_space<hbm>> -> memref<4000xi32, #tpu.memory_space<hbm>>
      tpu.wait_dma2 semaphore(%run_scoped3A : memref<!tpu.dma_semaphore, #tpu.memory_space<semaphore_mem>>) src(%dma_wait3A_22 : memref<4000xi32, #tpu.memory_space<hbm>>) dst(%arg5 : memref<4000xi32, #tpu.memory_space<vmem>>)
      tpu.yield
    }) : () -> ()
    %scan3A = arith.constant 0 : i32
    %scan3A_3 = arith.constant 0 : i32
    %scan3A_4 = arith.constant 10 : i32
    %scan3A_5 = arith.addi %scan3A_3, %scan3A_4 : i32
    %scan3A_6 = arith.constant 1 : i32
    scf.for %scan3A_20 = %scan3A_3 to %scan3A_5 step %scan3A_6  : i32 {
      %jit3A = arith.constant 2 : i32
      %eq3A = arith.constant 0 : i32
      %eq3A_21 = arith.cmpi eq, %jit3A, %eq3A : i32
      %jit3A_22 = arith.constant 1 : i32
      %select_n3A = arith.select %eq3A_21, %jit3A_22, %jit3A : i32
      %rem3A = arith.remsi %scan3A_20, %select_n3A : i32
      %ne3A = arith.constant 0 : i32
      %ne3A_23 = arith.cmpi ne, %rem3A, %ne3A : i32
      %lt3A = arith.constant 0 : i32
      %lt3A_24 = arith.cmpi slt, %rem3A, %lt3A : i32
      %lt3A_25 = arith.constant 0 : i32
      %lt3A_26 = arith.cmpi slt, %select_n3A, %lt3A_25 : i32
      %ne3A_27 = arith.xori %lt3A_24, %lt3A_26 : i1
      %and3A = arith.andi %ne3A_27, %ne3A_23 : i1
      %add3A_28 = arith.addi %rem3A, %select_n3A : i32
      %select_n3A_29 = arith.select %and3A, %add3A_28, %rem3A : i32
      %mul3A_30 = arith.constant 5 : i32
      %mul3A_31 = arith.muli %select_n3A_29, %mul3A_30 : i32
      %mul3A_32 = arith.constant 5 : i32
      %mul3A_33 = arith.muli %scan3A_20, %mul3A_32 : i32
      %add3A_34 = arith.constant 0 : i32
      %add3A_35 = arith.addi %mul3A_33, %add3A_34 : i32
      %mul3A_36 = arith.constant 80 : i32
      %mul3A_37 = arith.muli %add3A_35, %mul3A_36 : i32
      %add3A_38 = arith.constant 0 : i32
      %add3A_39 = arith.addi %mul3A_31, %add3A_38 : i32
      %mul3A_40 = arith.constant 80 : i32
      %mul3A_41 = arith.muli %add3A_39, %mul3A_40 : i32
      %dma_start3A = arith.constant 0 : i32
      %dma_start3A_42 = tpu.memref_slice %arg6[%mul3A_41, %dma_start3A] : memref<800x128xf32, #tpu.memory_space<vmem>> -> memref<80x128xf32, #tpu.memory_space<vmem>>
      %dma_start3A_43 = tpu.memref_slice %arg5[%mul3A_37] : memref<4000xi32, #tpu.memory_space<vmem>> -> memref<80xi32, #tpu.memory_space<vmem>>
      %dma_start3A_44 = arith.constant 0 : i32
      %dma_start3A_45 = arith.constant 0 : i32
      %dma_start3A_46 = tpu.memref_slice %arg2[%dma_start3A_44, %dma_start3A_45] : memref<10000x128xf32, #tpu.memory_space<hbm>> -> memref<10000x128xf32, #tpu.memory_space<hbm>>
      tpu.enqueue_indirect_dma source(%dma_start3A_46 : memref<10000x128xf32, #tpu.memory_space<hbm>>) target(%dma_start3A_42 : memref<80x128xf32, #tpu.memory_space<vmem>>) offsets(%dma_start3A_43 : memref<80xi32, #tpu.memory_space<vmem>>) semaphore(%arg7 : memref<!tpu.dma_semaphore, #tpu.memory_space<semaphore_mem>>)
      %mul3A_47 = arith.constant 5 : i32
      %mul3A_48 = arith.muli %scan3A_20, %mul3A_47 : i32
      %add3A_49 = arith.constant 1 : i32
      %add3A_50 = arith.addi %mul3A_48, %add3A_49 : i32
      %mul3A_51 = arith.constant 80 : i32
      %mul3A_52 = arith.muli %add3A_50, %mul3A_51 : i32
      %add3A_53 = arith.constant 1 : i32
      %add3A_54 = arith.addi %mul3A_31, %add3A_53 : i32
      %mul3A_55 = arith.constant 80 : i32
      %mul3A_56 = arith.muli %add3A_54, %mul3A_55 : i32
      %dma_start3A_57 = arith.constant 0 : i32
      %dma_start3A_58 = tpu.memref_slice %arg6[%mul3A_56, %dma_start3A_57] : memref<800x128xf32, #tpu.memory_space<vmem>> -> memref<80x128xf32, #tpu.memory_space<vmem>>
      %dma_start3A_59 = tpu.memref_slice %arg5[%mul3A_52] : memref<4000xi32, #tpu.memory_space<vmem>> -> memref<80xi32, #tpu.memory_space<vmem>>
      %dma_start3A_60 = arith.constant 0 : i32
      %dma_start3A_61 = arith.constant 0 : i32
      %dma_start3A_62 = tpu.memref_slice %arg2[%dma_start3A_60, %dma_start3A_61] : memref<10000x128xf32, #tpu.memory_space<hbm>> -> memref<10000x128xf32, #tpu.memory_space<hbm>>
      tpu.enqueue_indirect_dma source(%dma_start3A_62 : memref<10000x128xf32, #tpu.memory_space<hbm>>) target(%dma_start3A_58 : memref<80x128xf32, #tpu.memory_space<vmem>>) offsets(%dma_start3A_59 : memref<80xi32, #tpu.memory_space<vmem>>) semaphore(%arg7 : memref<!tpu.dma_semaphore, #tpu.memory_space<semaphore_mem>>)
      %mul3A_63 = arith.constant 5 : i32
      %mul3A_64 = arith.muli %scan3A_20, %mul3A_63 : i32
      %add3A_65 = arith.constant 2 : i32
      %add3A_66 = arith.addi %mul3A_64, %add3A_65 : i32
      %mul3A_67 = arith.constant 80 : i32
      %mul3A_68 = arith.muli %add3A_66, %mul3A_67 : i32
      %add3A_69 = arith.constant 2 : i32
      %add3A_70 = arith.addi %mul3A_31, %add3A_69 : i32
      %mul3A_71 = arith.constant 80 : i32
      %mul3A_72 = arith.muli %add3A_70, %mul3A_71 : i32
      %dma_start3A_73 = arith.constant 0 : i32
      %dma_start3A_74 = tpu.memref_slice %arg6[%mul3A_72, %dma_start3A_73] : memref<800x128xf32, #tpu.memory_space<vmem>> -> memref<80x128xf32, #tpu.memory_space<vmem>>
      %dma_start3A_75 = tpu.memref_slice %arg5[%mul3A_68] : memref<4000xi32, #tpu.memory_space<vmem>> -> memref<80xi32, #tpu.memory_space<vmem>>
      %dma_start3A_76 = arith.constant 0 : i32
      %dma_start3A_77 = arith.constant 0 : i32
      %dma_start3A_78 = tpu.memref_slice %arg2[%dma_start3A_76, %dma_start3A_77] : memref<10000x128xf32, #tpu.memory_space<hbm>> -> memref<10000x128xf32, #tpu.memory_space<hbm>>
      tpu.enqueue_indirect_dma source(%dma_start3A_78 : memref<10000x128xf32, #tpu.memory_space<hbm>>) target(%dma_start3A_74 : memref<80x128xf32, #tpu.memory_space<vmem>>) offsets(%dma_start3A_75 : memref<80xi32, #tpu.memory_space<vmem>>) semaphore(%arg7 : memref<!tpu.dma_semaphore, #tpu.memory_space<semaphore_mem>>)
      %mul3A_79 = arith.constant 5 : i32
      %mul3A_80 = arith.muli %scan3A_20, %mul3A_79 : i32
      %add3A_81 = arith.constant 3 : i32
      %add3A_82 = arith.addi %mul3A_80, %add3A_81 : i32
      %mul3A_83 = arith.constant 80 : i32
      %mul3A_84 = arith.muli %add3A_82, %mul3A_83 : i32
      %add3A_85 = arith.constant 3 : i32
      %add3A_86 = arith.addi %mul3A_31, %add3A_85 : i32
      %mul3A_87 = arith.constant 80 : i32
      %mul3A_88 = arith.muli %add3A_86, %mul3A_87 : i32
      %dma_start3A_89 = arith.constant 0 : i32
      %dma_start3A_90 = tpu.memref_slice %arg6[%mul3A_88, %dma_start3A_89] : memref<800x128xf32, #tpu.memory_space<vmem>> -> memref<80x128xf32, #tpu.memory_space<vmem>>
      %dma_start3A_91 = tpu.memref_slice %arg5[%mul3A_84] : memref<4000xi32, #tpu.memory_space<vmem>> -> memref<80xi32, #tpu.memory_space<vmem>>
      %dma_start3A_92 = arith.constant 0 : i32
      %dma_start3A_93 = arith.constant 0 : i32
      %dma_start3A_94 = tpu.memref_slice %arg2[%dma_start3A_92, %dma_start3A_93] : memref<10000x128xf32, #tpu.memory_space<hbm>> -> memref<10000x128xf32, #tpu.memory_space<hbm>>
      tpu.enqueue_indirect_dma source(%dma_start3A_94 : memref<10000x128xf32, #tpu.memory_space<hbm>>) target(%dma_start3A_90 : memref<80x128xf32, #tpu.memory_space<vmem>>) offsets(%dma_start3A_91 : memref<80xi32, #tpu.memory_space<vmem>>) semaphore(%arg7 : memref<!tpu.dma_semaphore, #tpu.memory_space<semaphore_mem>>)
      %mul3A_95 = arith.constant 5 : i32
      %mul3A_96 = arith.muli %scan3A_20, %mul3A_95 : i32
      %add3A_97 = arith.constant 4 : i32
      %add3A_98 = arith.addi %mul3A_96, %add3A_97 : i32
      %mul3A_99 = arith.constant 80 : i32
      %mul3A_100 = arith.muli %add3A_98, %mul3A_99 : i32
      %add3A_101 = arith.constant 4 : i32
      %add3A_102 = arith.addi %mul3A_31, %add3A_101 : i32
      %mul3A_103 = arith.constant 80 : i32
      %mul3A_104 = arith.muli %add3A_102, %mul3A_103 : i32
      %dma_start3A_105 = arith.constant 0 : i32
      %dma_start3A_106 = tpu.memref_slice %arg6[%mul3A_104, %dma_start3A_105] : memref<800x128xf32, #tpu.memory_space<vmem>> -> memref<80x128xf32, #tpu.memory_space<vmem>>
      %dma_start3A_107 = tpu.memref_slice %arg5[%mul3A_100] : memref<4000xi32, #tpu.memory_space<vmem>> -> memref<80xi32, #tpu.memory_space<vmem>>
      %dma_start3A_108 = arith.constant 0 : i32
      %dma_start3A_109 = arith.constant 0 : i32
      %dma_start3A_110 = tpu.memref_slice %arg2[%dma_start3A_108, %dma_start3A_109] : memref<10000x128xf32, #tpu.memory_space<hbm>> -> memref<10000x128xf32, #tpu.memory_space<hbm>>
      tpu.enqueue_indirect_dma source(%dma_start3A_110 : memref<10000x128xf32, #tpu.memory_space<hbm>>) target(%dma_start3A_106 : memref<80x128xf32, #tpu.memory_space<vmem>>) offsets(%dma_start3A_107 : memref<80xi32, #tpu.memory_space<vmem>>) semaphore(%arg7 : memref<!tpu.dma_semaphore, #tpu.memory_space<semaphore_mem>>)
      %gt3A = arith.constant 0 : i32
      %gt3A_111 = arith.cmpi sgt, %scan3A_20, %gt3A : i32
      %convert_element_type3A = arith.extui %gt3A_111 : i1 to i32
      %cond3A = arith.constant 0 : i32
      %cond3A_112 = arith.cmpi ne, %convert_element_type3A, %cond3A : i32
      scf.if %cond3A_112 {
        %sub3A = arith.constant 5 : i32
        %sub3A_208 = arith.subi %sub3A, %mul3A_31 : i32
        %mul3A_209 = arith.constant 80 : i32
        %mul3A_210 = arith.muli %sub3A_208, %mul3A_209 : i32
        %sub3A_211 = arith.constant 1 : i32
        %sub3A_212 = arith.subi %scan3A_20, %sub3A_211 : i32
        %mul3A_213 = arith.constant 5 : i32
        %mul3A_214 = arith.muli %sub3A_212, %mul3A_213 : i32
        %add3A_215 = arith.addi %mul3A_0, %mul3A_214 : i32
        %mul3A_216 = arith.constant 80 : i32
        %mul3A_217 = arith.muli %add3A_215, %mul3A_216 : i32
        %dma_wait3A_218 = arith.constant 0 : i32
        %dma_wait3A_219 = tpu.memref_slice %arg6[%mul3A_210, %dma_wait3A_218] : memref<800x128xf32, #tpu.memory_space<vmem>> -> memref<400x128xf32, #tpu.memory_space<vmem>>
        %dma_wait3A_220 = arith.constant 0 : i32
        %dma_wait3A_221 = tpu.memref_slice %arg4[%mul3A_217, %dma_wait3A_220] : memref<64000x128xf32, #tpu.memory_space<hbm>> -> memref<400x128xf32, #tpu.memory_space<hbm>>
        %dma_wait3A_222 = arith.constant 0 : i32
        %dma_wait3A_223 = tpu.memref_slice %arg4[%mul3A_217, %dma_wait3A_222] : memref<64000x128xf32, #tpu.memory_space<hbm>> -> memref<400x128xf32, #tpu.memory_space<hbm>>
        %dma_wait3A_224 = arith.constant 0 : i32
        %dma_wait3A_225 = tpu.memref_slice %arg6[%mul3A_210, %dma_wait3A_224] : memref<800x128xf32, #tpu.memory_space<vmem>> -> memref<400x128xf32, #tpu.memory_space<vmem>>
        tpu.wait_dma2 semaphore(%arg8 : memref<!tpu.dma_semaphore, #tpu.memory_space<semaphore_mem>>) src(%dma_wait3A_225 : memref<400x128xf32, #tpu.memory_space<vmem>>) dst(%dma_wait3A_223 : memref<400x128xf32, #tpu.memory_space<hbm>>)
      } else {
      }
      %mul3A_113 = arith.constant 5 : i32
      %mul3A_114 = arith.muli %scan3A_20, %mul3A_113 : i32
      %add3A_115 = arith.constant 0 : i32
      %add3A_116 = arith.addi %mul3A_114, %add3A_115 : i32
      %mul3A_117 = arith.constant 80 : i32
      %mul3A_118 = arith.muli %add3A_116, %mul3A_117 : i32
      %add3A_119 = arith.constant 0 : i32
      %add3A_120 = arith.addi %mul3A_31, %add3A_119 : i32
      %mul3A_121 = arith.constant 80 : i32
      %mul3A_122 = arith.muli %add3A_120, %mul3A_121 : i32
      %dma_wait3A_123 = arith.constant 0 : i32
      %dma_wait3A_124 = tpu.memref_slice %arg6[%mul3A_122, %dma_wait3A_123] : memref<800x128xf32, #tpu.memory_space<vmem>> -> memref<80x128xf32, #tpu.memory_space<vmem>>
      %dma_wait3A_125 = tpu.memref_slice %arg5[%mul3A_118] : memref<4000xi32, #tpu.memory_space<vmem>> -> memref<80xi32, #tpu.memory_space<vmem>>
      %dma_wait3A_126 = arith.constant 0 : i32
      %dma_wait3A_127 = arith.constant 0 : i32
      %dma_wait3A_128 = tpu.memref_slice %arg2[%dma_wait3A_126, %dma_wait3A_127] : memref<10000x128xf32, #tpu.memory_space<hbm>> -> memref<10000x128xf32, #tpu.memory_space<hbm>>
      tpu.wait_indirect_dma semaphore(%arg7 : memref<!tpu.dma_semaphore, #tpu.memory_space<semaphore_mem>>) src(%dma_wait3A_128 : memref<10000x128xf32, #tpu.memory_space<hbm>>) dst(%dma_wait3A_124 : memref<80x128xf32, #tpu.memory_space<vmem>>)
      %mul3A_129 = arith.constant 5 : i32
      %mul3A_130 = arith.muli %scan3A_20, %mul3A_129 : i32
      %add3A_131 = arith.constant 1 : i32
      %add3A_132 = arith.addi %mul3A_130, %add3A_131 : i32
      %mul3A_133 = arith.constant 80 : i32
      %mul3A_134 = arith.muli %add3A_132, %mul3A_133 : i32
      %add3A_135 = arith.constant 1 : i32
      %add3A_136 = arith.addi %mul3A_31, %add3A_135 : i32
      %mul3A_137 = arith.constant 80 : i32
      %mul3A_138 = arith.muli %add3A_136, %mul3A_137 : i32
      %dma_wait3A_139 = arith.constant 0 : i32
      %dma_wait3A_140 = tpu.memref_slice %arg6[%mul3A_138, %dma_wait3A_139] : memref<800x128xf32, #tpu.memory_space<vmem>> -> memref<80x128xf32, #tpu.memory_space<vmem>>
      %dma_wait3A_141 = tpu.memref_slice %arg5[%mul3A_134] : memref<4000xi32, #tpu.memory_space<vmem>> -> memref<80xi32, #tpu.memory_space<vmem>>
      %dma_wait3A_142 = arith.constant 0 : i32
      %dma_wait3A_143 = arith.constant 0 : i32
      %dma_wait3A_144 = tpu.memref_slice %arg2[%dma_wait3A_142, %dma_wait3A_143] : memref<10000x128xf32, #tpu.memory_space<hbm>> -> memref<10000x128xf32, #tpu.memory_space<hbm>>
      tpu.wait_indirect_dma semaphore(%arg7 : memref<!tpu.dma_semaphore, #tpu.memory_space<semaphore_mem>>) src(%dma_wait3A_144 : memref<10000x128xf32, #tpu.memory_space<hbm>>) dst(%dma_wait3A_140 : memref<80x128xf32, #tpu.memory_space<vmem>>)
      %mul3A_145 = arith.constant 5 : i32
      %mul3A_146 = arith.muli %scan3A_20, %mul3A_145 : i32
      %add3A_147 = arith.constant 2 : i32
      %add3A_148 = arith.addi %mul3A_146, %add3A_147 : i32
      %mul3A_149 = arith.constant 80 : i32
      %mul3A_150 = arith.muli %add3A_148, %mul3A_149 : i32
      %add3A_151 = arith.constant 2 : i32
      %add3A_152 = arith.addi %mul3A_31, %add3A_151 : i32
      %mul3A_153 = arith.constant 80 : i32
      %mul3A_154 = arith.muli %add3A_152, %mul3A_153 : i32
      %dma_wait3A_155 = arith.constant 0 : i32
      %dma_wait3A_156 = tpu.memref_slice %arg6[%mul3A_154, %dma_wait3A_155] : memref<800x128xf32, #tpu.memory_space<vmem>> -> memref<80x128xf32, #tpu.memory_space<vmem>>
      %dma_wait3A_157 = tpu.memref_slice %arg5[%mul3A_150] : memref<4000xi32, #tpu.memory_space<vmem>> -> memref<80xi32, #tpu.memory_space<vmem>>
      %dma_wait3A_158 = arith.constant 0 : i32
      %dma_wait3A_159 = arith.constant 0 : i32
      %dma_wait3A_160 = tpu.memref_slice %arg2[%dma_wait3A_158, %dma_wait3A_159] : memref<10000x128xf32, #tpu.memory_space<hbm>> -> memref<10000x128xf32, #tpu.memory_space<hbm>>
      tpu.wait_indirect_dma semaphore(%arg7 : memref<!tpu.dma_semaphore, #tpu.memory_space<semaphore_mem>>) src(%dma_wait3A_160 : memref<10000x128xf32, #tpu.memory_space<hbm>>) dst(%dma_wait3A_156 : memref<80x128xf32, #tpu.memory_space<vmem>>)
      %mul3A_161 = arith.constant 5 : i32
      %mul3A_162 = arith.muli %scan3A_20, %mul3A_161 : i32
      %add3A_163 = arith.constant 3 : i32
      %add3A_164 = arith.addi %mul3A_162, %add3A_163 : i32
      %mul3A_165 = arith.constant 80 : i32
      %mul3A_166 = arith.muli %add3A_164, %mul3A_165 : i32
      %add3A_167 = arith.constant 3 : i32
      %add3A_168 = arith.addi %mul3A_31, %add3A_167 : i32
      %mul3A_169 = arith.constant 80 : i32
      %mul3A_170 = arith.muli %add3A_168, %mul3A_169 : i32
      %dma_wait3A_171 = arith.constant 0 : i32
      %dma_wait3A_172 = tpu.memref_slice %arg6[%mul3A_170, %dma_wait3A_171] : memref<800x128xf32, #tpu.memory_space<vmem>> -> memref<80x128xf32, #tpu.memory_space<vmem>>
      %dma_wait3A_173 = tpu.memref_slice %arg5[%mul3A_166] : memref<4000xi32, #tpu.memory_space<vmem>> -> memref<80xi32, #tpu.memory_space<vmem>>
      %dma_wait3A_174 = arith.constant 0 : i32
      %dma_wait3A_175 = arith.constant 0 : i32
      %dma_wait3A_176 = tpu.memref_slice %arg2[%dma_wait3A_174, %dma_wait3A_175] : memref<10000x128xf32, #tpu.memory_space<hbm>> -> memref<10000x128xf32, #tpu.memory_space<hbm>>
      tpu.wait_indirect_dma semaphore(%arg7 : memref<!tpu.dma_semaphore, #tpu.memory_space<semaphore_mem>>) src(%dma_wait3A_176 : memref<10000x128xf32, #tpu.memory_space<hbm>>) dst(%dma_wait3A_172 : memref<80x128xf32, #tpu.memory_space<vmem>>)
      %mul3A_177 = arith.constant 5 : i32
      %mul3A_178 = arith.muli %scan3A_20, %mul3A_177 : i32
      %add3A_179 = arith.constant 4 : i32
      %add3A_180 = arith.addi %mul3A_178, %add3A_179 : i32
      %mul3A_181 = arith.constant 80 : i32
      %mul3A_182 = arith.muli %add3A_180, %mul3A_181 : i32
      %add3A_183 = arith.constant 4 : i32
      %add3A_184 = arith.addi %mul3A_31, %add3A_183 : i32
      %mul3A_185 = arith.constant 80 : i32
      %mul3A_186 = arith.muli %add3A_184, %mul3A_185 : i32
      %dma_wait3A_187 = arith.constant 0 : i32
      %dma_wait3A_188 = tpu.memref_slice %arg6[%mul3A_186, %dma_wait3A_187] : memref<800x128xf32, #tpu.memory_space<vmem>> -> memref<80x128xf32, #tpu.memory_space<vmem>>
      %dma_wait3A_189 = tpu.memref_slice %arg5[%mul3A_182] : memref<4000xi32, #tpu.memory_space<vmem>> -> memref<80xi32, #tpu.memory_space<vmem>>
      %dma_wait3A_190 = arith.constant 0 : i32
      %dma_wait3A_191 = arith.constant 0 : i32
      %dma_wait3A_192 = tpu.memref_slice %arg2[%dma_wait3A_190, %dma_wait3A_191] : memref<10000x128xf32, #tpu.memory_space<hbm>> -> memref<10000x128xf32, #tpu.memory_space<hbm>>
      tpu.wait_indirect_dma semaphore(%arg7 : memref<!tpu.dma_semaphore, #tpu.memory_space<semaphore_mem>>) src(%dma_wait3A_192 : memref<10000x128xf32, #tpu.memory_space<hbm>>) dst(%dma_wait3A_188 : memref<80x128xf32, #tpu.memory_space<vmem>>)
      %mul3A_193 = arith.constant 80 : i32
      %mul3A_194 = arith.muli %mul3A_31, %mul3A_193 : i32
      %mul3A_195 = arith.constant 5 : i32
      %mul3A_196 = arith.muli %scan3A_20, %mul3A_195 : i32
      %add3A_197 = arith.addi %mul3A_0, %mul3A_196 : i32
      %mul3A_198 = arith.constant 80 : i32
      %mul3A_199 = arith.muli %add3A_197, %mul3A_198 : i32
      %dma_start3A_200 = arith.constant 0 : i32
      %dma_start3A_201 = tpu.memref_slice %arg6[%mul3A_194, %dma_start3A_200] : memref<800x128xf32, #tpu.memory_space<vmem>> -> memref<400x128xf32, #tpu.memory_space<vmem>>
      %dma_start3A_202 = arith.constant 0 : i32
      %dma_start3A_203 = tpu.memref_slice %arg4[%mul3A_199, %dma_start3A_202] : memref<64000x128xf32, #tpu.memory_space<hbm>> -> memref<400x128xf32, #tpu.memory_space<hbm>>
      %dma_start3A_204 = arith.constant 0 : i32
      %dma_start3A_205 = tpu.memref_slice %arg4[%mul3A_199, %dma_start3A_204] : memref<64000x128xf32, #tpu.memory_space<hbm>> -> memref<400x128xf32, #tpu.memory_space<hbm>>
      %dma_start3A_206 = arith.constant 0 : i32
      %dma_start3A_207 = tpu.memref_slice %arg6[%mul3A_194, %dma_start3A_206] : memref<800x128xf32, #tpu.memory_space<vmem>> -> memref<400x128xf32, #tpu.memory_space<vmem>>
      tpu.enqueue_dma source(%dma_start3A_207 : memref<400x128xf32, #tpu.memory_space<vmem>>) target(%dma_start3A_205 : memref<400x128xf32, #tpu.memory_space<hbm>>) target_semaphore(%arg8 : memref<!tpu.dma_semaphore, #tpu.memory_space<semaphore_mem>>)
    }
    %scan3A_7 = arith.constant 10 : i32
    %add3A = arith.constant 45 : i32
    %add3A_8 = arith.addi %mul3A_0, %add3A : i32
    %mul3A_9 = arith.constant 80 : i32
    %mul3A_10 = arith.muli %add3A_8, %mul3A_9 : i32
    %dma_wait3A = arith.constant 400 : i32
    %dma_wait3A_11 = arith.constant 0 : i32
    %dma_wait3A_12 = tpu.memref_slice %arg6[%dma_wait3A, %dma_wait3A_11] : memref<800x128xf32, #tpu.memory_space<vmem>> -> memref<400x128xf32, #tpu.memory_space<vmem>>
    %dma_wait3A_13 = arith.constant 0 : i32
    %dma_wait3A_14 = tpu.memref_slice %arg4[%mul3A_10, %dma_wait3A_13] : memref<64000x128xf32, #tpu.memory_space<hbm>> -> memref<400x128xf32, #tpu.memory_space<hbm>>
    %dma_wait3A_15 = arith.constant 0 : i32
    %dma_wait3A_16 = tpu.memref_slice %arg4[%mul3A_10, %dma_wait3A_15] : memref<64000x128xf32, #tpu.memory_space<hbm>> -> memref<400x128xf32, #tpu.memory_space<hbm>>
    %dma_wait3A_17 = arith.constant 400 : i32
    %dma_wait3A_18 = arith.constant 0 : i32
    %dma_wait3A_19 = tpu.memref_slice %arg6[%dma_wait3A_17, %dma_wait3A_18] : memref<800x128xf32, #tpu.memory_space<vmem>> -> memref<400x128xf32, #tpu.memory_space<vmem>>
    tpu.wait_dma2 semaphore(%arg8 : memref<!tpu.dma_semaphore, #tpu.memory_space<semaphore_mem>>) src(%dma_wait3A_19 : memref<400x128xf32, #tpu.memory_space<vmem>>) dst(%dma_wait3A_16 : memref<400x128xf32, #tpu.memory_space<hbm>>)
    return
  }
}

#map = affine_map<(d0, d1) -> (0, 0)>
#map1 = affine_map<(d0, d1) -> (0)>
module attributes {stable_mosaic.version = 14 : i64} {
  func.func @_sc_gather_body(%arg0: i32, %arg1: i32, %arg2: memref<10000x128xf32, #tpu.memory_space<hbm>>, %arg3: memref<64000xi32, #tpu.memory_space<hbm>>, %arg4: memref<64000x128xf32, #tpu.memory_space<hbm>>, %arg5: memref<4000xi32, #tpu.memory_space<vmem>>, %arg6: memref<800x128xf32, #tpu.memory_space<vmem>>, %arg7: memref<!tpu.dma_semaphore, #tpu.memory_space<semaphore_mem>>, %arg8: memref<!tpu.dma_semaphore, #tpu.memory_space<semaphore_mem>>) attributes {dimension_semantics = [#tpu.dimension_semantics<core_parallel>, #tpu.dimension_semantics<subcore_parallel>], iteration_bounds = array<i64: 1, 16>, scalar_prefetch = 0 : i64, scratch_operands = 4 : i64, tpu.core_type = #tpu.core_type<sc_vector_subcore>, window_params = [{transform_indices = #map}, {transform_indices = #map1}, {transform_indices = #map}]} {
    %mul3A = arith.constant 50 : i32
    %mul3A_0 = arith.muli %arg1, %mul3A : i32
    %mul3A_1 = arith.constant 80 : i32
    %mul3A_2 = arith.muli %mul3A_0, %mul3A_1 : i32
    "tpu.region"() ({
      %run_scoped3A = tpu.sem_alloc : memref<!tpu.dma_semaphore, #tpu.memory_space<semaphore_mem>>
      %dma_start3A = tpu.memref_slice %arg3[%mul3A_2] : memref<64000xi32, #tpu.memory_space<hbm>> -> memref<4000xi32, #tpu.memory_space<hbm>>
      %dma_start3A_20 = tpu.memref_slice %arg3[%mul3A_2] : memref<64000xi32, #tpu.memory_space<hbm>> -> memref<4000xi32, #tpu.memory_space<hbm>>
      tpu.enqueue_dma source(%dma_start3A_20 : memref<4000xi32, #tpu.memory_space<hbm>>) target(%arg5 : memref<4000xi32, #tpu.memory_space<vmem>>) target_semaphore(%run_scoped3A : memref<!tpu.dma_semaphore, #tpu.memory_space<semaphore_mem>>)
      %dma_wait3A_21 = tpu.memref_slice %arg3[%mul3A_2] : memref<64000xi32, #tpu.memory_space<hbm>> -> memref<4000xi32, #tpu.memory_space<hbm>>
      %dma_wait3A_22 = tpu.memref_slice %arg3[%mul3A_2] : memref<64000xi32, #tpu.memory_space<hbm>> -> memref<4000xi32, #tpu.memory_space<hbm>>
      tpu.wait_dma2 semaphore(%run_scoped3A : memref<!tpu.dma_semaphore, #tpu.memory_space<semaphore_mem>>) src(%dma_wait3A_22 : memref<4000xi32, #tpu.memory_space<hbm>>) dst(%arg5 : memref<4000xi32, #tpu.memory_space<vmem>>)
      tpu.yield
    }) : () -> ()
    %scan3A = arith.constant 0 : i32
    %scan3A_3 = arith.constant 0 : i32
    %scan3A_4 = arith.constant 10 : i32
    %scan3A_5 = arith.addi %scan3A_3, %scan3A_4 : i32
    %scan3A_6 = arith.constant 1 : i32
    scf.for %scan3A_20 = %scan3A_3 to %scan3A_5 step %scan3A_6  : i32 {
      %jit3A = arith.constant 2 : i32
      %eq3A = arith.constant 0 : i32
      %eq3A_21 = arith.cmpi eq, %jit3A, %eq3A : i32
      %jit3A_22 = arith.constant 1 : i32
      %select_n3A = arith.select %eq3A_21, %jit3A_22, %jit3A : i32
      %rem3A = arith.remsi %scan3A_20, %select_n3A : i32
      %ne3A = arith.constant 0 : i32
      %ne3A_23 = arith.cmpi ne, %rem3A, %ne3A : i32
      %lt3A = arith.constant 0 : i32
      %lt3A_24 = arith.cmpi slt, %rem3A, %lt3A : i32
      %lt3A_25 = arith.constant 0 : i32
      %lt3A_26 = arith.cmpi slt, %select_n3A, %lt3A_25 : i32
      %ne3A_27 = arith.xori %lt3A_24, %lt3A_26 : i1
      %and3A = arith.andi %ne3A_27, %ne3A_23 : i1
      %add3A_28 = arith.addi %rem3A, %select_n3A : i32
      %select_n3A_29 = arith.select %and3A, %add3A_28, %rem3A : i32
      %mul3A_30 = arith.constant 5 : i32
      %mul3A_31 = arith.muli %select_n3A_29, %mul3A_30 : i32
      %mul3A_32 = arith.constant 5 : i32
      %mul3A_33 = arith.muli %scan3A_20, %mul3A_32 : i32
      %add3A_34 = arith.constant 0 : i32
      %add3A_35 = arith.addi %mul3A_33, %add3A_34 : i32
      %mul3A_36 = arith.constant 80 : i32
      %mul3A_37 = arith.muli %add3A_35, %mul3A_36 : i32
      %add3A_38 = arith.constant 0 : i32
      %add3A_39 = arith.addi %mul3A_31, %add3A_38 : i32
      %mul3A_40 = arith.constant 80 : i32
      %mul3A_41 = arith.muli %add3A_39, %mul3A_40 : i32
      %dma_start3A = arith.constant 0 : i32
      %dma_start3A_42 = tpu.memref_slice %arg6[%mul3A_41, %dma_start3A] : memref<800x128xf32, #tpu.memory_space<vmem>> -> memref<80x128xf32, #tpu.memory_space<vmem>>
      %dma_start3A_43 = tpu.memref_slice %arg5[%mul3A_37] : memref<4000xi32, #tpu.memory_space<vmem>> -> memref<80xi32, #tpu.memory_space<vmem>>
      %dma_start3A_44 = arith.constant 0 : i32
      %dma_start3A_45 = arith.constant 0 : i32
      %dma_start3A_46 = tpu.memref_slice %arg2[%dma_start3A_44, %dma_start3A_45] : memref<10000x128xf32, #tpu.memory_space<hbm>> -> memref<10000x128xf32, #tpu.memory_space<hbm>>
      tpu.enqueue_indirect_dma source(%dma_start3A_46 : memref<10000x128xf32, #tpu.memory_space<hbm>>) target(%dma_start3A_42 : memref<80x128xf32, #tpu.memory_space<vmem>>) offsets(%dma_start3A_43 : memref<80xi32, #tpu.memory_space<vmem>>) semaphore(%arg7 : memref<!tpu.dma_semaphore, #tpu.memory_space<semaphore_mem>>)
      %mul3A_47 = arith.constant 5 : i32
      %mul3A_48 = arith.muli %scan3A_20, %mul3A_47 : i32
      %add3A_49 = arith.constant 1 : i32
      %add3A_50 = arith.addi %mul3A_48, %add3A_49 : i32
      %mul3A_51 = arith.constant 80 : i32
      %mul3A_52 = arith.muli %add3A_50, %mul3A_51 : i32
      %add3A_53 = arith.constant 1 : i32
      %add3A_54 = arith.addi %mul3A_31, %add3A_53 : i32
      %mul3A_55 = arith.constant 80 : i32
      %mul3A_56 = arith.muli %add3A_54, %mul3A_55 : i32
      %dma_start3A_57 = arith.constant 0 : i32
      %dma_start3A_58 = tpu.memref_slice %arg6[%mul3A_56, %dma_start3A_57] : memref<800x128xf32, #tpu.memory_space<vmem>> -> memref<80x128xf32, #tpu.memory_space<vmem>>
      %dma_start3A_59 = tpu.memref_slice %arg5[%mul3A_52] : memref<4000xi32, #tpu.memory_space<vmem>> -> memref<80xi32, #tpu.memory_space<vmem>>
      %dma_start3A_60 = arith.constant 0 : i32
      %dma_start3A_61 = arith.constant 0 : i32
      %dma_start3A_62 = tpu.memref_slice %arg2[%dma_start3A_60, %dma_start3A_61] : memref<10000x128xf32, #tpu.memory_space<hbm>> -> memref<10000x128xf32, #tpu.memory_space<hbm>>
      tpu.enqueue_indirect_dma source(%dma_start3A_62 : memref<10000x128xf32, #tpu.memory_space<hbm>>) target(%dma_start3A_58 : memref<80x128xf32, #tpu.memory_space<vmem>>) offsets(%dma_start3A_59 : memref<80xi32, #tpu.memory_space<vmem>>) semaphore(%arg7 : memref<!tpu.dma_semaphore, #tpu.memory_space<semaphore_mem>>)
      %mul3A_63 = arith.constant 5 : i32
      %mul3A_64 = arith.muli %scan3A_20, %mul3A_63 : i32
      %add3A_65 = arith.constant 2 : i32
      %add3A_66 = arith.addi %mul3A_64, %add3A_65 : i32
      %mul3A_67 = arith.constant 80 : i32
      %mul3A_68 = arith.muli %add3A_66, %mul3A_67 : i32
      %add3A_69 = arith.constant 2 : i32
      %add3A_70 = arith.addi %mul3A_31, %add3A_69 : i32
      %mul3A_71 = arith.constant 80 : i32
      %mul3A_72 = arith.muli %add3A_70, %mul3A_71 : i32
      %dma_start3A_73 = arith.constant 0 : i32
      %dma_start3A_74 = tpu.memref_slice %arg6[%mul3A_72, %dma_start3A_73] : memref<800x128xf32, #tpu.memory_space<vmem>> -> memref<80x128xf32, #tpu.memory_space<vmem>>
      %dma_start3A_75 = tpu.memref_slice %arg5[%mul3A_68] : memref<4000xi32, #tpu.memory_space<vmem>> -> memref<80xi32, #tpu.memory_space<vmem>>
      %dma_start3A_76 = arith.constant 0 : i32
      %dma_start3A_77 = arith.constant 0 : i32
      %dma_start3A_78 = tpu.memref_slice %arg2[%dma_start3A_76, %dma_start3A_77] : memref<10000x128xf32, #tpu.memory_space<hbm>> -> memref<10000x128xf32, #tpu.memory_space<hbm>>
      tpu.enqueue_indirect_dma source(%dma_start3A_78 : memref<10000x128xf32, #tpu.memory_space<hbm>>) target(%dma_start3A_74 : memref<80x128xf32, #tpu.memory_space<vmem>>) offsets(%dma_start3A_75 : memref<80xi32, #tpu.memory_space<vmem>>) semaphore(%arg7 : memref<!tpu.dma_semaphore, #tpu.memory_space<semaphore_mem>>)
      %mul3A_79 = arith.constant 5 : i32
      %mul3A_80 = arith.muli %scan3A_20, %mul3A_79 : i32
      %add3A_81 = arith.constant 3 : i32
      %add3A_82 = arith.addi %mul3A_80, %add3A_81 : i32
      %mul3A_83 = arith.constant 80 : i32
      %mul3A_84 = arith.muli %add3A_82, %mul3A_83 : i32
      %add3A_85 = arith.constant 3 : i32
      %add3A_86 = arith.addi %mul3A_31, %add3A_85 : i32
      %mul3A_87 = arith.constant 80 : i32
      %mul3A_88 = arith.muli %add3A_86, %mul3A_87 : i32
      %dma_start3A_89 = arith.constant 0 : i32
      %dma_start3A_90 = tpu.memref_slice %arg6[%mul3A_88, %dma_start3A_89] : memref<800x128xf32, #tpu.memory_space<vmem>> -> memref<80x128xf32, #tpu.memory_space<vmem>>
      %dma_start3A_91 = tpu.memref_slice %arg5[%mul3A_84] : memref<4000xi32, #tpu.memory_space<vmem>> -> memref<80xi32, #tpu.memory_space<vmem>>
      %dma_start3A_92 = arith.constant 0 : i32
      %dma_start3A_93 = arith.constant 0 : i32
      %dma_start3A_94 = tpu.memref_slice %arg2[%dma_start3A_92, %dma_start3A_93] : memref<10000x128xf32, #tpu.memory_space<hbm>> -> memref<10000x128xf32, #tpu.memory_space<hbm>>
      tpu.enqueue_indirect_dma source(%dma_start3A_94 : memref<10000x128xf32, #tpu.memory_space<hbm>>) target(%dma_start3A_90 : memref<80x128xf32, #tpu.memory_space<vmem>>) offsets(%dma_start3A_91 : memref<80xi32, #tpu.memory_space<vmem>>) semaphore(%arg7 : memref<!tpu.dma_semaphore, #tpu.memory_space<semaphore_mem>>)
      %mul3A_95 = arith.constant 5 : i32
      %mul3A_96 = arith.muli %scan3A_20, %mul3A_95 : i32
      %add3A_97 = arith.constant 4 : i32
      %add3A_98 = arith.addi %mul3A_96, %add3A_97 : i32
      %mul3A_99 = arith.constant 80 : i32
      %mul3A_100 = arith.muli %add3A_98, %mul3A_99 : i32
      %add3A_101 = arith.constant 4 : i32
      %add3A_102 = arith.addi %mul3A_31, %add3A_101 : i32
      %mul3A_103 = arith.constant 80 : i32
      %mul3A_104 = arith.muli %add3A_102, %mul3A_103 : i32
      %dma_start3A_105 = arith.constant 0 : i32
      %dma_start3A_106 = tpu.memref_slice %arg6[%mul3A_104, %dma_start3A_105] : memref<800x128xf32, #tpu.memory_space<vmem>> -> memref<80x128xf32, #tpu.memory_space<vmem>>
      %dma_start3A_107 = tpu.memref_slice %arg5[%mul3A_100] : memref<4000xi32, #tpu.memory_space<vmem>> -> memref<80xi32, #tpu.memory_space<vmem>>
      %dma_start3A_108 = arith.constant 0 : i32
      %dma_start3A_109 = arith.constant 0 : i32
      %dma_start3A_110 = tpu.memref_slice %arg2[%dma_start3A_108, %dma_start3A_109] : memref<10000x128xf32, #tpu.memory_space<hbm>> -> memref<10000x128xf32, #tpu.memory_space<hbm>>
      tpu.enqueue_indirect_dma source(%dma_start3A_110 : memref<10000x128xf32, #tpu.memory_space<hbm>>) target(%dma_start3A_106 : memref<80x128xf32, #tpu.memory_space<vmem>>) offsets(%dma_start3A_107 : memref<80xi32, #tpu.memory_space<vmem>>) semaphore(%arg7 : memref<!tpu.dma_semaphore, #tpu.memory_space<semaphore_mem>>)
      %gt3A = arith.constant 0 : i32
      %gt3A_111 = arith.cmpi sgt, %scan3A_20, %gt3A : i32
      %convert_element_type3A = arith.extui %gt3A_111 : i1 to i32
      %cond3A = arith.constant 0 : i32
      %cond3A_112 = arith.cmpi ne, %convert_element_type3A, %cond3A : i32
      scf.if %cond3A_112 {
        %sub3A = arith.constant 5 : i32
        %sub3A_208 = arith.subi %sub3A, %mul3A_31 : i32
        %mul3A_209 = arith.constant 80 : i32
        %mul3A_210 = arith.muli %sub3A_208, %mul3A_209 : i32
        %sub3A_211 = arith.constant 1 : i32
        %sub3A_212 = arith.subi %scan3A_20, %sub3A_211 : i32
        %mul3A_213 = arith.constant 5 : i32
        %mul3A_214 = arith.muli %sub3A_212, %mul3A_213 : i32
        %add3A_215 = arith.addi %mul3A_0, %mul3A_214 : i32
        %mul3A_216 = arith.constant 80 : i32
        %mul3A_217 = arith.muli %add3A_215, %mul3A_216 : i32
        %dma_wait3A_218 = arith.constant 0 : i32
        %dma_wait3A_219 = tpu.memref_slice %arg6[%mul3A_210, %dma_wait3A_218] : memref<800x128xf32, #tpu.memory_space<vmem>> -> memref<400x128xf32, #tpu.memory_space<vmem>>
        %dma_wait3A_220 = arith.constant 0 : i32
        %dma_wait3A_221 = tpu.memref_slice %arg4[%mul3A_217, %dma_wait3A_220] : memref<64000x128xf32, #tpu.memory_space<hbm>> -> memref<400x128xf32, #tpu.memory_space<hbm>>
        %dma_wait3A_222 = arith.constant 0 : i32
        %dma_wait3A_223 = tpu.memref_slice %arg4[%mul3A_217, %dma_wait3A_222] : memref<64000x128xf32, #tpu.memory_space<hbm>> -> memref<400x128xf32, #tpu.memory_space<hbm>>
        %dma_wait3A_224 = arith.constant 0 : i32
        %dma_wait3A_225 = tpu.memref_slice %arg6[%mul3A_210, %dma_wait3A_224] : memref<800x128xf32, #tpu.memory_space<vmem>> -> memref<400x128xf32, #tpu.memory_space<vmem>>
        tpu.wait_dma2 semaphore(%arg8 : memref<!tpu.dma_semaphore, #tpu.memory_space<semaphore_mem>>) src(%dma_wait3A_225 : memref<400x128xf32, #tpu.memory_space<vmem>>) dst(%dma_wait3A_223 : memref<400x128xf32, #tpu.memory_space<hbm>>)
      } else {
      }
      %mul3A_113 = arith.constant 5 : i32
      %mul3A_114 = arith.muli %scan3A_20, %mul3A_113 : i32
      %add3A_115 = arith.constant 0 : i32
      %add3A_116 = arith.addi %mul3A_114, %add3A_115 : i32
      %mul3A_117 = arith.constant 80 : i32
      %mul3A_118 = arith.muli %add3A_116, %mul3A_117 : i32
      %add3A_119 = arith.constant 0 : i32
      %add3A_120 = arith.addi %mul3A_31, %add3A_119 : i32
      %mul3A_121 = arith.constant 80 : i32
      %mul3A_122 = arith.muli %add3A_120, %mul3A_121 : i32
      %dma_wait3A_123 = arith.constant 0 : i32
      %dma_wait3A_124 = tpu.memref_slice %arg6[%mul3A_122, %dma_wait3A_123] : memref<800x128xf32, #tpu.memory_space<vmem>> -> memref<80x128xf32, #tpu.memory_space<vmem>>
      %dma_wait3A_125 = tpu.memref_slice %arg5[%mul3A_118] : memref<4000xi32, #tpu.memory_space<vmem>> -> memref<80xi32, #tpu.memory_space<vmem>>
      %dma_wait3A_126 = arith.constant 0 : i32
      %dma_wait3A_127 = arith.constant 0 : i32
      %dma_wait3A_128 = tpu.memref_slice %arg2[%dma_wait3A_126, %dma_wait3A_127] : memref<10000x128xf32, #tpu.memory_space<hbm>> -> memref<10000x128xf32, #tpu.memory_space<hbm>>
      tpu.wait_indirect_dma semaphore(%arg7 : memref<!tpu.dma_semaphore, #tpu.memory_space<semaphore_mem>>) src(%dma_wait3A_128 : memref<10000x128xf32, #tpu.memory_space<hbm>>) dst(%dma_wait3A_124 : memref<80x128xf32, #tpu.memory_space<vmem>>)
      %mul3A_129 = arith.constant 5 : i32
      %mul3A_130 = arith.muli %scan3A_20, %mul3A_129 : i32
      %add3A_131 = arith.constant 1 : i32
      %add3A_132 = arith.addi %mul3A_130, %add3A_131 : i32
      %mul3A_133 = arith.constant 80 : i32
      %mul3A_134 = arith.muli %add3A_132, %mul3A_133 : i32
      %add3A_135 = arith.constant 1 : i32
      %add3A_136 = arith.addi %mul3A_31, %add3A_135 : i32
      %mul3A_137 = arith.constant 80 : i32
      %mul3A_138 = arith.muli %add3A_136, %mul3A_137 : i32
      %dma_wait3A_139 = arith.constant 0 : i32
      %dma_wait3A_140 = tpu.memref_slice %arg6[%mul3A_138, %dma_wait3A_139] : memref<800x128xf32, #tpu.memory_space<vmem>> -> memref<80x128xf32, #tpu.memory_space<vmem>>
      %dma_wait3A_141 = tpu.memref_slice %arg5[%mul3A_134] : memref<4000xi32, #tpu.memory_space<vmem>> -> memref<80xi32, #tpu.memory_space<vmem>>
      %dma_wait3A_142 = arith.constant 0 : i32
      %dma_wait3A_143 = arith.constant 0 : i32
      %dma_wait3A_144 = tpu.memref_slice %arg2[%dma_wait3A_142, %dma_wait3A_143] : memref<10000x128xf32, #tpu.memory_space<hbm>> -> memref<10000x128xf32, #tpu.memory_space<hbm>>
      tpu.wait_indirect_dma semaphore(%arg7 : memref<!tpu.dma_semaphore, #tpu.memory_space<semaphore_mem>>) src(%dma_wait3A_144 : memref<10000x128xf32, #tpu.memory_space<hbm>>) dst(%dma_wait3A_140 : memref<80x128xf32, #tpu.memory_space<vmem>>)
      %mul3A_145 = arith.constant 5 : i32
      %mul3A_146 = arith.muli %scan3A_20, %mul3A_145 : i32
      %add3A_147 = arith.constant 2 : i32
      %add3A_148 = arith.addi %mul3A_146, %add3A_147 : i32
      %mul3A_149 = arith.constant 80 : i32
      %mul3A_150 = arith.muli %add3A_148, %mul3A_149 : i32
      %add3A_151 = arith.constant 2 : i32
      %add3A_152 = arith.addi %mul3A_31, %add3A_151 : i32
      %mul3A_153 = arith.constant 80 : i32
      %mul3A_154 = arith.muli %add3A_152, %mul3A_153 : i32
      %dma_wait3A_155 = arith.constant 0 : i32
      %dma_wait3A_156 = tpu.memref_slice %arg6[%mul3A_154, %dma_wait3A_155] : memref<800x128xf32, #tpu.memory_space<vmem>> -> memref<80x128xf32, #tpu.memory_space<vmem>>
      %dma_wait3A_157 = tpu.memref_slice %arg5[%mul3A_150] : memref<4000xi32, #tpu.memory_space<vmem>> -> memref<80xi32, #tpu.memory_space<vmem>>
      %dma_wait3A_158 = arith.constant 0 : i32
      %dma_wait3A_159 = arith.constant 0 : i32
      %dma_wait3A_160 = tpu.memref_slice %arg2[%dma_wait3A_158, %dma_wait3A_159] : memref<10000x128xf32, #tpu.memory_space<hbm>> -> memref<10000x128xf32, #tpu.memory_space<hbm>>
      tpu.wait_indirect_dma semaphore(%arg7 : memref<!tpu.dma_semaphore, #tpu.memory_space<semaphore_mem>>) src(%dma_wait3A_160 : memref<10000x128xf32, #tpu.memory_space<hbm>>) dst(%dma_wait3A_156 : memref<80x128xf32, #tpu.memory_space<vmem>>)
      %mul3A_161 = arith.constant 5 : i32
      %mul3A_162 = arith.muli %scan3A_20, %mul3A_161 : i32
      %add3A_163 = arith.constant 3 : i32
      %add3A_164 = arith.addi %mul3A_162, %add3A_163 : i32
      %mul3A_165 = arith.constant 80 : i32
      %mul3A_166 = arith.muli %add3A_164, %mul3A_165 : i32
      %add3A_167 = arith.constant 3 : i32
      %add3A_168 = arith.addi %mul3A_31, %add3A_167 : i32
      %mul3A_169 = arith.constant 80 : i32
      %mul3A_170 = arith.muli %add3A_168, %mul3A_169 : i32
      %dma_wait3A_171 = arith.constant 0 : i32
      %dma_wait3A_172 = tpu.memref_slice %arg6[%mul3A_170, %dma_wait3A_171] : memref<800x128xf32, #tpu.memory_space<vmem>> -> memref<80x128xf32, #tpu.memory_space<vmem>>
      %dma_wait3A_173 = tpu.memref_slice %arg5[%mul3A_166] : memref<4000xi32, #tpu.memory_space<vmem>> -> memref<80xi32, #tpu.memory_space<vmem>>
      %dma_wait3A_174 = arith.constant 0 : i32
      %dma_wait3A_175 = arith.constant 0 : i32
      %dma_wait3A_176 = tpu.memref_slice %arg2[%dma_wait3A_174, %dma_wait3A_175] : memref<10000x128xf32, #tpu.memory_space<hbm>> -> memref<10000x128xf32, #tpu.memory_space<hbm>>
      tpu.wait_indirect_dma semaphore(%arg7 : memref<!tpu.dma_semaphore, #tpu.memory_space<semaphore_mem>>) src(%dma_wait3A_176 : memref<10000x128xf32, #tpu.memory_space<hbm>>) dst(%dma_wait3A_172 : memref<80x128xf32, #tpu.memory_space<vmem>>)
      %mul3A_177 = arith.constant 5 : i32
      %mul3A_178 = arith.muli %scan3A_20, %mul3A_177 : i32
      %add3A_179 = arith.constant 4 : i32
      %add3A_180 = arith.addi %mul3A_178, %add3A_179 : i32
      %mul3A_181 = arith.constant 80 : i32
      %mul3A_182 = arith.muli %add3A_180, %mul3A_181 : i32
      %add3A_183 = arith.constant 4 : i32
      %add3A_184 = arith.addi %mul3A_31, %add3A_183 : i32
      %mul3A_185 = arith.constant 80 : i32
      %mul3A_186 = arith.muli %add3A_184, %mul3A_185 : i32
      %dma_wait3A_187 = arith.constant 0 : i32
      %dma_wait3A_188 = tpu.memref_slice %arg6[%mul3A_186, %dma_wait3A_187] : memref<800x128xf32, #tpu.memory_space<vmem>> -> memref<80x128xf32, #tpu.memory_space<vmem>>
      %dma_wait3A_189 = tpu.memref_slice %arg5[%mul3A_182] : memref<4000xi32, #tpu.memory_space<vmem>> -> memref<80xi32, #tpu.memory_space<vmem>>
      %dma_wait3A_190 = arith.constant 0 : i32
      %dma_wait3A_191 = arith.constant 0 : i32
      %dma_wait3A_192 = tpu.memref_slice %arg2[%dma_wait3A_190, %dma_wait3A_191] : memref<10000x128xf32, #tpu.memory_space<hbm>> -> memref<10000x128xf32, #tpu.memory_space<hbm>>
      tpu.wait_indirect_dma semaphore(%arg7 : memref<!tpu.dma_semaphore, #tpu.memory_space<semaphore_mem>>) src(%dma_wait3A_192 : memref<10000x128xf32, #tpu.memory_space<hbm>>) dst(%dma_wait3A_188 : memref<80x128xf32, #tpu.memory_space<vmem>>)
      %mul3A_193 = arith.constant 80 : i32
      %mul3A_194 = arith.muli %mul3A_31, %mul3A_193 : i32
      %mul3A_195 = arith.constant 5 : i32
      %mul3A_196 = arith.muli %scan3A_20, %mul3A_195 : i32
      %add3A_197 = arith.addi %mul3A_0, %mul3A_196 : i32
      %mul3A_198 = arith.constant 80 : i32
      %mul3A_199 = arith.muli %add3A_197, %mul3A_198 : i32
      %dma_start3A_200 = arith.constant 0 : i32
      %dma_start3A_201 = tpu.memref_slice %arg6[%mul3A_194, %dma_start3A_200] : memref<800x128xf32, #tpu.memory_space<vmem>> -> memref<400x128xf32, #tpu.memory_space<vmem>>
      %dma_start3A_202 = arith.constant 0 : i32
      %dma_start3A_203 = tpu.memref_slice %arg4[%mul3A_199, %dma_start3A_202] : memref<64000x128xf32, #tpu.memory_space<hbm>> -> memref<400x128xf32, #tpu.memory_space<hbm>>
      %dma_start3A_204 = arith.constant 0 : i32
      %dma_start3A_205 = tpu.memref_slice %arg4[%mul3A_199, %dma_start3A_204] : memref<64000x128xf32, #tpu.memory_space<hbm>> -> memref<400x128xf32, #tpu.memory_space<hbm>>
      %dma_start3A_206 = arith.constant 0 : i32
      %dma_start3A_207 = tpu.memref_slice %arg6[%mul3A_194, %dma_start3A_206] : memref<800x128xf32, #tpu.memory_space<vmem>> -> memref<400x128xf32, #tpu.memory_space<vmem>>
      tpu.enqueue_dma source(%dma_start3A_207 : memref<400x128xf32, #tpu.memory_space<vmem>>) target(%dma_start3A_205 : memref<400x128xf32, #tpu.memory_space<hbm>>) target_semaphore(%arg8 : memref<!tpu.dma_semaphore, #tpu.memory_space<semaphore_mem>>)
    }
    %scan3A_7 = arith.constant 10 : i32
    %add3A = arith.constant 45 : i32
    %add3A_8 = arith.addi %mul3A_0, %add3A : i32
    %mul3A_9 = arith.constant 80 : i32
    %mul3A_10 = arith.muli %add3A_8, %mul3A_9 : i32
    %dma_wait3A = arith.constant 400 : i32
    %dma_wait3A_11 = arith.constant 0 : i32
    %dma_wait3A_12 = tpu.memref_slice %arg6[%dma_wait3A, %dma_wait3A_11] : memref<800x128xf32, #tpu.memory_space<vmem>> -> memref<400x128xf32, #tpu.memory_space<vmem>>
    %dma_wait3A_13 = arith.constant 0 : i32
    %dma_wait3A_14 = tpu.memref_slice %arg4[%mul3A_10, %dma_wait3A_13] : memref<64000x128xf32, #tpu.memory_space<hbm>> -> memref<400x128xf32, #tpu.memory_space<hbm>>
    %dma_wait3A_15 = arith.constant 0 : i32
    %dma_wait3A_16 = tpu.memref_slice %arg4[%mul3A_10, %dma_wait3A_15] : memref<64000x128xf32, #tpu.memory_space<hbm>> -> memref<400x128xf32, #tpu.memory_space<hbm>>
    %dma_wait3A_17 = arith.constant 400 : i32
    %dma_wait3A_18 = arith.constant 0 : i32
    %dma_wait3A_19 = tpu.memref_slice %arg6[%dma_wait3A_17, %dma_wait3A_18] : memref<800x128xf32, #tpu.memory_space<vmem>> -> memref<400x128xf32, #tpu.memory_space<vmem>>
    tpu.wait_dma2 semaphore(%arg8 : memref<!tpu.dma_semaphore, #tpu.memory_space<semaphore_mem>>) src(%dma_wait3A_19 : memref<400x128xf32, #tpu.memory_space<vmem>>) dst(%dma_wait3A_16 : memref<400x128xf32, #tpu.memory_space<hbm>>)
    return
  }
}

#map = affine_map<(d0, d1) -> (0, 0)>
#map1 = affine_map<(d0, d1) -> (0)>
module attributes {stable_mosaic.version = 14 : i64} {
  func.func @_sc_gather_body(%arg0: i32, %arg1: i32, %arg2: memref<10000x128xf32, #tpu.memory_space<hbm>>, %arg3: memref<64000xi32, #tpu.memory_space<hbm>>, %arg4: memref<64000x128xf32, #tpu.memory_space<hbm>>, %arg5: memref<4000xi32, #tpu.memory_space<vmem>>, %arg6: memref<800x128xf32, #tpu.memory_space<vmem>>, %arg7: memref<!tpu.dma_semaphore, #tpu.memory_space<semaphore_mem>>, %arg8: memref<!tpu.dma_semaphore, #tpu.memory_space<semaphore_mem>>) attributes {dimension_semantics = [#tpu.dimension_semantics<core_parallel>, #tpu.dimension_semantics<subcore_parallel>], iteration_bounds = array<i64: 1, 16>, scalar_prefetch = 0 : i64, scratch_operands = 4 : i64, tpu.core_type = #tpu.core_type<sc_vector_subcore>, window_params = [{transform_indices = #map}, {transform_indices = #map1}, {transform_indices = #map}]} {
    %mul3A = arith.constant 50 : i32
    %mul3A_0 = arith.muli %arg1, %mul3A : i32
    %mul3A_1 = arith.constant 80 : i32
    %mul3A_2 = arith.muli %mul3A_0, %mul3A_1 : i32
    "tpu.region"() ({
      %run_scoped3A = tpu.sem_alloc : memref<!tpu.dma_semaphore, #tpu.memory_space<semaphore_mem>>
      %dma_start3A = tpu.memref_slice %arg3[%mul3A_2] : memref<64000xi32, #tpu.memory_space<hbm>> -> memref<4000xi32, #tpu.memory_space<hbm>>
      %dma_start3A_20 = tpu.memref_slice %arg3[%mul3A_2] : memref<64000xi32, #tpu.memory_space<hbm>> -> memref<4000xi32, #tpu.memory_space<hbm>>
      tpu.enqueue_dma source(%dma_start3A_20 : memref<4000xi32, #tpu.memory_space<hbm>>) target(%arg5 : memref<4000xi32, #tpu.memory_space<vmem>>) target_semaphore(%run_scoped3A : memref<!tpu.dma_semaphore, #tpu.memory_space<semaphore_mem>>)
      %dma_wait3A_21 = tpu.memref_slice %arg3[%mul3A_2] : memref<64000xi32, #tpu.memory_space<hbm>> -> memref<4000xi32, #tpu.memory_space<hbm>>
      %dma_wait3A_22 = tpu.memref_slice %arg3[%mul3A_2] : memref<64000xi32, #tpu.memory_space<hbm>> -> memref<4000xi32, #tpu.memory_space<hbm>>
      tpu.wait_dma2 semaphore(%run_scoped3A : memref<!tpu.dma_semaphore, #tpu.memory_space<semaphore_mem>>) src(%dma_wait3A_22 : memref<4000xi32, #tpu.memory_space<hbm>>) dst(%arg5 : memref<4000xi32, #tpu.memory_space<vmem>>)
      tpu.yield
    }) : () -> ()
    %scan3A = arith.constant 0 : i32
    %scan3A_3 = arith.constant 0 : i32
    %scan3A_4 = arith.constant 10 : i32
    %scan3A_5 = arith.addi %scan3A_3, %scan3A_4 : i32
    %scan3A_6 = arith.constant 1 : i32
    scf.for %scan3A_20 = %scan3A_3 to %scan3A_5 step %scan3A_6  : i32 {
      %jit3A = arith.constant 2 : i32
      %eq3A = arith.constant 0 : i32
      %eq3A_21 = arith.cmpi eq, %jit3A, %eq3A : i32
      %jit3A_22 = arith.constant 1 : i32
      %select_n3A = arith.select %eq3A_21, %jit3A_22, %jit3A : i32
      %rem3A = arith.remsi %scan3A_20, %select_n3A : i32
      %ne3A = arith.constant 0 : i32
      %ne3A_23 = arith.cmpi ne, %rem3A, %ne3A : i32
      %lt3A = arith.constant 0 : i32
      %lt3A_24 = arith.cmpi slt, %rem3A, %lt3A : i32
      %lt3A_25 = arith.constant 0 : i32
      %lt3A_26 = arith.cmpi slt, %select_n3A, %lt3A_25 : i32
      %ne3A_27 = arith.xori %lt3A_24, %lt3A_26 : i1
      %and3A = arith.andi %ne3A_27, %ne3A_23 : i1
      %add3A_28 = arith.addi %rem3A, %select_n3A : i32
      %select_n3A_29 = arith.select %and3A, %add3A_28, %rem3A : i32
      %mul3A_30 = arith.constant 5 : i32
      %mul3A_31 = arith.muli %select_n3A_29, %mul3A_30 : i32
      %mul3A_32 = arith.constant 5 : i32
      %mul3A_33 = arith.muli %scan3A_20, %mul3A_32 : i32
      %add3A_34 = arith.constant 0 : i32
      %add3A_35 = arith.addi %mul3A_33, %add3A_34 : i32
      %mul3A_36 = arith.constant 80 : i32
      %mul3A_37 = arith.muli %add3A_35, %mul3A_36 : i32
      %add3A_38 = arith.constant 0 : i32
      %add3A_39 = arith.addi %mul3A_31, %add3A_38 : i32
      %mul3A_40 = arith.constant 80 : i32
      %mul3A_41 = arith.muli %add3A_39, %mul3A_40 : i32
      %dma_start3A = arith.constant 0 : i32
      %dma_start3A_42 = tpu.memref_slice %arg6[%mul3A_41, %dma_start3A] : memref<800x128xf32, #tpu.memory_space<vmem>> -> memref<80x128xf32, #tpu.memory_space<vmem>>
      %dma_start3A_43 = tpu.memref_slice %arg5[%mul3A_37] : memref<4000xi32, #tpu.memory_space<vmem>> -> memref<80xi32, #tpu.memory_space<vmem>>
      %dma_start3A_44 = arith.constant 0 : i32
      %dma_start3A_45 = arith.constant 0 : i32
      %dma_start3A_46 = tpu.memref_slice %arg2[%dma_start3A_44, %dma_start3A_45] : memref<10000x128xf32, #tpu.memory_space<hbm>> -> memref<10000x128xf32, #tpu.memory_space<hbm>>
      tpu.enqueue_indirect_dma source(%dma_start3A_46 : memref<10000x128xf32, #tpu.memory_space<hbm>>) target(%dma_start3A_42 : memref<80x128xf32, #tpu.memory_space<vmem>>) offsets(%dma_start3A_43 : memref<80xi32, #tpu.memory_space<vmem>>) semaphore(%arg7 : memref<!tpu.dma_semaphore, #tpu.memory_space<semaphore_mem>>)
      %mul3A_47 = arith.constant 5 : i32
      %mul3A_48 = arith.muli %scan3A_20, %mul3A_47 : i32
      %add3A_49 = arith.constant 1 : i32
      %add3A_50 = arith.addi %mul3A_48, %add3A_49 : i32
      %mul3A_51 = arith.constant 80 : i32
      %mul3A_52 = arith.muli %add3A_50, %mul3A_51 : i32
      %add3A_53 = arith.constant 1 : i32
      %add3A_54 = arith.addi %mul3A_31, %add3A_53 : i32
      %mul3A_55 = arith.constant 80 : i32
      %mul3A_56 = arith.muli %add3A_54, %mul3A_55 : i32
      %dma_start3A_57 = arith.constant 0 : i32
      %dma_start3A_58 = tpu.memref_slice %arg6[%mul3A_56, %dma_start3A_57] : memref<800x128xf32, #tpu.memory_space<vmem>> -> memref<80x128xf32, #tpu.memory_space<vmem>>
      %dma_start3A_59 = tpu.memref_slice %arg5[%mul3A_52] : memref<4000xi32, #tpu.memory_space<vmem>> -> memref<80xi32, #tpu.memory_space<vmem>>
      %dma_start3A_60 = arith.constant 0 : i32
      %dma_start3A_61 = arith.constant 0 : i32
      %dma_start3A_62 = tpu.memref_slice %arg2[%dma_start3A_60, %dma_start3A_61] : memref<10000x128xf32, #tpu.memory_space<hbm>> -> memref<10000x128xf32, #tpu.memory_space<hbm>>
      tpu.enqueue_indirect_dma source(%dma_start3A_62 : memref<10000x128xf32, #tpu.memory_space<hbm>>) target(%dma_start3A_58 : memref<80x128xf32, #tpu.memory_space<vmem>>) offsets(%dma_start3A_59 : memref<80xi32, #tpu.memory_space<vmem>>) semaphore(%arg7 : memref<!tpu.dma_semaphore, #tpu.memory_space<semaphore_mem>>)
      %mul3A_63 = arith.constant 5 : i32
      %mul3A_64 = arith.muli %scan3A_20, %mul3A_63 : i32
      %add3A_65 = arith.constant 2 : i32
      %add3A_66 = arith.addi %mul3A_64, %add3A_65 : i32
      %mul3A_67 = arith.constant 80 : i32
      %mul3A_68 = arith.muli %add3A_66, %mul3A_67 : i32
      %add3A_69 = arith.constant 2 : i32
      %add3A_70 = arith.addi %mul3A_31, %add3A_69 : i32
      %mul3A_71 = arith.constant 80 : i32
      %mul3A_72 = arith.muli %add3A_70, %mul3A_71 : i32
      %dma_start3A_73 = arith.constant 0 : i32
      %dma_start3A_74 = tpu.memref_slice %arg6[%mul3A_72, %dma_start3A_73] : memref<800x128xf32, #tpu.memory_space<vmem>> -> memref<80x128xf32, #tpu.memory_space<vmem>>
      %dma_start3A_75 = tpu.memref_slice %arg5[%mul3A_68] : memref<4000xi32, #tpu.memory_space<vmem>> -> memref<80xi32, #tpu.memory_space<vmem>>
      %dma_start3A_76 = arith.constant 0 : i32
      %dma_start3A_77 = arith.constant 0 : i32
      %dma_start3A_78 = tpu.memref_slice %arg2[%dma_start3A_76, %dma_start3A_77] : memref<10000x128xf32, #tpu.memory_space<hbm>> -> memref<10000x128xf32, #tpu.memory_space<hbm>>
      tpu.enqueue_indirect_dma source(%dma_start3A_78 : memref<10000x128xf32, #tpu.memory_space<hbm>>) target(%dma_start3A_74 : memref<80x128xf32, #tpu.memory_space<vmem>>) offsets(%dma_start3A_75 : memref<80xi32, #tpu.memory_space<vmem>>) semaphore(%arg7 : memref<!tpu.dma_semaphore, #tpu.memory_space<semaphore_mem>>)
      %mul3A_79 = arith.constant 5 : i32
      %mul3A_80 = arith.muli %scan3A_20, %mul3A_79 : i32
      %add3A_81 = arith.constant 3 : i32
      %add3A_82 = arith.addi %mul3A_80, %add3A_81 : i32
      %mul3A_83 = arith.constant 80 : i32
      %mul3A_84 = arith.muli %add3A_82, %mul3A_83 : i32
      %add3A_85 = arith.constant 3 : i32
      %add3A_86 = arith.addi %mul3A_31, %add3A_85 : i32
      %mul3A_87 = arith.constant 80 : i32
      %mul3A_88 = arith.muli %add3A_86, %mul3A_87 : i32
      %dma_start3A_89 = arith.constant 0 : i32
      %dma_start3A_90 = tpu.memref_slice %arg6[%mul3A_88, %dma_start3A_89] : memref<800x128xf32, #tpu.memory_space<vmem>> -> memref<80x128xf32, #tpu.memory_space<vmem>>
      %dma_start3A_91 = tpu.memref_slice %arg5[%mul3A_84] : memref<4000xi32, #tpu.memory_space<vmem>> -> memref<80xi32, #tpu.memory_space<vmem>>
      %dma_start3A_92 = arith.constant 0 : i32
      %dma_start3A_93 = arith.constant 0 : i32
      %dma_start3A_94 = tpu.memref_slice %arg2[%dma_start3A_92, %dma_start3A_93] : memref<10000x128xf32, #tpu.memory_space<hbm>> -> memref<10000x128xf32, #tpu.memory_space<hbm>>
      tpu.enqueue_indirect_dma source(%dma_start3A_94 : memref<10000x128xf32, #tpu.memory_space<hbm>>) target(%dma_start3A_90 : memref<80x128xf32, #tpu.memory_space<vmem>>) offsets(%dma_start3A_91 : memref<80xi32, #tpu.memory_space<vmem>>) semaphore(%arg7 : memref<!tpu.dma_semaphore, #tpu.memory_space<semaphore_mem>>)
      %mul3A_95 = arith.constant 5 : i32
      %mul3A_96 = arith.muli %scan3A_20, %mul3A_95 : i32
      %add3A_97 = arith.constant 4 : i32
      %add3A_98 = arith.addi %mul3A_96, %add3A_97 : i32
      %mul3A_99 = arith.constant 80 : i32
      %mul3A_100 = arith.muli %add3A_98, %mul3A_99 : i32
      %add3A_101 = arith.constant 4 : i32
      %add3A_102 = arith.addi %mul3A_31, %add3A_101 : i32
      %mul3A_103 = arith.constant 80 : i32
      %mul3A_104 = arith.muli %add3A_102, %mul3A_103 : i32
      %dma_start3A_105 = arith.constant 0 : i32
      %dma_start3A_106 = tpu.memref_slice %arg6[%mul3A_104, %dma_start3A_105] : memref<800x128xf32, #tpu.memory_space<vmem>> -> memref<80x128xf32, #tpu.memory_space<vmem>>
      %dma_start3A_107 = tpu.memref_slice %arg5[%mul3A_100] : memref<4000xi32, #tpu.memory_space<vmem>> -> memref<80xi32, #tpu.memory_space<vmem>>
      %dma_start3A_108 = arith.constant 0 : i32
      %dma_start3A_109 = arith.constant 0 : i32
      %dma_start3A_110 = tpu.memref_slice %arg2[%dma_start3A_108, %dma_start3A_109] : memref<10000x128xf32, #tpu.memory_space<hbm>> -> memref<10000x128xf32, #tpu.memory_space<hbm>>
      tpu.enqueue_indirect_dma source(%dma_start3A_110 : memref<10000x128xf32, #tpu.memory_space<hbm>>) target(%dma_start3A_106 : memref<80x128xf32, #tpu.memory_space<vmem>>) offsets(%dma_start3A_107 : memref<80xi32, #tpu.memory_space<vmem>>) semaphore(%arg7 : memref<!tpu.dma_semaphore, #tpu.memory_space<semaphore_mem>>)
      %gt3A = arith.constant 0 : i32
      %gt3A_111 = arith.cmpi sgt, %scan3A_20, %gt3A : i32
      %convert_element_type3A = arith.extui %gt3A_111 : i1 to i32
      %cond3A = arith.constant 0 : i32
      %cond3A_112 = arith.cmpi ne, %convert_element_type3A, %cond3A : i32
      scf.if %cond3A_112 {
        %sub3A = arith.constant 5 : i32
        %sub3A_208 = arith.subi %sub3A, %mul3A_31 : i32
        %mul3A_209 = arith.constant 80 : i32
        %mul3A_210 = arith.muli %sub3A_208, %mul3A_209 : i32
        %sub3A_211 = arith.constant 1 : i32
        %sub3A_212 = arith.subi %scan3A_20, %sub3A_211 : i32
        %mul3A_213 = arith.constant 5 : i32
        %mul3A_214 = arith.muli %sub3A_212, %mul3A_213 : i32
        %add3A_215 = arith.addi %mul3A_0, %mul3A_214 : i32
        %mul3A_216 = arith.constant 80 : i32
        %mul3A_217 = arith.muli %add3A_215, %mul3A_216 : i32
        %dma_wait3A_218 = arith.constant 0 : i32
        %dma_wait3A_219 = tpu.memref_slice %arg6[%mul3A_210, %dma_wait3A_218] : memref<800x128xf32, #tpu.memory_space<vmem>> -> memref<400x128xf32, #tpu.memory_space<vmem>>
        %dma_wait3A_220 = arith.constant 0 : i32
        %dma_wait3A_221 = tpu.memref_slice %arg4[%mul3A_217, %dma_wait3A_220] : memref<64000x128xf32, #tpu.memory_space<hbm>> -> memref<400x128xf32, #tpu.memory_space<hbm>>
        %dma_wait3A_222 = arith.constant 0 : i32
        %dma_wait3A_223 = tpu.memref_slice %arg4[%mul3A_217, %dma_wait3A_222] : memref<64000x128xf32, #tpu.memory_space<hbm>> -> memref<400x128xf32, #tpu.memory_space<hbm>>
        %dma_wait3A_224 = arith.constant 0 : i32
        %dma_wait3A_225 = tpu.memref_slice %arg6[%mul3A_210, %dma_wait3A_224] : memref<800x128xf32, #tpu.memory_space<vmem>> -> memref<400x128xf32, #tpu.memory_space<vmem>>
        tpu.wait_dma2 semaphore(%arg8 : memref<!tpu.dma_semaphore, #tpu.memory_space<semaphore_mem>>) src(%dma_wait3A_225 : memref<400x128xf32, #tpu.memory_space<vmem>>) dst(%dma_wait3A_223 : memref<400x128xf32, #tpu.memory_space<hbm>>)
      } else {
      }
      %mul3A_113 = arith.constant 5 : i32
      %mul3A_114 = arith.muli %scan3A_20, %mul3A_113 : i32
      %add3A_115 = arith.constant 0 : i32
      %add3A_116 = arith.addi %mul3A_114, %add3A_115 : i32
      %mul3A_117 = arith.constant 80 : i32
      %mul3A_118 = arith.muli %add3A_116, %mul3A_117 : i32
      %add3A_119 = arith.constant 0 : i32
      %add3A_120 = arith.addi %mul3A_31, %add3A_119 : i32
      %mul3A_121 = arith.constant 80 : i32
      %mul3A_122 = arith.muli %add3A_120, %mul3A_121 : i32
      %dma_wait3A_123 = arith.constant 0 : i32
      %dma_wait3A_124 = tpu.memref_slice %arg6[%mul3A_122, %dma_wait3A_123] : memref<800x128xf32, #tpu.memory_space<vmem>> -> memref<80x128xf32, #tpu.memory_space<vmem>>
      %dma_wait3A_125 = tpu.memref_slice %arg5[%mul3A_118] : memref<4000xi32, #tpu.memory_space<vmem>> -> memref<80xi32, #tpu.memory_space<vmem>>
      %dma_wait3A_126 = arith.constant 0 : i32
      %dma_wait3A_127 = arith.constant 0 : i32
      %dma_wait3A_128 = tpu.memref_slice %arg2[%dma_wait3A_126, %dma_wait3A_127] : memref<10000x128xf32, #tpu.memory_space<hbm>> -> memref<10000x128xf32, #tpu.memory_space<hbm>>
      tpu.wait_indirect_dma semaphore(%arg7 : memref<!tpu.dma_semaphore, #tpu.memory_space<semaphore_mem>>) src(%dma_wait3A_128 : memref<10000x128xf32, #tpu.memory_space<hbm>>) dst(%dma_wait3A_124 : memref<80x128xf32, #tpu.memory_space<vmem>>)
      %mul3A_129 = arith.constant 5 : i32
      %mul3A_130 = arith.muli %scan3A_20, %mul3A_129 : i32
      %add3A_131 = arith.constant 1 : i32
      %add3A_132 = arith.addi %mul3A_130, %add3A_131 : i32
      %mul3A_133 = arith.constant 80 : i32
      %mul3A_134 = arith.muli %add3A_132, %mul3A_133 : i32
      %add3A_135 = arith.constant 1 : i32
      %add3A_136 = arith.addi %mul3A_31, %add3A_135 : i32
      %mul3A_137 = arith.constant 80 : i32
      %mul3A_138 = arith.muli %add3A_136, %mul3A_137 : i32
      %dma_wait3A_139 = arith.constant 0 : i32
      %dma_wait3A_140 = tpu.memref_slice %arg6[%mul3A_138, %dma_wait3A_139] : memref<800x128xf32, #tpu.memory_space<vmem>> -> memref<80x128xf32, #tpu.memory_space<vmem>>
      %dma_wait3A_141 = tpu.memref_slice %arg5[%mul3A_134] : memref<4000xi32, #tpu.memory_space<vmem>> -> memref<80xi32, #tpu.memory_space<vmem>>
      %dma_wait3A_142 = arith.constant 0 : i32
      %dma_wait3A_143 = arith.constant 0 : i32
      %dma_wait3A_144 = tpu.memref_slice %arg2[%dma_wait3A_142, %dma_wait3A_143] : memref<10000x128xf32, #tpu.memory_space<hbm>> -> memref<10000x128xf32, #tpu.memory_space<hbm>>
      tpu.wait_indirect_dma semaphore(%arg7 : memref<!tpu.dma_semaphore, #tpu.memory_space<semaphore_mem>>) src(%dma_wait3A_144 : memref<10000x128xf32, #tpu.memory_space<hbm>>) dst(%dma_wait3A_140 : memref<80x128xf32, #tpu.memory_space<vmem>>)
      %mul3A_145 = arith.constant 5 : i32
      %mul3A_146 = arith.muli %scan3A_20, %mul3A_145 : i32
      %add3A_147 = arith.constant 2 : i32
      %add3A_148 = arith.addi %mul3A_146, %add3A_147 : i32
      %mul3A_149 = arith.constant 80 : i32
      %mul3A_150 = arith.muli %add3A_148, %mul3A_149 : i32
      %add3A_151 = arith.constant 2 : i32
      %add3A_152 = arith.addi %mul3A_31, %add3A_151 : i32
      %mul3A_153 = arith.constant 80 : i32
      %mul3A_154 = arith.muli %add3A_152, %mul3A_153 : i32
      %dma_wait3A_155 = arith.constant 0 : i32
      %dma_wait3A_156 = tpu.memref_slice %arg6[%mul3A_154, %dma_wait3A_155] : memref<800x128xf32, #tpu.memory_space<vmem>> -> memref<80x128xf32, #tpu.memory_space<vmem>>
      %dma_wait3A_157 = tpu.memref_slice %arg5[%mul3A_150] : memref<4000xi32, #tpu.memory_space<vmem>> -> memref<80xi32, #tpu.memory_space<vmem>>
      %dma_wait3A_158 = arith.constant 0 : i32
      %dma_wait3A_159 = arith.constant 0 : i32
      %dma_wait3A_160 = tpu.memref_slice %arg2[%dma_wait3A_158, %dma_wait3A_159] : memref<10000x128xf32, #tpu.memory_space<hbm>> -> memref<10000x128xf32, #tpu.memory_space<hbm>>
      tpu.wait_indirect_dma semaphore(%arg7 : memref<!tpu.dma_semaphore, #tpu.memory_space<semaphore_mem>>) src(%dma_wait3A_160 : memref<10000x128xf32, #tpu.memory_space<hbm>>) dst(%dma_wait3A_156 : memref<80x128xf32, #tpu.memory_space<vmem>>)
      %mul3A_161 = arith.constant 5 : i32
      %mul3A_162 = arith.muli %scan3A_20, %mul3A_161 : i32
      %add3A_163 = arith.constant 3 : i32
      %add3A_164 = arith.addi %mul3A_162, %add3A_163 : i32
      %mul3A_165 = arith.constant 80 : i32
      %mul3A_166 = arith.muli %add3A_164, %mul3A_165 : i32
      %add3A_167 = arith.constant 3 : i32
      %add3A_168 = arith.addi %mul3A_31, %add3A_167 : i32
      %mul3A_169 = arith.constant 80 : i32
      %mul3A_170 = arith.muli %add3A_168, %mul3A_169 : i32
      %dma_wait3A_171 = arith.constant 0 : i32
      %dma_wait3A_172 = tpu.memref_slice %arg6[%mul3A_170, %dma_wait3A_171] : memref<800x128xf32, #tpu.memory_space<vmem>> -> memref<80x128xf32, #tpu.memory_space<vmem>>
      %dma_wait3A_173 = tpu.memref_slice %arg5[%mul3A_166] : memref<4000xi32, #tpu.memory_space<vmem>> -> memref<80xi32, #tpu.memory_space<vmem>>
      %dma_wait3A_174 = arith.constant 0 : i32
      %dma_wait3A_175 = arith.constant 0 : i32
      %dma_wait3A_176 = tpu.memref_slice %arg2[%dma_wait3A_174, %dma_wait3A_175] : memref<10000x128xf32, #tpu.memory_space<hbm>> -> memref<10000x128xf32, #tpu.memory_space<hbm>>
      tpu.wait_indirect_dma semaphore(%arg7 : memref<!tpu.dma_semaphore, #tpu.memory_space<semaphore_mem>>) src(%dma_wait3A_176 : memref<10000x128xf32, #tpu.memory_space<hbm>>) dst(%dma_wait3A_172 : memref<80x128xf32, #tpu.memory_space<vmem>>)
      %mul3A_177 = arith.constant 5 : i32
      %mul3A_178 = arith.muli %scan3A_20, %mul3A_177 : i32
      %add3A_179 = arith.constant 4 : i32
      %add3A_180 = arith.addi %mul3A_178, %add3A_179 : i32
      %mul3A_181 = arith.constant 80 : i32
      %mul3A_182 = arith.muli %add3A_180, %mul3A_181 : i32
      %add3A_183 = arith.constant 4 : i32
      %add3A_184 = arith.addi %mul3A_31, %add3A_183 : i32
      %mul3A_185 = arith.constant 80 : i32
      %mul3A_186 = arith.muli %add3A_184, %mul3A_185 : i32
      %dma_wait3A_187 = arith.constant 0 : i32
      %dma_wait3A_188 = tpu.memref_slice %arg6[%mul3A_186, %dma_wait3A_187] : memref<800x128xf32, #tpu.memory_space<vmem>> -> memref<80x128xf32, #tpu.memory_space<vmem>>
      %dma_wait3A_189 = tpu.memref_slice %arg5[%mul3A_182] : memref<4000xi32, #tpu.memory_space<vmem>> -> memref<80xi32, #tpu.memory_space<vmem>>
      %dma_wait3A_190 = arith.constant 0 : i32
      %dma_wait3A_191 = arith.constant 0 : i32
      %dma_wait3A_192 = tpu.memref_slice %arg2[%dma_wait3A_190, %dma_wait3A_191] : memref<10000x128xf32, #tpu.memory_space<hbm>> -> memref<10000x128xf32, #tpu.memory_space<hbm>>
      tpu.wait_indirect_dma semaphore(%arg7 : memref<!tpu.dma_semaphore, #tpu.memory_space<semaphore_mem>>) src(%dma_wait3A_192 : memref<10000x128xf32, #tpu.memory_space<hbm>>) dst(%dma_wait3A_188 : memref<80x128xf32, #tpu.memory_space<vmem>>)
      %mul3A_193 = arith.constant 80 : i32
      %mul3A_194 = arith.muli %mul3A_31, %mul3A_193 : i32
      %mul3A_195 = arith.constant 5 : i32
      %mul3A_196 = arith.muli %scan3A_20, %mul3A_195 : i32
      %add3A_197 = arith.addi %mul3A_0, %mul3A_196 : i32
      %mul3A_198 = arith.constant 80 : i32
      %mul3A_199 = arith.muli %add3A_197, %mul3A_198 : i32
      %dma_start3A_200 = arith.constant 0 : i32
      %dma_start3A_201 = tpu.memref_slice %arg6[%mul3A_194, %dma_start3A_200] : memref<800x128xf32, #tpu.memory_space<vmem>> -> memref<400x128xf32, #tpu.memory_space<vmem>>
      %dma_start3A_202 = arith.constant 0 : i32
      %dma_start3A_203 = tpu.memref_slice %arg4[%mul3A_199, %dma_start3A_202] : memref<64000x128xf32, #tpu.memory_space<hbm>> -> memref<400x128xf32, #tpu.memory_space<hbm>>
      %dma_start3A_204 = arith.constant 0 : i32
      %dma_start3A_205 = tpu.memref_slice %arg4[%mul3A_199, %dma_start3A_204] : memref<64000x128xf32, #tpu.memory_space<hbm>> -> memref<400x128xf32, #tpu.memory_space<hbm>>
      %dma_start3A_206 = arith.constant 0 : i32
      %dma_start3A_207 = tpu.memref_slice %arg6[%mul3A_194, %dma_start3A_206] : memref<800x128xf32, #tpu.memory_space<vmem>> -> memref<400x128xf32, #tpu.memory_space<vmem>>
      tpu.enqueue_dma source(%dma_start3A_207 : memref<400x128xf32, #tpu.memory_space<vmem>>) target(%dma_start3A_205 : memref<400x128xf32, #tpu.memory_space<hbm>>) target_semaphore(%arg8 : memref<!tpu.dma_semaphore, #tpu.memory_space<semaphore_mem>>)
    }
    %scan3A_7 = arith.constant 10 : i32
    %add3A = arith.constant 45 : i32
    %add3A_8 = arith.addi %mul3A_0, %add3A : i32
    %mul3A_9 = arith.constant 80 : i32
    %mul3A_10 = arith.muli %add3A_8, %mul3A_9 : i32
    %dma_wait3A = arith.constant 400 : i32
    %dma_wait3A_11 = arith.constant 0 : i32
    %dma_wait3A_12 = tpu.memref_slice %arg6[%dma_wait3A, %dma_wait3A_11] : memref<800x128xf32, #tpu.memory_space<vmem>> -> memref<400x128xf32, #tpu.memory_space<vmem>>
    %dma_wait3A_13 = arith.constant 0 : i32
    %dma_wait3A_14 = tpu.memref_slice %arg4[%mul3A_10, %dma_wait3A_13] : memref<64000x128xf32, #tpu.memory_space<hbm>> -> memref<400x128xf32, #tpu.memory_space<hbm>>
    %dma_wait3A_15 = arith.constant 0 : i32
    %dma_wait3A_16 = tpu.memref_slice %arg4[%mul3A_10, %dma_wait3A_15] : memref<64000x128xf32, #tpu.memory_space<hbm>> -> memref<400x128xf32, #tpu.memory_space<hbm>>
    %dma_wait3A_17 = arith.constant 400 : i32
    %dma_wait3A_18 = arith.constant 0 : i32
    %dma_wait3A_19 = tpu.memref_slice %arg6[%dma_wait3A_17, %dma_wait3A_18] : memref<800x128xf32, #tpu.memory_space<vmem>> -> memref<400x128xf32, #tpu.memory_space<vmem>>
    tpu.wait_dma2 semaphore(%arg8 : memref<!tpu.dma_semaphore, #tpu.memory_space<semaphore_mem>>) src(%dma_wait3A_19 : memref<400x128xf32, #tpu.memory_space<vmem>>) dst(%dma_wait3A_16 : memref<400x128xf32, #tpu.memory_space<hbm>>)
    return
  }
}

module attributes {stable_mosaic.version = 14 : i64} {
  func.func @_v_body(%arg0: i32, %arg1: memref<2000x128xf32, #tpu.memory_space<vmem>>, %arg2: memref<128x128xf32, #tpu.memory_space<vmem>>, %arg3: memref<1x128xf32, #tpu.memory_space<vmem>>, %arg4: memref<2000x128xf32, #tpu.memory_space<vmem>>) attributes {dimension_semantics = [#tpu.dimension_semantics<arbitrary>], iteration_bounds = array<i64: 5>, scalar_prefetch = 0 : i64, scratch_operands = 0 : i64, tpu.core_type = #tpu.core_type<tc>, window_params = [{transform_indices = @transform_0, window_bounds = array<i64: 2000, 128>}, {pipeline_mode = #tpu.pipeline_mode<synchronous>, transform_indices = @transform_1, window_bounds = array<i64: 128, 128>}, {pipeline_mode = #tpu.pipeline_mode<synchronous>, transform_indices = @transform_2, window_bounds = array<i64: 1, 128>}, {transform_indices = @transform_3, window_bounds = array<i64: 2000, 128>}]} {
    %get3A = arith.constant 0 : index
    %get3A_0 = arith.constant 0 : index
    %get3A_1 = vector.load %arg1[%get3A, %get3A_0] : memref<2000x128xf32, #tpu.memory_space<vmem>>, vector<2000x128xf32>
    %get3A_2 = arith.constant 0 : index
    %get3A_3 = arith.constant 0 : index
    %get3A_4 = vector.load %arg2[%get3A_2, %get3A_3] : memref<128x128xf32, #tpu.memory_space<vmem>>, vector<128x128xf32>
    %dot_general3A = arith.constant dense<0.000000e+00> : vector<2000x128xf32>
    %dot_general3A_5 = tpu.matmul %get3A_1, %get3A_4, %dot_general3A {dimension_numbers = #tpu.dot_dimension_numbers<[1], [0], [0], [1], [0, 0, 1, 1], [], []>, transpose_lhs_hint = false} : vector<2000x128xf32>, vector<128x128xf32>, vector<2000x128xf32> -> vector<2000x128xf32>
    %get3A_6 = arith.constant 0 : index
    %get3A_7 = arith.constant 0 : index
    %get3A_8 = vector.load %arg3[%get3A_6, %get3A_7] : memref<1x128xf32, #tpu.memory_space<vmem>>, vector<1x128xf32>
    %add3A = vector.broadcast %get3A_8 : vector<1x128xf32> to vector<2000x128xf32>
    %add3A_9 = arith.addf %dot_general3A_5, %add3A : vector<2000x128xf32>
    %max3A = arith.constant 0.000000e+00 : f32
    %max3A_10 = vector.broadcast %max3A : f32 to vector<2000x128xf32>
    %max3A_11 = arith.maximumf %add3A_9, %max3A_10 : vector<2000x128xf32>
    %abs3A = math.absf %add3A_9 : vector<2000x128xf32>
    %neg3A = arith.constant 0.000000e+00 : f32
    %neg3A_12 = vector.broadcast %neg3A : f32 to vector<2000x128xf32>
    %neg3A_13 = arith.subf %neg3A_12, %abs3A : vector<2000x128xf32>
    %exp3A = math.exp %neg3A_13 : vector<2000x128xf32>
    %log1p3A = math.log1p %exp3A : vector<2000x128xf32>
    %add3A_14 = arith.addf %max3A_11, %log1p3A : vector<2000x128xf32>
    %swap3A = arith.constant 0 : index
    %swap3A_15 = arith.constant 0 : index
    %swap3A_16 = vector.load %arg4[%swap3A, %swap3A_15] : memref<2000x128xf32, #tpu.memory_space<vmem>>, vector<2000x128xf32>
    tpu.vector_store %arg4[%swap3A, %swap3A_15], %add3A_14 {strides = array<i32>} : memref<2000x128xf32, #tpu.memory_space<vmem>>, vector<2000x128xf32>,
    return
  }
  func.func @transform_0(%arg0: i32) -> (i32, i32) {
    %c0_i32 = arith.constant 0 : i32
    %c0_i32_0 = arith.constant 0 : i32
    return %arg0, %c0_i32 : i32, i32
  }
  func.func @transform_1(%arg0: i32) -> (i32, i32) {
    %c0_i32 = arith.constant 0 : i32
    %c0_i32_0 = arith.constant 0 : i32
    %c0_i32_1 = arith.constant 0 : i32
    return %c0_i32, %c0_i32_0 : i32, i32
  }
  func.func @transform_2(%arg0: i32) -> (i32, i32) {
    %c0_i32 = arith.constant 0 : i32
    %c0_i32_0 = arith.constant 0 : i32
    %c0_i32_1 = arith.constant 0 : i32
    return %c0_i32, %c0_i32_0 : i32, i32
  }
  func.func @transform_3(%arg0: i32) -> (i32, i32) {
    %c0_i32 = arith.constant 0 : i32
    %c0_i32_0 = arith.constant 0 : i32
    return %arg0, %c0_i32 : i32, i32
  }
}

module attributes {stable_mosaic.version = 14 : i64} {
  func.func @_main_body(%arg0: i32, %arg1: memref<12800x128xf32, #tpu.memory_space<vmem>>, %arg2: memref<12800x128xf32, #tpu.memory_space<vmem>>, %arg3: memref<400x128xf32, #tpu.memory_space<vmem>>, %arg4: memref<128x128xbf16, #tpu.memory_space<vmem>>, %arg5: memref<1x128xf32, #tpu.memory_space<vmem>>, %arg6: memref<128x128xbf16, #tpu.memory_space<vmem>>, %arg7: memref<1x128xf32, #tpu.memory_space<vmem>>, %arg8: memref<128x128xf32, #tpu.memory_space<vmem>>, %arg9: memref<1x128xf32, #tpu.memory_space<vmem>>, %arg10: memref<400x128xf32, #tpu.memory_space<vmem>>) attributes {dimension_semantics = [#tpu.dimension_semantics<arbitrary>], iteration_bounds = array<i64: 5>, scalar_prefetch = 0 : i64, scratch_operands = 0 : i64, tpu.core_type = #tpu.core_type<tc>, window_params = [{transform_indices = @transform_0, window_bounds = array<i64: 12800, 128>}, {transform_indices = @transform_1, window_bounds = array<i64: 12800, 128>}, {transform_indices = @transform_2, window_bounds = array<i64: 400, 128>}, {pipeline_mode = #tpu.pipeline_mode<synchronous>, transform_indices = @transform_3, window_bounds = array<i64: 128, 128>}, {pipeline_mode = #tpu.pipeline_mode<synchronous>, transform_indices = @transform_4, window_bounds = array<i64: 1, 128>}, {pipeline_mode = #tpu.pipeline_mode<synchronous>, transform_indices = @transform_5, window_bounds = array<i64: 128, 128>}, {pipeline_mode = #tpu.pipeline_mode<synchronous>, transform_indices = @transform_6, window_bounds = array<i64: 1, 128>}, {pipeline_mode = #tpu.pipeline_mode<synchronous>, transform_indices = @transform_7, window_bounds = array<i64: 128, 128>}, {pipeline_mode = #tpu.pipeline_mode<synchronous>, transform_indices = @transform_8, window_bounds = array<i64: 1, 128>}, {transform_indices = @transform_9, window_bounds = array<i64: 400, 128>}]} {
    %get3A = arith.constant 0 : index
    %get3A_0 = arith.constant 0 : index
    %get3A_1 = vector.load %arg1[%get3A, %get3A_0] : memref<12800x128xf32, #tpu.memory_space<vmem>>, vector<12800x128xf32>
    %convert_element_type3A = arith.truncf %get3A_1 : vector<12800x128xf32> to vector<12800x128xbf16>
    %get3A_2 = arith.constant 0 : index
    %get3A_3 = arith.constant 0 : index
    %get3A_4 = vector.load %arg4[%get3A_2, %get3A_3] : memref<128x128xbf16, #tpu.memory_space<vmem>>, vector<128x128xbf16>
    %dot_general3A = arith.constant dense<0.000000e+00> : vector<12800x128xf32>
    %dot_general3A_5 = tpu.matmul %convert_element_type3A, %get3A_4, %dot_general3A {dimension_numbers = #tpu.dot_dimension_numbers<[1], [0], [0], [1], [0, 0, 1, 1], [], []>, transpose_lhs_hint = false} : vector<12800x128xbf16>, vector<128x128xbf16>, vector<12800x128xf32> -> vector<12800x128xf32>
    %get3A_6 = arith.constant 0 : index
    %get3A_7 = arith.constant 0 : index
    %get3A_8 = vector.load %arg5[%get3A_6, %get3A_7] : memref<1x128xf32, #tpu.memory_space<vmem>>, vector<1x128xf32>
    %add3A = vector.broadcast %get3A_8 : vector<1x128xf32> to vector<12800x128xf32>
    %add3A_9 = arith.addf %dot_general3A_5, %add3A : vector<12800x128xf32>
    %max3A = arith.constant 0.000000e+00 : f32
    %max3A_10 = vector.broadcast %max3A : f32 to vector<12800x128xf32>
    %max3A_11 = arith.maximumf %add3A_9, %max3A_10 : vector<12800x128xf32>
    %abs3A = math.absf %add3A_9 : vector<12800x128xf32>
    %neg3A = arith.constant 0.000000e+00 : f32
    %neg3A_12 = vector.broadcast %neg3A : f32 to vector<12800x128xf32>
    %neg3A_13 = arith.subf %neg3A_12, %abs3A : vector<12800x128xf32>
    %exp3A = math.exp %neg3A_13 : vector<12800x128xf32>
    %log1p3A = math.log1p %exp3A : vector<12800x128xf32>
    %add3A_14 = arith.addf %max3A_11, %log1p3A : vector<12800x128xf32>
    %convert_element_type3A_15 = arith.truncf %add3A_14 : vector<12800x128xf32> to vector<12800x128xbf16>
    %get3A_16 = arith.constant 0 : index
    %get3A_17 = arith.constant 0 : index
    %get3A_18 = vector.load %arg6[%get3A_16, %get3A_17] : memref<128x128xbf16, #tpu.memory_space<vmem>>, vector<128x128xbf16>
    %dot_general3A_19 = arith.constant dense<0.000000e+00> : vector<12800x128xf32>
    %dot_general3A_20 = tpu.matmul %convert_element_type3A_15, %get3A_18, %dot_general3A_19 {dimension_numbers = #tpu.dot_dimension_numbers<[1], [0], [0], [1], [0, 0, 1, 1], [], []>, transpose_lhs_hint = false} : vector<12800x128xbf16>, vector<128x128xbf16>, vector<12800x128xf32> -> vector<12800x128xf32>
    %get3A_21 = arith.constant 0 : index
    %get3A_22 = arith.constant 0 : index
    %get3A_23 = vector.load %arg7[%get3A_21, %get3A_22] : memref<1x128xf32, #tpu.memory_space<vmem>>, vector<1x128xf32>
    %add3A_24 = vector.broadcast %get3A_23 : vector<1x128xf32> to vector<12800x128xf32>
    %add3A_25 = arith.addf %dot_general3A_20, %add3A_24 : vector<12800x128xf32>
    %get3A_26 = arith.constant 0 : index
    %get3A_27 = arith.constant 0 : index
    %get3A_28 = vector.load %arg2[%get3A_26, %get3A_27] : memref<12800x128xf32, #tpu.memory_space<vmem>>, vector<12800x128xf32>
    %mul3A = arith.mulf %add3A_25, %get3A_28 : vector<12800x128xf32>
    %reshape3A = vector.shape_cast %mul3A : vector<12800x128xf32> to vector<400x32x128xf32>
    %reduce_sum3A = arith.constant dense<0.000000e+00> : vector<400x128xf32>
    %reduce_sum3A_29 = vector.multi_reduction <add>, %reshape3A, %reduce_sum3A [1] : vector<400x32x128xf32> to vector<400x128xf32>
    %get3A_30 = arith.constant 0 : index
    %get3A_31 = arith.constant 0 : index
    %get3A_32 = vector.load %arg8[%get3A_30, %get3A_31] : memref<128x128xf32, #tpu.memory_space<vmem>>, vector<128x128xf32>
    %dot_general3A_33 = arith.constant dense<0.000000e+00> : vector<400x128xf32>
    %dot_general3A_34 = tpu.matmul %reduce_sum3A_29, %get3A_32, %dot_general3A_33 {dimension_numbers = #tpu.dot_dimension_numbers<[1], [0], [0], [1], [0, 0, 1, 1], [], []>, transpose_lhs_hint = false} : vector<400x128xf32>, vector<128x128xf32>, vector<400x128xf32> -> vector<400x128xf32>
    %get3A_35 = arith.constant 0 : index
    %get3A_36 = arith.constant 0 : index
    %get3A_37 = vector.load %arg9[%get3A_35, %get3A_36] : memref<1x128xf32, #tpu.memory_space<vmem>>, vector<1x128xf32>
    %add3A_38 = vector.broadcast %get3A_37 : vector<1x128xf32> to vector<400x128xf32>
    %add3A_39 = arith.addf %dot_general3A_34, %add3A_38 : vector<400x128xf32>
    %max3A_40 = arith.constant 0.000000e+00 : f32
    %max3A_41 = vector.broadcast %max3A_40 : f32 to vector<400x128xf32>
    %max3A_42 = arith.maximumf %add3A_39, %max3A_41 : vector<400x128xf32>
    %abs3A_43 = math.absf %add3A_39 : vector<400x128xf32>
    %neg3A_44 = arith.constant 0.000000e+00 : f32
    %neg3A_45 = vector.broadcast %neg3A_44 : f32 to vector<400x128xf32>
    %neg3A_46 = arith.subf %neg3A_45, %abs3A_43 : vector<400x128xf32>
    %exp3A_47 = math.exp %neg3A_46 : vector<400x128xf32>
    %log1p3A_48 = math.log1p %exp3A_47 : vector<400x128xf32>
    %add3A_49 = arith.addf %max3A_42, %log1p3A_48 : vector<400x128xf32>
    %get3A_50 = arith.constant 0 : index
    %get3A_51 = arith.constant 0 : index
    %get3A_52 = vector.load %arg3[%get3A_50, %get3A_51] : memref<400x128xf32, #tpu.memory_space<vmem>>, vector<400x128xf32>
    %add3A_53 = arith.addf %get3A_52, %add3A_49 : vector<400x128xf32>
    %swap3A = arith.constant 0 : index
    %swap3A_54 = arith.constant 0 : index
    %swap3A_55 = vector.load %arg10[%swap3A, %swap3A_54] : memref<400x128xf32, #tpu.memory_space<vmem>>, vector<400x128xf32>
    tpu.vector_store %arg10[%swap3A, %swap3A_54], %add3A_53 {strides = array<i32>} : memref<400x128xf32, #tpu.memory_space<vmem>>, vector<400x128xf32>,
    return
  }
  func.func @transform_0(%arg0: i32) -> (i32, i32) {
    %add3A = arith.constant 15 : i32
    %add3A_0 = arith.addi %arg0, %add3A : i32
    %c0_i32 = arith.constant 0 : i32
    %c0_i32_1 = arith.constant 0 : i32
    return %add3A_0, %c0_i32 : i32, i32
  }
  func.func @transform_1(%arg0: i32) -> (i32, i32) {
    %c0_i32 = arith.constant 0 : i32
    %c0_i32_0 = arith.constant 0 : i32
    return %arg0, %c0_i32 : i32, i32
  }
  func.func @transform_2(%arg0: i32) -> (i32, i32) {
    %add3A = arith.constant 15 : i32
    %add3A_0 = arith.addi %arg0, %add3A : i32
    %c0_i32 = arith.constant 0 : i32
    %c0_i32_1 = arith.constant 0 : i32
    return %add3A_0, %c0_i32 : i32, i32
  }
  func.func @transform_3(%arg0: i32) -> (i32, i32) {
    %c0_i32 = arith.constant 0 : i32
    %c0_i32_0 = arith.constant 0 : i32
    %c0_i32_1 = arith.constant 0 : i32
    return %c0_i32, %c0_i32_0 : i32, i32
  }
  func.func @transform_4(%arg0: i32) -> (i32, i32) {
    %c0_i32 = arith.constant 0 : i32
    %c0_i32_0 = arith.constant 0 : i32
    %c0_i32_1 = arith.constant 0 : i32
    return %c0_i32, %c0_i32_0 : i32, i32
  }
  func.func @transform_5(%arg0: i32) -> (i32, i32) {
    %c0_i32 = arith.constant 0 : i32
    %c0_i32_0 = arith.constant 0 : i32
    %c0_i32_1 = arith.constant 0 : i32
    return %c0_i32, %c0_i32_0 : i32, i32
  }
  func.func @transform_6(%arg0: i32) -> (i32, i32) {
    %c0_i32 = arith.constant 0 : i32
    %c0_i32_0 = arith.constant 0 : i32
    %c0_i32_1 = arith.constant 0 : i32
    return %c0_i32, %c0_i32_0 : i32, i32
  }
  func.func @transform_7(%arg0: i32) -> (i32, i32) {
    %c0_i32 = arith.constant 0 : i32
    %c0_i32_0 = arith.constant 0 : i32
    %c0_i32_1 = arith.constant 0 : i32
    return %c0_i32, %c0_i32_0 : i32, i32
  }
  func.func @transform_8(%arg0: i32) -> (i32, i32) {
    %c0_i32 = arith.constant 0 : i32
    %c0_i32_0 = arith.constant 0 : i32
    %c0_i32_1 = arith.constant 0 : i32
    return %c0_i32, %c0_i32_0 : i32, i32
  }
  func.func @transform_9(%arg0: i32) -> (i32, i32) {
    %c0_i32 = arith.constant 0 : i32
    %c0_i32_0 = arith.constant 0 : i32
    return %arg0, %c0_i32 : i32, i32
  }
}

module attributes {stable_mosaic.version = 14 : i64} {
  func.func @_main_body(%arg0: i32, %arg1: memref<12800x128xf32, #tpu.memory_space<vmem>>, %arg2: memref<12800x128xf32, #tpu.memory_space<vmem>>, %arg3: memref<400x128xf32, #tpu.memory_space<vmem>>, %arg4: memref<128x128xbf16, #tpu.memory_space<vmem>>, %arg5: memref<1x128xf32, #tpu.memory_space<vmem>>, %arg6: memref<128x128xbf16, #tpu.memory_space<vmem>>, %arg7: memref<1x128xf32, #tpu.memory_space<vmem>>, %arg8: memref<128x128xf32, #tpu.memory_space<vmem>>, %arg9: memref<1x128xf32, #tpu.memory_space<vmem>>, %arg10: memref<400x128xf32, #tpu.memory_space<vmem>>) attributes {dimension_semantics = [#tpu.dimension_semantics<arbitrary>], iteration_bounds = array<i64: 5>, scalar_prefetch = 0 : i64, scratch_operands = 0 : i64, tpu.core_type = #tpu.core_type<tc>, window_params = [{transform_indices = @transform_0, window_bounds = array<i64: 12800, 128>}, {transform_indices = @transform_1, window_bounds = array<i64: 12800, 128>}, {transform_indices = @transform_2, window_bounds = array<i64: 400, 128>}, {pipeline_mode = #tpu.pipeline_mode<synchronous>, transform_indices = @transform_3, window_bounds = array<i64: 128, 128>}, {pipeline_mode = #tpu.pipeline_mode<synchronous>, transform_indices = @transform_4, window_bounds = array<i64: 1, 128>}, {pipeline_mode = #tpu.pipeline_mode<synchronous>, transform_indices = @transform_5, window_bounds = array<i64: 128, 128>}, {pipeline_mode = #tpu.pipeline_mode<synchronous>, transform_indices = @transform_6, window_bounds = array<i64: 1, 128>}, {pipeline_mode = #tpu.pipeline_mode<synchronous>, transform_indices = @transform_7, window_bounds = array<i64: 128, 128>}, {pipeline_mode = #tpu.pipeline_mode<synchronous>, transform_indices = @transform_8, window_bounds = array<i64: 1, 128>}, {transform_indices = @transform_9, window_bounds = array<i64: 400, 128>}]} {
    %get3A = arith.constant 0 : index
    %get3A_0 = arith.constant 0 : index
    %get3A_1 = vector.load %arg1[%get3A, %get3A_0] : memref<12800x128xf32, #tpu.memory_space<vmem>>, vector<12800x128xf32>
    %convert_element_type3A = arith.truncf %get3A_1 : vector<12800x128xf32> to vector<12800x128xbf16>
    %get3A_2 = arith.constant 0 : index
    %get3A_3 = arith.constant 0 : index
    %get3A_4 = vector.load %arg4[%get3A_2, %get3A_3] : memref<128x128xbf16, #tpu.memory_space<vmem>>, vector<128x128xbf16>
    %dot_general3A = arith.constant dense<0.000000e+00> : vector<12800x128xf32>
    %dot_general3A_5 = tpu.matmul %convert_element_type3A, %get3A_4, %dot_general3A {dimension_numbers = #tpu.dot_dimension_numbers<[1], [0], [0], [1], [0, 0, 1, 1], [], []>, transpose_lhs_hint = false} : vector<12800x128xbf16>, vector<128x128xbf16>, vector<12800x128xf32> -> vector<12800x128xf32>
    %get3A_6 = arith.constant 0 : index
    %get3A_7 = arith.constant 0 : index
    %get3A_8 = vector.load %arg5[%get3A_6, %get3A_7] : memref<1x128xf32, #tpu.memory_space<vmem>>, vector<1x128xf32>
    %add3A = vector.broadcast %get3A_8 : vector<1x128xf32> to vector<12800x128xf32>
    %add3A_9 = arith.addf %dot_general3A_5, %add3A : vector<12800x128xf32>
    %max3A = arith.constant 0.000000e+00 : f32
    %max3A_10 = vector.broadcast %max3A : f32 to vector<12800x128xf32>
    %max3A_11 = arith.maximumf %add3A_9, %max3A_10 : vector<12800x128xf32>
    %abs3A = math.absf %add3A_9 : vector<12800x128xf32>
    %neg3A = arith.constant 0.000000e+00 : f32
    %neg3A_12 = vector.broadcast %neg3A : f32 to vector<12800x128xf32>
    %neg3A_13 = arith.subf %neg3A_12, %abs3A : vector<12800x128xf32>
    %exp3A = math.exp %neg3A_13 : vector<12800x128xf32>
    %log1p3A = math.log1p %exp3A : vector<12800x128xf32>
    %add3A_14 = arith.addf %max3A_11, %log1p3A : vector<12800x128xf32>
    %convert_element_type3A_15 = arith.truncf %add3A_14 : vector<12800x128xf32> to vector<12800x128xbf16>
    %get3A_16 = arith.constant 0 : index
    %get3A_17 = arith.constant 0 : index
    %get3A_18 = vector.load %arg6[%get3A_16, %get3A_17] : memref<128x128xbf16, #tpu.memory_space<vmem>>, vector<128x128xbf16>
    %dot_general3A_19 = arith.constant dense<0.000000e+00> : vector<12800x128xf32>
    %dot_general3A_20 = tpu.matmul %convert_element_type3A_15, %get3A_18, %dot_general3A_19 {dimension_numbers = #tpu.dot_dimension_numbers<[1], [0], [0], [1], [0, 0, 1, 1], [], []>, transpose_lhs_hint = false} : vector<12800x128xbf16>, vector<128x128xbf16>, vector<12800x128xf32> -> vector<12800x128xf32>
    %get3A_21 = arith.constant 0 : index
    %get3A_22 = arith.constant 0 : index
    %get3A_23 = vector.load %arg7[%get3A_21, %get3A_22] : memref<1x128xf32, #tpu.memory_space<vmem>>, vector<1x128xf32>
    %add3A_24 = vector.broadcast %get3A_23 : vector<1x128xf32> to vector<12800x128xf32>
    %add3A_25 = arith.addf %dot_general3A_20, %add3A_24 : vector<12800x128xf32>
    %get3A_26 = arith.constant 0 : index
    %get3A_27 = arith.constant 0 : index
    %get3A_28 = vector.load %arg2[%get3A_26, %get3A_27] : memref<12800x128xf32, #tpu.memory_space<vmem>>, vector<12800x128xf32>
    %mul3A = arith.mulf %add3A_25, %get3A_28 : vector<12800x128xf32>
    %reshape3A = vector.shape_cast %mul3A : vector<12800x128xf32> to vector<400x32x128xf32>
    %reduce_sum3A = arith.constant dense<0.000000e+00> : vector<400x128xf32>
    %reduce_sum3A_29 = vector.multi_reduction <add>, %reshape3A, %reduce_sum3A [1] : vector<400x32x128xf32> to vector<400x128xf32>
    %get3A_30 = arith.constant 0 : index
    %get3A_31 = arith.constant 0 : index
    %get3A_32 = vector.load %arg8[%get3A_30, %get3A_31] : memref<128x128xf32, #tpu.memory_space<vmem>>, vector<128x128xf32>
    %dot_general3A_33 = arith.constant dense<0.000000e+00> : vector<400x128xf32>
    %dot_general3A_34 = tpu.matmul %reduce_sum3A_29, %get3A_32, %dot_general3A_33 {dimension_numbers = #tpu.dot_dimension_numbers<[1], [0], [0], [1], [0, 0, 1, 1], [], []>, transpose_lhs_hint = false} : vector<400x128xf32>, vector<128x128xf32>, vector<400x128xf32> -> vector<400x128xf32>
    %get3A_35 = arith.constant 0 : index
    %get3A_36 = arith.constant 0 : index
    %get3A_37 = vector.load %arg9[%get3A_35, %get3A_36] : memref<1x128xf32, #tpu.memory_space<vmem>>, vector<1x128xf32>
    %add3A_38 = vector.broadcast %get3A_37 : vector<1x128xf32> to vector<400x128xf32>
    %add3A_39 = arith.addf %dot_general3A_34, %add3A_38 : vector<400x128xf32>
    %max3A_40 = arith.constant 0.000000e+00 : f32
    %max3A_41 = vector.broadcast %max3A_40 : f32 to vector<400x128xf32>
    %max3A_42 = arith.maximumf %add3A_39, %max3A_41 : vector<400x128xf32>
    %abs3A_43 = math.absf %add3A_39 : vector<400x128xf32>
    %neg3A_44 = arith.constant 0.000000e+00 : f32
    %neg3A_45 = vector.broadcast %neg3A_44 : f32 to vector<400x128xf32>
    %neg3A_46 = arith.subf %neg3A_45, %abs3A_43 : vector<400x128xf32>
    %exp3A_47 = math.exp %neg3A_46 : vector<400x128xf32>
    %log1p3A_48 = math.log1p %exp3A_47 : vector<400x128xf32>
    %add3A_49 = arith.addf %max3A_42, %log1p3A_48 : vector<400x128xf32>
    %get3A_50 = arith.constant 0 : index
    %get3A_51 = arith.constant 0 : index
    %get3A_52 = vector.load %arg3[%get3A_50, %get3A_51] : memref<400x128xf32, #tpu.memory_space<vmem>>, vector<400x128xf32>
    %add3A_53 = arith.addf %get3A_52, %add3A_49 : vector<400x128xf32>
    %swap3A = arith.constant 0 : index
    %swap3A_54 = arith.constant 0 : index
    %swap3A_55 = vector.load %arg10[%swap3A, %swap3A_54] : memref<400x128xf32, #tpu.memory_space<vmem>>, vector<400x128xf32>
    tpu.vector_store %arg10[%swap3A, %swap3A_54], %add3A_53 {strides = array<i32>} : memref<400x128xf32, #tpu.memory_space<vmem>>, vector<400x128xf32>,
    return
  }
  func.func @transform_0(%arg0: i32) -> (i32, i32) {
    %add3A = arith.constant 10 : i32
    %add3A_0 = arith.addi %arg0, %add3A : i32
    %c0_i32 = arith.constant 0 : i32
    %c0_i32_1 = arith.constant 0 : i32
    return %add3A_0, %c0_i32 : i32, i32
  }
  func.func @transform_1(%arg0: i32) -> (i32, i32) {
    %c0_i32 = arith.constant 0 : i32
    %c0_i32_0 = arith.constant 0 : i32
    return %arg0, %c0_i32 : i32, i32
  }
  func.func @transform_2(%arg0: i32) -> (i32, i32) {
    %add3A = arith.constant 10 : i32
    %add3A_0 = arith.addi %arg0, %add3A : i32
    %c0_i32 = arith.constant 0 : i32
    %c0_i32_1 = arith.constant 0 : i32
    return %add3A_0, %c0_i32 : i32, i32
  }
  func.func @transform_3(%arg0: i32) -> (i32, i32) {
    %c0_i32 = arith.constant 0 : i32
    %c0_i32_0 = arith.constant 0 : i32
    %c0_i32_1 = arith.constant 0 : i32
    return %c0_i32, %c0_i32_0 : i32, i32
  }
  func.func @transform_4(%arg0: i32) -> (i32, i32) {
    %c0_i32 = arith.constant 0 : i32
    %c0_i32_0 = arith.constant 0 : i32
    %c0_i32_1 = arith.constant 0 : i32
    return %c0_i32, %c0_i32_0 : i32, i32
  }
  func.func @transform_5(%arg0: i32) -> (i32, i32) {
    %c0_i32 = arith.constant 0 : i32
    %c0_i32_0 = arith.constant 0 : i32
    %c0_i32_1 = arith.constant 0 : i32
    return %c0_i32, %c0_i32_0 : i32, i32
  }
  func.func @transform_6(%arg0: i32) -> (i32, i32) {
    %c0_i32 = arith.constant 0 : i32
    %c0_i32_0 = arith.constant 0 : i32
    %c0_i32_1 = arith.constant 0 : i32
    return %c0_i32, %c0_i32_0 : i32, i32
  }
  func.func @transform_7(%arg0: i32) -> (i32, i32) {
    %c0_i32 = arith.constant 0 : i32
    %c0_i32_0 = arith.constant 0 : i32
    %c0_i32_1 = arith.constant 0 : i32
    return %c0_i32, %c0_i32_0 : i32, i32
  }
  func.func @transform_8(%arg0: i32) -> (i32, i32) {
    %c0_i32 = arith.constant 0 : i32
    %c0_i32_0 = arith.constant 0 : i32
    %c0_i32_1 = arith.constant 0 : i32
    return %c0_i32, %c0_i32_0 : i32, i32
  }
  func.func @transform_9(%arg0: i32) -> (i32, i32) {
    %c0_i32 = arith.constant 0 : i32
    %c0_i32_0 = arith.constant 0 : i32
    return %arg0, %c0_i32 : i32, i32
  }
}

module attributes {stable_mosaic.version = 14 : i64} {
  func.func @_main_body(%arg0: i32, %arg1: memref<12800x128xf32, #tpu.memory_space<vmem>>, %arg2: memref<12800x128xf32, #tpu.memory_space<vmem>>, %arg3: memref<400x128xf32, #tpu.memory_space<vmem>>, %arg4: memref<128x128xbf16, #tpu.memory_space<vmem>>, %arg5: memref<1x128xf32, #tpu.memory_space<vmem>>, %arg6: memref<128x128xbf16, #tpu.memory_space<vmem>>, %arg7: memref<1x128xf32, #tpu.memory_space<vmem>>, %arg8: memref<128x128xf32, #tpu.memory_space<vmem>>, %arg9: memref<1x128xf32, #tpu.memory_space<vmem>>, %arg10: memref<400x128xf32, #tpu.memory_space<vmem>>) attributes {dimension_semantics = [#tpu.dimension_semantics<arbitrary>], iteration_bounds = array<i64: 5>, scalar_prefetch = 0 : i64, scratch_operands = 0 : i64, tpu.core_type = #tpu.core_type<tc>, window_params = [{transform_indices = @transform_0, window_bounds = array<i64: 12800, 128>}, {transform_indices = @transform_1, window_bounds = array<i64: 12800, 128>}, {transform_indices = @transform_2, window_bounds = array<i64: 400, 128>}, {pipeline_mode = #tpu.pipeline_mode<synchronous>, transform_indices = @transform_3, window_bounds = array<i64: 128, 128>}, {pipeline_mode = #tpu.pipeline_mode<synchronous>, transform_indices = @transform_4, window_bounds = array<i64: 1, 128>}, {pipeline_mode = #tpu.pipeline_mode<synchronous>, transform_indices = @transform_5, window_bounds = array<i64: 128, 128>}, {pipeline_mode = #tpu.pipeline_mode<synchronous>, transform_indices = @transform_6, window_bounds = array<i64: 1, 128>}, {pipeline_mode = #tpu.pipeline_mode<synchronous>, transform_indices = @transform_7, window_bounds = array<i64: 128, 128>}, {pipeline_mode = #tpu.pipeline_mode<synchronous>, transform_indices = @transform_8, window_bounds = array<i64: 1, 128>}, {transform_indices = @transform_9, window_bounds = array<i64: 400, 128>}]} {
    %get3A = arith.constant 0 : index
    %get3A_0 = arith.constant 0 : index
    %get3A_1 = vector.load %arg1[%get3A, %get3A_0] : memref<12800x128xf32, #tpu.memory_space<vmem>>, vector<12800x128xf32>
    %convert_element_type3A = arith.truncf %get3A_1 : vector<12800x128xf32> to vector<12800x128xbf16>
    %get3A_2 = arith.constant 0 : index
    %get3A_3 = arith.constant 0 : index
    %get3A_4 = vector.load %arg4[%get3A_2, %get3A_3] : memref<128x128xbf16, #tpu.memory_space<vmem>>, vector<128x128xbf16>
    %dot_general3A = arith.constant dense<0.000000e+00> : vector<12800x128xf32>
    %dot_general3A_5 = tpu.matmul %convert_element_type3A, %get3A_4, %dot_general3A {dimension_numbers = #tpu.dot_dimension_numbers<[1], [0], [0], [1], [0, 0, 1, 1], [], []>, transpose_lhs_hint = false} : vector<12800x128xbf16>, vector<128x128xbf16>, vector<12800x128xf32> -> vector<12800x128xf32>
    %get3A_6 = arith.constant 0 : index
    %get3A_7 = arith.constant 0 : index
    %get3A_8 = vector.load %arg5[%get3A_6, %get3A_7] : memref<1x128xf32, #tpu.memory_space<vmem>>, vector<1x128xf32>
    %add3A = vector.broadcast %get3A_8 : vector<1x128xf32> to vector<12800x128xf32>
    %add3A_9 = arith.addf %dot_general3A_5, %add3A : vector<12800x128xf32>
    %max3A = arith.constant 0.000000e+00 : f32
    %max3A_10 = vector.broadcast %max3A : f32 to vector<12800x128xf32>
    %max3A_11 = arith.maximumf %add3A_9, %max3A_10 : vector<12800x128xf32>
    %abs3A = math.absf %add3A_9 : vector<12800x128xf32>
    %neg3A = arith.constant 0.000000e+00 : f32
    %neg3A_12 = vector.broadcast %neg3A : f32 to vector<12800x128xf32>
    %neg3A_13 = arith.subf %neg3A_12, %abs3A : vector<12800x128xf32>
    %exp3A = math.exp %neg3A_13 : vector<12800x128xf32>
    %log1p3A = math.log1p %exp3A : vector<12800x128xf32>
    %add3A_14 = arith.addf %max3A_11, %log1p3A : vector<12800x128xf32>
    %convert_element_type3A_15 = arith.truncf %add3A_14 : vector<12800x128xf32> to vector<12800x128xbf16>
    %get3A_16 = arith.constant 0 : index
    %get3A_17 = arith.constant 0 : index
    %get3A_18 = vector.load %arg6[%get3A_16, %get3A_17] : memref<128x128xbf16, #tpu.memory_space<vmem>>, vector<128x128xbf16>
    %dot_general3A_19 = arith.constant dense<0.000000e+00> : vector<12800x128xf32>
    %dot_general3A_20 = tpu.matmul %convert_element_type3A_15, %get3A_18, %dot_general3A_19 {dimension_numbers = #tpu.dot_dimension_numbers<[1], [0], [0], [1], [0, 0, 1, 1], [], []>, transpose_lhs_hint = false} : vector<12800x128xbf16>, vector<128x128xbf16>, vector<12800x128xf32> -> vector<12800x128xf32>
    %get3A_21 = arith.constant 0 : index
    %get3A_22 = arith.constant 0 : index
    %get3A_23 = vector.load %arg7[%get3A_21, %get3A_22] : memref<1x128xf32, #tpu.memory_space<vmem>>, vector<1x128xf32>
    %add3A_24 = vector.broadcast %get3A_23 : vector<1x128xf32> to vector<12800x128xf32>
    %add3A_25 = arith.addf %dot_general3A_20, %add3A_24 : vector<12800x128xf32>
    %get3A_26 = arith.constant 0 : index
    %get3A_27 = arith.constant 0 : index
    %get3A_28 = vector.load %arg2[%get3A_26, %get3A_27] : memref<12800x128xf32, #tpu.memory_space<vmem>>, vector<12800x128xf32>
    %mul3A = arith.mulf %add3A_25, %get3A_28 : vector<12800x128xf32>
    %reshape3A = vector.shape_cast %mul3A : vector<12800x128xf32> to vector<400x32x128xf32>
    %reduce_sum3A = arith.constant dense<0.000000e+00> : vector<400x128xf32>
    %reduce_sum3A_29 = vector.multi_reduction <add>, %reshape3A, %reduce_sum3A [1] : vector<400x32x128xf32> to vector<400x128xf32>
    %get3A_30 = arith.constant 0 : index
    %get3A_31 = arith.constant 0 : index
    %get3A_32 = vector.load %arg8[%get3A_30, %get3A_31] : memref<128x128xf32, #tpu.memory_space<vmem>>, vector<128x128xf32>
    %dot_general3A_33 = arith.constant dense<0.000000e+00> : vector<400x128xf32>
    %dot_general3A_34 = tpu.matmul %reduce_sum3A_29, %get3A_32, %dot_general3A_33 {dimension_numbers = #tpu.dot_dimension_numbers<[1], [0], [0], [1], [0, 0, 1, 1], [], []>, transpose_lhs_hint = false} : vector<400x128xf32>, vector<128x128xf32>, vector<400x128xf32> -> vector<400x128xf32>
    %get3A_35 = arith.constant 0 : index
    %get3A_36 = arith.constant 0 : index
    %get3A_37 = vector.load %arg9[%get3A_35, %get3A_36] : memref<1x128xf32, #tpu.memory_space<vmem>>, vector<1x128xf32>
    %add3A_38 = vector.broadcast %get3A_37 : vector<1x128xf32> to vector<400x128xf32>
    %add3A_39 = arith.addf %dot_general3A_34, %add3A_38 : vector<400x128xf32>
    %max3A_40 = arith.constant 0.000000e+00 : f32
    %max3A_41 = vector.broadcast %max3A_40 : f32 to vector<400x128xf32>
    %max3A_42 = arith.maximumf %add3A_39, %max3A_41 : vector<400x128xf32>
    %abs3A_43 = math.absf %add3A_39 : vector<400x128xf32>
    %neg3A_44 = arith.constant 0.000000e+00 : f32
    %neg3A_45 = vector.broadcast %neg3A_44 : f32 to vector<400x128xf32>
    %neg3A_46 = arith.subf %neg3A_45, %abs3A_43 : vector<400x128xf32>
    %exp3A_47 = math.exp %neg3A_46 : vector<400x128xf32>
    %log1p3A_48 = math.log1p %exp3A_47 : vector<400x128xf32>
    %add3A_49 = arith.addf %max3A_42, %log1p3A_48 : vector<400x128xf32>
    %get3A_50 = arith.constant 0 : index
    %get3A_51 = arith.constant 0 : index
    %get3A_52 = vector.load %arg3[%get3A_50, %get3A_51] : memref<400x128xf32, #tpu.memory_space<vmem>>, vector<400x128xf32>
    %add3A_53 = arith.addf %get3A_52, %add3A_49 : vector<400x128xf32>
    %swap3A = arith.constant 0 : index
    %swap3A_54 = arith.constant 0 : index
    %swap3A_55 = vector.load %arg10[%swap3A, %swap3A_54] : memref<400x128xf32, #tpu.memory_space<vmem>>, vector<400x128xf32>
    tpu.vector_store %arg10[%swap3A, %swap3A_54], %add3A_53 {strides = array<i32>} : memref<400x128xf32, #tpu.memory_space<vmem>>, vector<400x128xf32>,
    return
  }
  func.func @transform_0(%arg0: i32) -> (i32, i32) {
    %add3A = arith.constant 5 : i32
    %add3A_0 = arith.addi %arg0, %add3A : i32
    %c0_i32 = arith.constant 0 : i32
    %c0_i32_1 = arith.constant 0 : i32
    return %add3A_0, %c0_i32 : i32, i32
  }
  func.func @transform_1(%arg0: i32) -> (i32, i32) {
    %c0_i32 = arith.constant 0 : i32
    %c0_i32_0 = arith.constant 0 : i32
    return %arg0, %c0_i32 : i32, i32
  }
  func.func @transform_2(%arg0: i32) -> (i32, i32) {
    %add3A = arith.constant 5 : i32
    %add3A_0 = arith.addi %arg0, %add3A : i32
    %c0_i32 = arith.constant 0 : i32
    %c0_i32_1 = arith.constant 0 : i32
    return %add3A_0, %c0_i32 : i32, i32
  }
  func.func @transform_3(%arg0: i32) -> (i32, i32) {
    %c0_i32 = arith.constant 0 : i32
    %c0_i32_0 = arith.constant 0 : i32
    %c0_i32_1 = arith.constant 0 : i32
    return %c0_i32, %c0_i32_0 : i32, i32
  }
  func.func @transform_4(%arg0: i32) -> (i32, i32) {
    %c0_i32 = arith.constant 0 : i32
    %c0_i32_0 = arith.constant 0 : i32
    %c0_i32_1 = arith.constant 0 : i32
    return %c0_i32, %c0_i32_0 : i32, i32
  }
  func.func @transform_5(%arg0: i32) -> (i32, i32) {
    %c0_i32 = arith.constant 0 : i32
    %c0_i32_0 = arith.constant 0 : i32
    %c0_i32_1 = arith.constant 0 : i32
    return %c0_i32, %c0_i32_0 : i32, i32
  }
  func.func @transform_6(%arg0: i32) -> (i32, i32) {
    %c0_i32 = arith.constant 0 : i32
    %c0_i32_0 = arith.constant 0 : i32
    %c0_i32_1 = arith.constant 0 : i32
    return %c0_i32, %c0_i32_0 : i32, i32
  }
  func.func @transform_7(%arg0: i32) -> (i32, i32) {
    %c0_i32 = arith.constant 0 : i32
    %c0_i32_0 = arith.constant 0 : i32
    %c0_i32_1 = arith.constant 0 : i32
    return %c0_i32, %c0_i32_0 : i32, i32
  }
  func.func @transform_8(%arg0: i32) -> (i32, i32) {
    %c0_i32 = arith.constant 0 : i32
    %c0_i32_0 = arith.constant 0 : i32
    %c0_i32_1 = arith.constant 0 : i32
    return %c0_i32, %c0_i32_0 : i32, i32
  }
  func.func @transform_9(%arg0: i32) -> (i32, i32) {
    %c0_i32 = arith.constant 0 : i32
    %c0_i32_0 = arith.constant 0 : i32
    return %arg0, %c0_i32 : i32, i32
  }
}

module attributes {stable_mosaic.version = 14 : i64} {
  func.func @_main_body(%arg0: i32, %arg1: memref<12800x128xf32, #tpu.memory_space<vmem>>, %arg2: memref<12800x128xf32, #tpu.memory_space<vmem>>, %arg3: memref<400x128xf32, #tpu.memory_space<vmem>>, %arg4: memref<128x128xbf16, #tpu.memory_space<vmem>>, %arg5: memref<1x128xf32, #tpu.memory_space<vmem>>, %arg6: memref<128x128xbf16, #tpu.memory_space<vmem>>, %arg7: memref<1x128xf32, #tpu.memory_space<vmem>>, %arg8: memref<128x128xf32, #tpu.memory_space<vmem>>, %arg9: memref<1x128xf32, #tpu.memory_space<vmem>>, %arg10: memref<400x128xf32, #tpu.memory_space<vmem>>) attributes {dimension_semantics = [#tpu.dimension_semantics<arbitrary>], iteration_bounds = array<i64: 5>, scalar_prefetch = 0 : i64, scratch_operands = 0 : i64, tpu.core_type = #tpu.core_type<tc>, window_params = [{transform_indices = @transform_0, window_bounds = array<i64: 12800, 128>}, {transform_indices = @transform_1, window_bounds = array<i64: 12800, 128>}, {transform_indices = @transform_2, window_bounds = array<i64: 400, 128>}, {pipeline_mode = #tpu.pipeline_mode<synchronous>, transform_indices = @transform_3, window_bounds = array<i64: 128, 128>}, {pipeline_mode = #tpu.pipeline_mode<synchronous>, transform_indices = @transform_4, window_bounds = array<i64: 1, 128>}, {pipeline_mode = #tpu.pipeline_mode<synchronous>, transform_indices = @transform_5, window_bounds = array<i64: 128, 128>}, {pipeline_mode = #tpu.pipeline_mode<synchronous>, transform_indices = @transform_6, window_bounds = array<i64: 1, 128>}, {pipeline_mode = #tpu.pipeline_mode<synchronous>, transform_indices = @transform_7, window_bounds = array<i64: 128, 128>}, {pipeline_mode = #tpu.pipeline_mode<synchronous>, transform_indices = @transform_8, window_bounds = array<i64: 1, 128>}, {transform_indices = @transform_9, window_bounds = array<i64: 400, 128>}]} {
    %get3A = arith.constant 0 : index
    %get3A_0 = arith.constant 0 : index
    %get3A_1 = vector.load %arg1[%get3A, %get3A_0] : memref<12800x128xf32, #tpu.memory_space<vmem>>, vector<12800x128xf32>
    %convert_element_type3A = arith.truncf %get3A_1 : vector<12800x128xf32> to vector<12800x128xbf16>
    %get3A_2 = arith.constant 0 : index
    %get3A_3 = arith.constant 0 : index
    %get3A_4 = vector.load %arg4[%get3A_2, %get3A_3] : memref<128x128xbf16, #tpu.memory_space<vmem>>, vector<128x128xbf16>
    %dot_general3A = arith.constant dense<0.000000e+00> : vector<12800x128xf32>
    %dot_general3A_5 = tpu.matmul %convert_element_type3A, %get3A_4, %dot_general3A {dimension_numbers = #tpu.dot_dimension_numbers<[1], [0], [0], [1], [0, 0, 1, 1], [], []>, transpose_lhs_hint = false} : vector<12800x128xbf16>, vector<128x128xbf16>, vector<12800x128xf32> -> vector<12800x128xf32>
    %get3A_6 = arith.constant 0 : index
    %get3A_7 = arith.constant 0 : index
    %get3A_8 = vector.load %arg5[%get3A_6, %get3A_7] : memref<1x128xf32, #tpu.memory_space<vmem>>, vector<1x128xf32>
    %add3A = vector.broadcast %get3A_8 : vector<1x128xf32> to vector<12800x128xf32>
    %add3A_9 = arith.addf %dot_general3A_5, %add3A : vector<12800x128xf32>
    %max3A = arith.constant 0.000000e+00 : f32
    %max3A_10 = vector.broadcast %max3A : f32 to vector<12800x128xf32>
    %max3A_11 = arith.maximumf %add3A_9, %max3A_10 : vector<12800x128xf32>
    %abs3A = math.absf %add3A_9 : vector<12800x128xf32>
    %neg3A = arith.constant 0.000000e+00 : f32
    %neg3A_12 = vector.broadcast %neg3A : f32 to vector<12800x128xf32>
    %neg3A_13 = arith.subf %neg3A_12, %abs3A : vector<12800x128xf32>
    %exp3A = math.exp %neg3A_13 : vector<12800x128xf32>
    %log1p3A = math.log1p %exp3A : vector<12800x128xf32>
    %add3A_14 = arith.addf %max3A_11, %log1p3A : vector<12800x128xf32>
    %convert_element_type3A_15 = arith.truncf %add3A_14 : vector<12800x128xf32> to vector<12800x128xbf16>
    %get3A_16 = arith.constant 0 : index
    %get3A_17 = arith.constant 0 : index
    %get3A_18 = vector.load %arg6[%get3A_16, %get3A_17] : memref<128x128xbf16, #tpu.memory_space<vmem>>, vector<128x128xbf16>
    %dot_general3A_19 = arith.constant dense<0.000000e+00> : vector<12800x128xf32>
    %dot_general3A_20 = tpu.matmul %convert_element_type3A_15, %get3A_18, %dot_general3A_19 {dimension_numbers = #tpu.dot_dimension_numbers<[1], [0], [0], [1], [0, 0, 1, 1], [], []>, transpose_lhs_hint = false} : vector<12800x128xbf16>, vector<128x128xbf16>, vector<12800x128xf32> -> vector<12800x128xf32>
    %get3A_21 = arith.constant 0 : index
    %get3A_22 = arith.constant 0 : index
    %get3A_23 = vector.load %arg7[%get3A_21, %get3A_22] : memref<1x128xf32, #tpu.memory_space<vmem>>, vector<1x128xf32>
    %add3A_24 = vector.broadcast %get3A_23 : vector<1x128xf32> to vector<12800x128xf32>
    %add3A_25 = arith.addf %dot_general3A_20, %add3A_24 : vector<12800x128xf32>
    %get3A_26 = arith.constant 0 : index
    %get3A_27 = arith.constant 0 : index
    %get3A_28 = vector.load %arg2[%get3A_26, %get3A_27] : memref<12800x128xf32, #tpu.memory_space<vmem>>, vector<12800x128xf32>
    %mul3A = arith.mulf %add3A_25, %get3A_28 : vector<12800x128xf32>
    %reshape3A = vector.shape_cast %mul3A : vector<12800x128xf32> to vector<400x32x128xf32>
    %reduce_sum3A = arith.constant dense<0.000000e+00> : vector<400x128xf32>
    %reduce_sum3A_29 = vector.multi_reduction <add>, %reshape3A, %reduce_sum3A [1] : vector<400x32x128xf32> to vector<400x128xf32>
    %get3A_30 = arith.constant 0 : index
    %get3A_31 = arith.constant 0 : index
    %get3A_32 = vector.load %arg8[%get3A_30, %get3A_31] : memref<128x128xf32, #tpu.memory_space<vmem>>, vector<128x128xf32>
    %dot_general3A_33 = arith.constant dense<0.000000e+00> : vector<400x128xf32>
    %dot_general3A_34 = tpu.matmul %reduce_sum3A_29, %get3A_32, %dot_general3A_33 {dimension_numbers = #tpu.dot_dimension_numbers<[1], [0], [0], [1], [0, 0, 1, 1], [], []>, transpose_lhs_hint = false} : vector<400x128xf32>, vector<128x128xf32>, vector<400x128xf32> -> vector<400x128xf32>
    %get3A_35 = arith.constant 0 : index
    %get3A_36 = arith.constant 0 : index
    %get3A_37 = vector.load %arg9[%get3A_35, %get3A_36] : memref<1x128xf32, #tpu.memory_space<vmem>>, vector<1x128xf32>
    %add3A_38 = vector.broadcast %get3A_37 : vector<1x128xf32> to vector<400x128xf32>
    %add3A_39 = arith.addf %dot_general3A_34, %add3A_38 : vector<400x128xf32>
    %max3A_40 = arith.constant 0.000000e+00 : f32
    %max3A_41 = vector.broadcast %max3A_40 : f32 to vector<400x128xf32>
    %max3A_42 = arith.maximumf %add3A_39, %max3A_41 : vector<400x128xf32>
    %abs3A_43 = math.absf %add3A_39 : vector<400x128xf32>
    %neg3A_44 = arith.constant 0.000000e+00 : f32
    %neg3A_45 = vector.broadcast %neg3A_44 : f32 to vector<400x128xf32>
    %neg3A_46 = arith.subf %neg3A_45, %abs3A_43 : vector<400x128xf32>
    %exp3A_47 = math.exp %neg3A_46 : vector<400x128xf32>
    %log1p3A_48 = math.log1p %exp3A_47 : vector<400x128xf32>
    %add3A_49 = arith.addf %max3A_42, %log1p3A_48 : vector<400x128xf32>
    %get3A_50 = arith.constant 0 : index
    %get3A_51 = arith.constant 0 : index
    %get3A_52 = vector.load %arg3[%get3A_50, %get3A_51] : memref<400x128xf32, #tpu.memory_space<vmem>>, vector<400x128xf32>
    %add3A_53 = arith.addf %get3A_52, %add3A_49 : vector<400x128xf32>
    %swap3A = arith.constant 0 : index
    %swap3A_54 = arith.constant 0 : index
    %swap3A_55 = vector.load %arg10[%swap3A, %swap3A_54] : memref<400x128xf32, #tpu.memory_space<vmem>>, vector<400x128xf32>
    tpu.vector_store %arg10[%swap3A, %swap3A_54], %add3A_53 {strides = array<i32>} : memref<400x128xf32, #tpu.memory_space<vmem>>, vector<400x128xf32>,
    return
  }
  func.func @transform_0(%arg0: i32) -> (i32, i32) {
    %add3A = arith.constant 0 : i32
    %add3A_0 = arith.addi %arg0, %add3A : i32
    %c0_i32 = arith.constant 0 : i32
    %c0_i32_1 = arith.constant 0 : i32
    return %add3A_0, %c0_i32 : i32, i32
  }
  func.func @transform_1(%arg0: i32) -> (i32, i32) {
    %c0_i32 = arith.constant 0 : i32
    %c0_i32_0 = arith.constant 0 : i32
    return %arg0, %c0_i32 : i32, i32
  }
  func.func @transform_2(%arg0: i32) -> (i32, i32) {
    %add3A = arith.constant 0 : i32
    %add3A_0 = arith.addi %arg0, %add3A : i32
    %c0_i32 = arith.constant 0 : i32
    %c0_i32_1 = arith.constant 0 : i32
    return %add3A_0, %c0_i32 : i32, i32
  }
  func.func @transform_3(%arg0: i32) -> (i32, i32) {
    %c0_i32 = arith.constant 0 : i32
    %c0_i32_0 = arith.constant 0 : i32
    %c0_i32_1 = arith.constant 0 : i32
    return %c0_i32, %c0_i32_0 : i32, i32
  }
  func.func @transform_4(%arg0: i32) -> (i32, i32) {
    %c0_i32 = arith.constant 0 : i32
    %c0_i32_0 = arith.constant 0 : i32
    %c0_i32_1 = arith.constant 0 : i32
    return %c0_i32, %c0_i32_0 : i32, i32
  }
  func.func @transform_5(%arg0: i32) -> (i32, i32) {
    %c0_i32 = arith.constant 0 : i32
    %c0_i32_0 = arith.constant 0 : i32
    %c0_i32_1 = arith.constant 0 : i32
    return %c0_i32, %c0_i32_0 : i32, i32
  }
  func.func @transform_6(%arg0: i32) -> (i32, i32) {
    %c0_i32 = arith.constant 0 : i32
    %c0_i32_0 = arith.constant 0 : i32
    %c0_i32_1 = arith.constant 0 : i32
    return %c0_i32, %c0_i32_0 : i32, i32
  }
  func.func @transform_7(%arg0: i32) -> (i32, i32) {
    %c0_i32 = arith.constant 0 : i32
    %c0_i32_0 = arith.constant 0 : i32
    %c0_i32_1 = arith.constant 0 : i32
    return %c0_i32, %c0_i32_0 : i32, i32
  }
  func.func @transform_8(%arg0: i32) -> (i32, i32) {
    %c0_i32 = arith.constant 0 : i32
    %c0_i32_0 = arith.constant 0 : i32
    %c0_i32_1 = arith.constant 0 : i32
    return %c0_i32, %c0_i32_0 : i32, i32
  }
  func.func @transform_9(%arg0: i32) -> (i32, i32) {
    %c0_i32 = arith.constant 0 : i32
    %c0_i32_0 = arith.constant 0 : i32
    return %arg0, %c0_i32 : i32, i32
  }
}

module attributes {stable_mosaic.version = 14 : i64} {
  func.func @_main_body(%arg0: i32, %arg1: memref<12800x128xf32, #tpu.memory_space<vmem>>, %arg2: memref<12800x128xf32, #tpu.memory_space<vmem>>, %arg3: memref<400x128xf32, #tpu.memory_space<vmem>>, %arg4: memref<128x128xbf16, #tpu.memory_space<vmem>>, %arg5: memref<1x128xf32, #tpu.memory_space<vmem>>, %arg6: memref<128x128xbf16, #tpu.memory_space<vmem>>, %arg7: memref<1x128xf32, #tpu.memory_space<vmem>>, %arg8: memref<128x128xf32, #tpu.memory_space<vmem>>, %arg9: memref<1x128xf32, #tpu.memory_space<vmem>>, %arg10: memref<400x128xf32, #tpu.memory_space<vmem>>) attributes {dimension_semantics = [#tpu.dimension_semantics<arbitrary>], iteration_bounds = array<i64: 5>, scalar_prefetch = 0 : i64, scratch_operands = 0 : i64, tpu.core_type = #tpu.core_type<tc>, window_params = [{transform_indices = @transform_0, window_bounds = array<i64: 12800, 128>}, {transform_indices = @transform_1, window_bounds = array<i64: 12800, 128>}, {transform_indices = @transform_2, window_bounds = array<i64: 400, 128>}, {pipeline_mode = #tpu.pipeline_mode<synchronous>, transform_indices = @transform_3, window_bounds = array<i64: 128, 128>}, {pipeline_mode = #tpu.pipeline_mode<synchronous>, transform_indices = @transform_4, window_bounds = array<i64: 1, 128>}, {pipeline_mode = #tpu.pipeline_mode<synchronous>, transform_indices = @transform_5, window_bounds = array<i64: 128, 128>}, {pipeline_mode = #tpu.pipeline_mode<synchronous>, transform_indices = @transform_6, window_bounds = array<i64: 1, 128>}, {pipeline_mode = #tpu.pipeline_mode<synchronous>, transform_indices = @transform_7, window_bounds = array<i64: 128, 128>}, {pipeline_mode = #tpu.pipeline_mode<synchronous>, transform_indices = @transform_8, window_bounds = array<i64: 1, 128>}, {transform_indices = @transform_9, window_bounds = array<i64: 400, 128>}]} {
    %get3A = arith.constant 0 : index
    %get3A_0 = arith.constant 0 : index
    %get3A_1 = vector.load %arg1[%get3A, %get3A_0] : memref<12800x128xf32, #tpu.memory_space<vmem>>, vector<12800x128xf32>
    %convert_element_type3A = arith.truncf %get3A_1 : vector<12800x128xf32> to vector<12800x128xbf16>
    %get3A_2 = arith.constant 0 : index
    %get3A_3 = arith.constant 0 : index
    %get3A_4 = vector.load %arg4[%get3A_2, %get3A_3] : memref<128x128xbf16, #tpu.memory_space<vmem>>, vector<128x128xbf16>
    %dot_general3A = arith.constant dense<0.000000e+00> : vector<12800x128xf32>
    %dot_general3A_5 = tpu.matmul %convert_element_type3A, %get3A_4, %dot_general3A {dimension_numbers = #tpu.dot_dimension_numbers<[1], [0], [0], [1], [0, 0, 1, 1], [], []>, transpose_lhs_hint = false} : vector<12800x128xbf16>, vector<128x128xbf16>, vector<12800x128xf32> -> vector<12800x128xf32>
    %get3A_6 = arith.constant 0 : index
    %get3A_7 = arith.constant 0 : index
    %get3A_8 = vector.load %arg5[%get3A_6, %get3A_7] : memref<1x128xf32, #tpu.memory_space<vmem>>, vector<1x128xf32>
    %add3A = vector.broadcast %get3A_8 : vector<1x128xf32> to vector<12800x128xf32>
    %add3A_9 = arith.addf %dot_general3A_5, %add3A : vector<12800x128xf32>
    %max3A = arith.constant 0.000000e+00 : f32
    %max3A_10 = vector.broadcast %max3A : f32 to vector<12800x128xf32>
    %max3A_11 = arith.maximumf %add3A_9, %max3A_10 : vector<12800x128xf32>
    %abs3A = math.absf %add3A_9 : vector<12800x128xf32>
    %neg3A = arith.constant 0.000000e+00 : f32
    %neg3A_12 = vector.broadcast %neg3A : f32 to vector<12800x128xf32>
    %neg3A_13 = arith.subf %neg3A_12, %abs3A : vector<12800x128xf32>
    %exp3A = math.exp %neg3A_13 : vector<12800x128xf32>
    %log1p3A = math.log1p %exp3A : vector<12800x128xf32>
    %add3A_14 = arith.addf %max3A_11, %log1p3A : vector<12800x128xf32>
    %convert_element_type3A_15 = arith.truncf %add3A_14 : vector<12800x128xf32> to vector<12800x128xbf16>
    %get3A_16 = arith.constant 0 : index
    %get3A_17 = arith.constant 0 : index
    %get3A_18 = vector.load %arg6[%get3A_16, %get3A_17] : memref<128x128xbf16, #tpu.memory_space<vmem>>, vector<128x128xbf16>
    %dot_general3A_19 = arith.constant dense<0.000000e+00> : vector<12800x128xf32>
    %dot_general3A_20 = tpu.matmul %convert_element_type3A_15, %get3A_18, %dot_general3A_19 {dimension_numbers = #tpu.dot_dimension_numbers<[1], [0], [0], [1], [0, 0, 1, 1], [], []>, transpose_lhs_hint = false} : vector<12800x128xbf16>, vector<128x128xbf16>, vector<12800x128xf32> -> vector<12800x128xf32>
    %get3A_21 = arith.constant 0 : index
    %get3A_22 = arith.constant 0 : index
    %get3A_23 = vector.load %arg7[%get3A_21, %get3A_22] : memref<1x128xf32, #tpu.memory_space<vmem>>, vector<1x128xf32>
    %add3A_24 = vector.broadcast %get3A_23 : vector<1x128xf32> to vector<12800x128xf32>
    %add3A_25 = arith.addf %dot_general3A_20, %add3A_24 : vector<12800x128xf32>
    %get3A_26 = arith.constant 0 : index
    %get3A_27 = arith.constant 0 : index
    %get3A_28 = vector.load %arg2[%get3A_26, %get3A_27] : memref<12800x128xf32, #tpu.memory_space<vmem>>, vector<12800x128xf32>
    %mul3A = arith.mulf %add3A_25, %get3A_28 : vector<12800x128xf32>
    %reshape3A = vector.shape_cast %mul3A : vector<12800x128xf32> to vector<400x32x128xf32>
    %reduce_sum3A = arith.constant dense<0.000000e+00> : vector<400x128xf32>
    %reduce_sum3A_29 = vector.multi_reduction <add>, %reshape3A, %reduce_sum3A [1] : vector<400x32x128xf32> to vector<400x128xf32>
    %get3A_30 = arith.constant 0 : index
    %get3A_31 = arith.constant 0 : index
    %get3A_32 = vector.load %arg8[%get3A_30, %get3A_31] : memref<128x128xf32, #tpu.memory_space<vmem>>, vector<128x128xf32>
    %dot_general3A_33 = arith.constant dense<0.000000e+00> : vector<400x128xf32>
    %dot_general3A_34 = tpu.matmul %reduce_sum3A_29, %get3A_32, %dot_general3A_33 {dimension_numbers = #tpu.dot_dimension_numbers<[1], [0], [0], [1], [0, 0, 1, 1], [], []>, transpose_lhs_hint = false} : vector<400x128xf32>, vector<128x128xf32>, vector<400x128xf32> -> vector<400x128xf32>
    %get3A_35 = arith.constant 0 : index
    %get3A_36 = arith.constant 0 : index
    %get3A_37 = vector.load %arg9[%get3A_35, %get3A_36] : memref<1x128xf32, #tpu.memory_space<vmem>>, vector<1x128xf32>
    %add3A_38 = vector.broadcast %get3A_37 : vector<1x128xf32> to vector<400x128xf32>
    %add3A_39 = arith.addf %dot_general3A_34, %add3A_38 : vector<400x128xf32>
    %max3A_40 = arith.constant 0.000000e+00 : f32
    %max3A_41 = vector.broadcast %max3A_40 : f32 to vector<400x128xf32>
    %max3A_42 = arith.maximumf %add3A_39, %max3A_41 : vector<400x128xf32>
    %abs3A_43 = math.absf %add3A_39 : vector<400x128xf32>
    %neg3A_44 = arith.constant 0.000000e+00 : f32
    %neg3A_45 = vector.broadcast %neg3A_44 : f32 to vector<400x128xf32>
    %neg3A_46 = arith.subf %neg3A_45, %abs3A_43 : vector<400x128xf32>
    %exp3A_47 = math.exp %neg3A_46 : vector<400x128xf32>
    %log1p3A_48 = math.log1p %exp3A_47 : vector<400x128xf32>
    %add3A_49 = arith.addf %max3A_42, %log1p3A_48 : vector<400x128xf32>
    %get3A_50 = arith.constant 0 : index
    %get3A_51 = arith.constant 0 : index
    %get3A_52 = vector.load %arg3[%get3A_50, %get3A_51] : memref<400x128xf32, #tpu.memory_space<vmem>>, vector<400x128xf32>
    %add3A_53 = arith.addf %get3A_52, %add3A_49 : vector<400x128xf32>
    %swap3A = arith.constant 0 : index
    %swap3A_54 = arith.constant 0 : index
    %swap3A_55 = vector.load %arg10[%swap3A, %swap3A_54] : memref<400x128xf32, #tpu.memory_space<vmem>>, vector<400x128xf32>
    tpu.vector_store %arg10[%swap3A, %swap3A_54], %add3A_53 {strides = array<i32>} : memref<400x128xf32, #tpu.memory_space<vmem>>, vector<400x128xf32>,
    return
  }
  func.func @transform_0(%arg0: i32) -> (i32, i32) {
    %add3A = arith.constant 20 : i32
    %add3A_0 = arith.addi %arg0, %add3A : i32
    %c0_i32 = arith.constant 0 : i32
    %c0_i32_1 = arith.constant 0 : i32
    return %add3A_0, %c0_i32 : i32, i32
  }
  func.func @transform_1(%arg0: i32) -> (i32, i32) {
    %c0_i32 = arith.constant 0 : i32
    %c0_i32_0 = arith.constant 0 : i32
    return %arg0, %c0_i32 : i32, i32
  }
  func.func @transform_2(%arg0: i32) -> (i32, i32) {
    %add3A = arith.constant 20 : i32
    %add3A_0 = arith.addi %arg0, %add3A : i32
    %c0_i32 = arith.constant 0 : i32
    %c0_i32_1 = arith.constant 0 : i32
    return %add3A_0, %c0_i32 : i32, i32
  }
  func.func @transform_3(%arg0: i32) -> (i32, i32) {
    %c0_i32 = arith.constant 0 : i32
    %c0_i32_0 = arith.constant 0 : i32
    %c0_i32_1 = arith.constant 0 : i32
    return %c0_i32, %c0_i32_0 : i32, i32
  }
  func.func @transform_4(%arg0: i32) -> (i32, i32) {
    %c0_i32 = arith.constant 0 : i32
    %c0_i32_0 = arith.constant 0 : i32
    %c0_i32_1 = arith.constant 0 : i32
    return %c0_i32, %c0_i32_0 : i32, i32
  }
  func.func @transform_5(%arg0: i32) -> (i32, i32) {
    %c0_i32 = arith.constant 0 : i32
    %c0_i32_0 = arith.constant 0 : i32
    %c0_i32_1 = arith.constant 0 : i32
    return %c0_i32, %c0_i32_0 : i32, i32
  }
  func.func @transform_6(%arg0: i32) -> (i32, i32) {
    %c0_i32 = arith.constant 0 : i32
    %c0_i32_0 = arith.constant 0 : i32
    %c0_i32_1 = arith.constant 0 : i32
    return %c0_i32, %c0_i32_0 : i32, i32
  }
  func.func @transform_7(%arg0: i32) -> (i32, i32) {
    %c0_i32 = arith.constant 0 : i32
    %c0_i32_0 = arith.constant 0 : i32
    %c0_i32_1 = arith.constant 0 : i32
    return %c0_i32, %c0_i32_0 : i32, i32
  }
  func.func @transform_8(%arg0: i32) -> (i32, i32) {
    %c0_i32 = arith.constant 0 : i32
    %c0_i32_0 = arith.constant 0 : i32
    %c0_i32_1 = arith.constant 0 : i32
    return %c0_i32, %c0_i32_0 : i32, i32
  }
  func.func @transform_9(%arg0: i32) -> (i32, i32) {
    %c0_i32 = arith.constant 0 : i32
    %c0_i32_0 = arith.constant 0 : i32
    return %arg0, %c0_i32 : i32, i32
  }
}

</mosaic_0001>

<sc_bundles>
// kernel: kernel.13.cloned.1.call-start
scs
__scs_entry_jumppad:
0x0: {  	(pc) =	sbr.rel $0x88, $3  }
0x1: {  	(tag) =	ssettag $0x0;
	lr =	simm.s32 $0x1  }
0x2: {  	[smem:$0x3F96] =	sst lr;
	_ =	strace $0xD0000000  }
0x3: {  	_ = 	snop  }
0x4: {  	_ = 	snop  }
0x5: {  	_ = 	snop  }
0x6: {  	_ = 	snop  }
0x7: {  	_ = 	snop  }
__scs_overlays_trampoline_lowered:
0x8: {  	[smem:$0x3FA5] =	sst s0  }
0x9: {  	[smem:$0x3FA6] =	sst s1  }
0xa: {  	[smem:$0x3FA7] =	sst s2  }
0xb: {  	[smem:$0x3FA8] =	sst s3  }
0xc: {  	[smem:$0x3FA9] =	sst s4  }
0xd: {  	[smem:$0x3FAA] =	sst s5  }
0xe: {  	[smem:$0x3FAB] =	sst s6  }
0xf: {  	[smem:$0x3FAC] =	sst s7  }
0x10: {  	[smem:$0x3FAD] =	sst s8  }
0x11: {  	[smem:$0x3FAE] =	sst s9;
	s0 =	simm.s32 @!p0 $0x0  }
0x12: {  	s1 =	sld [smem:$0x3F94];
	s0 =	simm.s32 @p0 $0x1  }
0x13: {  	[smem:$0x3FAF] =	sst s0;
	s0 =	simm.s32 @!p1 $0x0  }
0x14: {  	s2 =	sld [smem:$0x3F93];
	s0 =	simm.s32 @p1 $0x1  }
0x15: {  	[smem:$0x3FB0] =	sst s0;
	s0 =	simm.s32 @!p2 $0x0  }
0x16: {  	s3 =	sld [smem:$0x3FDB];
	s0 =	simm.s32 @p2 $0x1  }
0x17: {  	s4 =	simm.s32 $0x1BF5;
	[smem:$0x3FB2] =	sst s0  }
0x18: {  	s0 =	sld [smem:$0x3F95];
	_ =	swait.ge [sflag:s4], $0x0  }
0x19: {  	s7 =	sld [smem:$0x3F96]  }
0x1a: {  	s8 =	sadd.s32 $0xFFFFE003, lr  }
0x1b: {  	s9 =	sadd.s32 $0xFFFFFEF7, lr;
	s5 =	simm.s32 $0xFFFFFFFF;
	p2 =	slt.u32 s8, $0xFFFFF086  }
0x1c: {  	p1 =	slt.u32 s9, $0xF7A;
	s5 =	simm.s32 @!p2 $0x0  }
0x1d: {  	s5 =	simm.s32 @p1 $0x1;
	p0 =	seq.s32 s7, s2  }
0x1e: {  	s7 =	smul.u32 @!p0 $0xF7A, s2;
	p2 =	seq.s32 @!p0 s5, $0x0  }
0x1f: {  	s9 =	smul.u32 $0xF7A, s1;
	s8 =	simm.s32 @!p0 $0x1BF5;
	p2 =	por !p2, p0  }
0x20: {  	[sflag:s8] =	ssyncset.s32 @!p0 $0xFFFFF086;
	s6 =	sadd.s32 @!p0 s3, s7;
	s7 =	simm.s32 @!p0 $0x108  }
0x21: {  	s3 =	sadd.s32 s3, s9;
	s6 =	sadd.s32 @!p0 $0x88, s6;
	s7 =	simm.s32 @p2 $0x1082  }
0x22: {  	[simem:s7], [sflag:s8] =	dma.local @!p0 [hbm:s6], $0xF7A  }
0x23: {  	s9 =	sor.u32 $0xD0000000, s2;
	s6 =	simm.s32 $0x108;
	_ =	swait.ge @!p0 [sflag:s8], $0x0  }
0x24: {  	s3 =	sadd.s32 $0x88, s3;
	s6 =	simm.s32 @!p1 $0x1082;
	[sflag:s4] =	ssyncset.s32 $0xFFFFF086  }
0x25: {  	[simem:s6], [sflag:s4] =	dma.local [hbm:s3], $0xF7A  }
0x26: {  	[smem:$0x3F96] =	sst s1;
	(tag) =	ssettag s2;
	_ =	strace s9  }
0x27: {  	s1 =	sld [smem:$0x3FA6]  }
0x28: {  	s2 =	sld [smem:$0x3FA7]  }
0x29: {  	s4 =	sld [smem:$0x3FA9]  }
0x2a: {  	p0 =	seq.s32 s5, $0x0;
	s5 =	sld [smem:$0x3FAA]  }
0x2b: {  	s6 =	sld [smem:$0x3FAB]  }
0x2c: {  	s7 =	sld [smem:$0x3FAC]  }
0x2d: {  	s3 =	simm.s32 $0x108;
	s8 =	sld [smem:$0x3FAD]  }
0x2e: {  	s3 =	simm.s32 @!p0 $0x1082;
	s9 =	sld [smem:$0x3FAE]  }
0x2f: {  	lr =	sadd.s32 s0, s3;
	s0 =	sld [smem:$0x3FA5]  }
0x30: {  	s3 =	sld [smem:$0x3FA8]  }
0x31: {  	[smem:$0x3FB1] =	sst s10  }
0x32: {  	s10 =	sld [smem:$0x3FAF];
	_ =	sdelay $0x3  }
0x33: {  	p0 =	seq.s32 s10, $0x1;
	s10 =	sld [smem:$0x3FB1];
	_ =	sdelay $0x3  }
0x34: {  	[smem:$0x3FB1] =	sst s10  }
0x35: {  	s10 =	sld [smem:$0x3FB0];
	_ =	sdelay $0x3  }
0x36: {  	p1 =	seq.s32 s10, $0x1;
	s10 =	sld [smem:$0x3FB1];
	_ =	sdelay $0x3  }
0x37: {  	[smem:$0x3FB1] =	sst s10  }
0x38: {  	s10 =	sld [smem:$0x3FB2]  }
0x39: {  	_ = 	snop;
	(pc) =	sbr.ind lr, $3  }
0x3a: {  	_ = 	snop  }
0x3b: {  	_ = 	snop  }
0x3c: {  	p2 =	seq.s32 s10, $0x1;
	s10 =	sld [smem:$0x3FB1]  }
0x3d: {  	_ =	shalt  }
0x3e: {  	_ =	shalt  }
0x3f: {  	_ =	shalt  }
0x40: {  	_ =	shalt  }
0x41: {  	_ =	shalt  }
0x42: {  	_ =	shalt  }
0x43: {  	_ =	shalt  }
0x44: {  	_ =	shalt  }
0x45: {  	_ =	shalt  }
0x46: {  	_ =	shalt  }
0x47: {  	_ =	shalt  }
0x48: {  	_ =	shalt  }
0x49: {  	_ =	shalt  }
0x4a: {  	_ =	shalt  }
0x4b: {  	_ =	shalt  }
0x4c: {  	_ =	shalt  }
0x4d: {  	_ =	shalt  }
0x4e: {  	_ =	shalt  }
0x4f: {  	_ =	shalt  }
0x50: {  	_ =	shalt  }
0x51: {  	_ =	shalt  }
0x52: {  	_ =	shalt  }
0x53: {  	_ =	shalt  }
0x54: {  	_ =	shalt  }
0x55: {  	_ =	shalt  }
0x56: {  	_ =	shalt  }
0x57: {  	_ =	shalt  }
0x58: {  	_ =	shalt  }
0x59: {  	_ =	shalt  }
0x5a: {  	_ =	shalt  }
0x5b: {  	_ =	shalt  }
0x5c: {  	_ =	shalt  }
0x5d: {  	_ =	shalt  }
0x5e: {  	_ =	shalt  }
0x5f: {  	_ =	shalt  }
0x60: {  	_ =	shalt  }
0x61: {  	_ =	shalt  }
0x62: {  	_ =	shalt  }
0x63: {  	_ =	shalt  }
0x64: {  	_ =	shalt  }
0x65: {  	_ =	shalt  }
0x66: {  	_ =	shalt  }
0x67: {  	_ =	shalt  }
0x68: {  	_ =	shalt  }
0x69: {  	_ =	shalt  }
0x6a: {  	_ =	shalt  }
0x6b: {  	_ =	shalt  }
0x6c: {  	_ =	shalt  }
0x6d: {  	_ =	shalt  }
0x6e: {  	_ =	shalt  }
0x6f: {  	_ =	shalt  }
0x70: {  	_ =	shalt  }
0x71: {  	_ =	shalt  }
0x72: {  	_ =	shalt  }
0x73: {  	_ =	shalt  }
0x74: {  	_ =	shalt  }
0x75: {  	_ =	shalt  }
0x76: {  	_ =	shalt  }
0x77: {  	_ =	shalt  }
0x78: {  	_ =	shalt  }
0x79: {  	_ =	shalt  }
0x7a: {  	_ =	shalt  }
0x7b: {  	_ =	shalt  }
0x7c: {  	_ =	shalt  }
0x7d: {  	_ =	shalt  }
0x7e: {  	_ =	shalt  }
0x7f: {  	_ =	shalt  }
0x80: {  	_ =	shalt  }
0x81: {  	_ =	shalt  }
0x82: {  	_ =	shalt  }
0x83: {  	_ =	shalt  }
0x84: {  	_ =	shalt  }
0x85: {  	_ =	shalt  }
0x86: {  	_ =	shalt  }
0x87: {  	_ =	shalt  }
.Lfunc_end0:
.L_simem_size_0:
called_computation_lowered:
.L_overlay_start_0:
0x88: {  	s0 =	sld [smem:$0x3FD9]  }
0x89: {  	s1 =	sld [smem:$0x3FFE];
	_ =	sdelay $0x3  }
0x8a: {  	s0 =	sadd.s32 s1, s0  }
0x8b: {  	[smem:$0x3FBD] =	sst s0  }
0x8c: {  	_ = 	snop  }
0x8d: {  	(tm) =	ssettm $0x1  }
0x8e: {  	s15 =	sld [smem:$0x3FFB];
	_ =	sdelay $0x3  }
0x8f: {  	_ =	strace s15  }
0x90: {  	s0 =	sld [smem:$0x3FFC];
	_ =	sdelay $0x3  }
0x91: {  	_ =	strace s0  }
0x92: {  	s0 =	sld [smem:$0x3FFD];
	_ =	sdelay $0x3  }
0x93: {  	_ =	strace s0  }
0x94: {  	_ =	strace $0x8FFFFFFF  }
0x95: {  	s16 =	sld [smem:$0x3FDB];
	_ =	sdelay $0x1  }
0x96: {  	s17 =	simm.s32 $_scs_section_size  }
0x97: {  	s2 =	simm.s32 $_size__tile_overlayer_lowered;
	s3 =	simm.s32 $_tile_overlayer_lowered  }
0x98: {  	s20 =	simm.s32 $0x1BFF;
	s19 =	sshll.u32 s3, $0x1;
	s0 =	sadd.s32 s17, s16  }
0x99: {  	s4 =	simm.s32 $0x0;
	s18 =	sshll.u32 s2, $0x1;
	s2 =	sadd.s32 s19, s0  }
0x9a: {  	[timem:s4], [sflag:s20] =	dma.local [hbm:s2], s18  }
0x9b: {  	_ =	swait.ge [sflag:s20], s18  }
0x9c: {  	s1 =	ssub.s32 $0x0, s18;
	[sflag:s20] =	ssyncset.done $0x0  }
0x9d: {  	[sflag:s20] =	ssyncadd.s32 s1;
	_ =	sdelay $0x1  }
0x9e: {  	s21 =	simm.s32 $0x1B8B  }
0x9f: {  	_ =	swait.ge [sflag:s21], $0x1  }
0xa0: {  	[sflag:s21] =	ssyncset.done $0x0  }
0xa1: {  	s23 =	simm.s32 $0x1B8E;
	s22 =	sld [smem:$0x3FFE];
	[sflag:s21] =	ssyncadd.s32 $0xFFFFFFFF  }
0xa2: {  	s24 =	simm.s32 $execute0_lowered;
	[smem:$0x3FD2] =	sst s23  }
0xa3: {  	s2 =	sshll.u32 s24, $0x1;
	_ =	strace $0x8000004F;
	[dreg:$0x1] =	wrdreg $0xFFFFFFFF  }
0xa4: {  	s25 =	simm.s32 $_size_execute0_lowered;
	s0 =	sadd.s32 s0, s2;
	[dreg:$0x0] =	wrdreg $0x0  }
0xa5: {  	s2 =	sshll.u32 s25, $0x1;
	[dreg:$0x2] =	wrdreg s0  }
0xa6: {  	[dreg:$0x3] =	wrdreg s2  }
0xa7: {  	[dreg:$0x4] =	wrdreg $0xC0  }
0xa8: {  	_ =	task [dreg:s4], $0x5FFFF  }
0xa9: {  	[dreg:$0x1] =	wrdreg $0xFFFFFFFF  }
0xaa: {  	[dreg:$0x0] =	wrdreg $0x60  }
0xab: {  	[dreg:$0x2] =	wrdreg s22  }
0xac: {  	[dreg:$0x3] =	wrdreg $0x9  }
0xad: {  	_ =	task.clear_ibuf [dreg:s4], $0x4FFFF;
	_ =	strace $0x9000004F  }
0xae: {  	s26 =	simm.s32 $0x9;
	_ =	strace $0x80000051  }
0xaf: {  	_ =	swait.ge [sflag:s26], $0x1  }
0xb0: {  	[sflag:s26] =	ssyncadd.s32 $0xFFFFFFFF  }
0xb1: {  	_ =	strace $0x90000051  }
0xb2: {  	_ =	sfence  }
0xb3: {  	s28 =	sld [smem:$0x0];
	_ =	sdelay $0x1  }
0xb4: {  	s29 =	srdreg.scid  }
0xb5: {  	s30 =	sshll.u32 s29, $0xD;
	s31 =	sshrl.u32 s29, $0x2  }
0xb6: {  	s1 =	sand.u32 $0x1, s29;
	s2 =	sand.u32 $0x4000, s30;
	s0 =	sadd.s32 s31, s28  }
0xb7: {  	s1 =	sor.u32 s2, s1;
	s0 =	sshll.u32 s0, $0x11  }
0xb8: {  	s0 =	sor.u32 s0, s1  }
0xb9: {  	s0 =	sadd.s32 $0x8F2B, s0  }
0xba: {  	[sflag:s0] =	ssyncadd.remote.s32 $0x1  }
0xbb: {  	_ =	sfence.sel $0xFFFF  }
0xbc: {  	[dreg:$0x0] =	wrdreg $0xFFFFFFFF;
	(pc) =	sbr.abs _section_cstart, $3  }
0xbd: {  	[dreg:$0x1] =	wrdreg $0xFFFFFFFF  }
0xbe: {  	_ =	task.clear_ibuf [dreg:s4], $0x2FFFF;
	_ =	strace $0x9FFFFFFF  }
0xbf: {  	(tm) =	ssettm $0x7FFFFFFF  }
tec
execute0_lowered:
.L_overlay_start_1:
0x0: {  	(tag) =	ssettag $0x1  }
0x1: {  	s0 =	stileid.u32  }
0x2: {  	s6 =	rddreg [dreg:$0x0];
	s3 =	smul.u32 $0x1F4, s0  }
0x3: {  	s1 =	rddreg [dreg:$0x1];
	s2 =	simm.s32 $0x0  }
0x4: {  	[smem:$0x7FF] =	sst s2;
	s3 =	sadd.s32 s3, s6  }
0x5: {  	s14 =	simm.s32 $0x3;
	_ =	strace $0x80000050;
	s3 =	sadd.s32 $0x31F400, s3  }
0x6: {  	[tilespmem:s2], [sflag:$0x3] =	stream.linear.gather [hbm4b:s3+s2], $0xFA0, $0x38;
	[tilespmem:$0x1A000] =	vst v63  }
0x7: {  	_ =	swait.ge [sflag:s14], $0xFA0  }
0x8: {  	s5 =	simm.s32 $0x50;
	[sflag:s14] =	ssyncset.done $0x0  }
0x9: {  	s7 =	simm.s32 $0x1000;
	s4 =	sadd.s32 $0xA200, s6;
	[sflag:s14] =	ssyncadd.s32 $0xFFFFF060  }
0xa: {  	[tilespmem:s7], [sflag:$0x1] =	stream.indirect.gather [hbm4b:s4+s5], $0x80, s2, s5, $0xb8;
	[tilespmem:$0x1A000] =	vst v63  }
0xb: {  	s15 =	simm.s32 $0x3800  }
0xc: {  	[tilespmem:s15], [sflag:$0x1] =	stream.indirect.gather [hbm4b:s4+s5], $0x80, s5, s5, $0xb8;
	[tilespmem:$0x1A000] =	vst v63  }
0xd: {  	s16 =	simm.s32 $0xA0;
	s8 =	simm.s32 $0x6000  }
0xe: {  	[tilespmem:s8], [sflag:$0x1] =	stream.indirect.gather [hbm4b:s4+s5], $0x80, s16, s5, $0xb8;
	[tilespmem:$0x1A000] =	vst v63  }
0xf: {  	s17 =	simm.s32 $0xF0;
	s18 =	simm.s32 $0x8800  }
0x10: {  	[tilespmem:s18], [sflag:$0x1] =	stream.indirect.gather [hbm4b:s4+s5], $0x80, s17, s5, $0xb8;
	[tilespmem:$0x1A000] =	vst v63  }
0x11: {  	s19 =	simm.s32 $0x140;
	s20 =	simm.s32 $0xB000;
	s3 =	simm.s32 $0x1  }
0x12: {  	[tilespmem:s20], [sflag:$0x1] =	stream.indirect.gather [hbm4b:s4+s5], $0x80, s19, s5, $0xb8;
	[tilespmem:$0x1A000] =	vst v63  }
0x13: {  	_ =	swait.ge [sflag:s3], $0x2800  }
0x14: {  	[sflag:s3] =	ssyncset.done $0x0  }
0x15: {  	[sflag:s3] =	ssyncadd.s32 $0xFFFFD800  }
0x16: {  	_ =	swait.ge [sflag:s3], $0x2800  }
0x17: {  	[sflag:s3] =	ssyncset.done $0x0  }
0x18: {  	[sflag:s3] =	ssyncadd.s32 $0xFFFFD800  }
0x19: {  	_ =	swait.ge [sflag:s3], $0x2800  }
0x1a: {  	[sflag:s3] =	ssyncset.done $0x0  }
0x1b: {  	[sflag:s3] =	ssyncadd.s32 $0xFFFFD800  }
0x1c: {  	_ =	swait.ge [sflag:s3], $0x2800  }
0x1d: {  	[sflag:s3] =	ssyncset.done $0x0  }
0x1e: {  	s21 =	smul.u32 $0xFA00, s0;
	[sflag:s3] =	ssyncadd.s32 $0xFFFFD800  }
0x1f: {  	s9 =	simm.s32 $0xC800;
	s22 =	sand.u32 $0x1, s3;
	_ =	swait.ge [sflag:s3], $0x2800  }
0x20: {  	p0 =	seq.s32 s22, $0x1;
	s8 =	sadd.s32 s21, s6;
	[sflag:s3] =	ssyncset.done $0x0  }
0x21: {  	s9 =	simm.s32 @!p0 $0x0;
	s6 =	sadd.s32 $0x321400, s8;
	[sflag:s3] =	ssyncadd.s32 $0xFFFFD800  }
0x22: {  	[hbm4b:s6+s2] =	stream.linear.scatter [tilespmem:s7], [sflag:$0x2], $0xC800, $0x38;
	[tilespmem:$0x1A000] =	vst v63  }
0x23: {  	s23 =	simm.s32 $0x190;
	s7 =	sor.u32 $0x1000, s9  }
0x24: {  	[tilespmem:s7], [sflag:$0x1] =	stream.indirect.gather [hbm4b:s4+s5], $0x80, s23, s5, $0xb8;
	[tilespmem:$0x1A000] =	vst v63  }
0x25: {  	s10 =	simm.s32 $0x1E0;
	s24 =	sadd.s32 $0x3800, s9  }
0x26: {  	[tilespmem:s24], [sflag:$0x1] =	stream.indirect.gather [hbm4b:s4+s5], $0x80, s10, s5, $0xb8;
	[tilespmem:$0x1A000] =	vst v63  }
0x27: {  	s26 =	simm.s32 $0x230;
	s25 =	sadd.s32 $0x6000, s9  }
0x28: {  	[tilespmem:s25], [sflag:$0x1] =	stream.indirect.gather [hbm4b:s4+s5], $0x80, s26, s5, $0xb8;
	[tilespmem:$0x1A000] =	vst v63  }
0x29: {  	s29 =	simm.s32 $0x280;
	s28 =	sadd.s32 $0x8800, s9  }
0x2a: {  	[tilespmem:s28], [sflag:$0x1] =	stream.indirect.gather [hbm4b:s4+s5], $0x80, s29, s5, $0xb8;
	[tilespmem:$0x1A000] =	vst v63  }
0x2b: {  	s30 =	simm.s32 $0x2D0;
	s6 =	simm.s32 $0x2;
	s9 =	sadd.s32 $0xB000, s9  }
0x2c: {  	[tilespmem:s9], [sflag:$0x1] =	stream.indirect.gather [hbm4b:s4+s5], $0x80, s30, s5, $0xb8;
	[tilespmem:$0x1A000] =	vst v63  }
0x2d: {  	_ =	swait.ge [sflag:s6], $0xC800  }
0x2e: {  	[sflag:s6] =	ssyncset.done $0x0  }
0x2f: {  	[sflag:s6] =	ssyncadd.s32 $0xFFFF3800  }
0x30: {  	_ =	swait.ge [sflag:s3], $0x2800  }
0x31: {  	[sflag:s3] =	ssyncset.done $0x0  }
0x32: {  	[sflag:s3] =	ssyncadd.s32 $0xFFFFD800  }
0x33: {  	_ =	swait.ge [sflag:s3], $0x2800  }
0x34: {  	[sflag:s3] =	ssyncset.done $0x0  }
0x35: {  	[sflag:s3] =	ssyncadd.s32 $0xFFFFD800  }
0x36: {  	_ =	swait.ge [sflag:s3], $0x2800  }
0x37: {  	[sflag:s3] =	ssyncset.done $0x0  }
0x38: {  	[sflag:s3] =	ssyncadd.s32 $0xFFFFD800  }
0x39: {  	s11 =	simm.s32 $0x2;
	_ =	swait.ge [sflag:s3], $0x2800  }
0x3a: {  	s31 =	sand.u32 $0x1, s11;
	[sflag:s3] =	ssyncset.done $0x0  }
0x3b: {  	p1 =	seq.s32 s31, $0x1;
	s12 =	sadd.s32 $0x322D00, s8;
	[sflag:s3] =	ssyncadd.s32 $0xFFFFD800  }
0x3c: {  	s14 =	simm.s32 $0xC80;
	s8 =	sadd.s32 $0x1900, s12;
	_ =	swait.ge [sflag:s3], $0x2800  }
0x3d: {  	s10 =	simm.s32 $0x640;
	s9 =	simm.s32 $0xC800;
	[sflag:s3] =	ssyncset.done $0x0  }
.LBB2_1:
0x3e: {  	s15 =	simm.s32 $0xC800;
	s16 =	sshra.s32 s10, $0x2  }
0x3f: {  	[sflag:s3] =	ssyncadd.s32 $0xFFFFD800;
	s10 =	smov.u32 s14;
	s15 =	simm.s32 @!p1 $0x0  }
0x40: {  	[hbm4b:s12+s2] =	stream.linear.scatter [tilespmem:s7], [sflag:$0x2], $0xC800, $0x38;
	[tilespmem:$0x1A000] =	vst v63  }
0x41: {  	s13 =	sadd.s32 $0x640, s14;
	s7 =	sor.u32 $0x1000, s15;
	s12 =	sadd.s32 $0x190, s16  }
0x42: {  	[tilespmem:s7], [sflag:$0x1] =	stream.indirect.gather [hbm4b:s4+s5], $0x80, s12, s5, $0xb8;
	[tilespmem:$0x1A000] =	vst v63  }
0x43: {  	p0 =	sne.s32 s14, $0x3200;
	s14 =	sadd.s32 $0x1E0, s16;
	s12 =	sadd.s32 $0x3800, s15  }
0x44: {  	[tilespmem:s12], [sflag:$0x1] =	stream.indirect.gather [hbm4b:s4+s5], $0x80, s14, s5, $0xb8;
	[tilespmem:$0x1A000] =	vst v63  }
0x45: {  	s17 =	sadd.s32 $0x230, s16;
	s14 =	sadd.s32 $0x6000, s15;
	s12 =	smov.u32 s8  }
0x46: {  	[tilespmem:s14], [sflag:$0x1] =	stream.indirect.gather [hbm4b:s4+s5], $0x80, s17, s5, $0xb8;
	[tilespmem:$0x1A000] =	vst v63  }
0x47: {  	s14 =	sadd.s32 $0x8800, s15;
	s17 =	sadd.s32 $0x280, s16  }
0x48: {  	[tilespmem:s14], [sflag:$0x1] =	stream.indirect.gather [hbm4b:s4+s5], $0x80, s17, s5, $0xb8;
	[tilespmem:$0x1A000] =	vst v63  }
0x49: {  	s14 =	sadd.s32 $0xB000, s15;
	s15 =	sadd.s32 $0x2D0, s16  }
0x4a: {  	[tilespmem:s14], [sflag:$0x1] =	stream.indirect.gather [hbm4b:s4+s5], $0x80, s15, s5, $0xb8;
	[tilespmem:$0x1A000] =	vst v63  }
0x4b: {  	_ =	swait.ge [sflag:s6], $0xC800  }
0x4c: {  	[sflag:s6] =	ssyncset.done $0x0  }
0x4d: {  	[sflag:s6] =	ssyncadd.s32 $0xFFFF3800  }
0x4e: {  	_ =	swait.ge [sflag:s3], $0x2800  }
0x4f: {  	[sflag:s3] =	ssyncset.done $0x0  }
0x50: {  	[sflag:s3] =	ssyncadd.s32 $0xFFFFD800  }
0x51: {  	_ =	swait.ge [sflag:s3], $0x2800  }
0x52: {  	[sflag:s3] =	ssyncset.done $0x0  }
0x53: {  	[sflag:s3] =	ssyncadd.s32 $0xFFFFD800  }
0x54: {  	_ =	swait.ge [sflag:s3], $0x2800  }
0x55: {  	[sflag:s3] =	ssyncset.done $0x0  }
0x56: {  	[sflag:s3] =	ssyncadd.s32 $0xFFFFD800  }
.Ltmp0:
0x57: {  	_ =	swait.ge [sflag:s3], $0x2800;
	(pc) =	sbr.rel @p0 .LBB2_1-.Ltmp0, $4  }
0x58: {  	[sflag:s3] =	ssyncset.done $0x0  }
0x59: {  	s11 =	sadd.s32 $0x1, s11;
	[sflag:s3] =	ssyncadd.s32 $0xFFFFD800  }
0x5a: {  	s8 =	sadd.s32 $0x1900, s8;
	s14 =	sand.u32 $0x1, s11;
	_ =	swait.ge [sflag:s3], $0x2800  }
0x5b: {  	p1 =	seq.s32 s14, $0x1;
	s14 =	smov.u32 s13;
	[sflag:s3] =	ssyncset.done $0x0  }
0x5c: {  	s9 =	simm.s32 @!p1 $0x0;
	s10 =	sshra.s32 s10, $0x2;
	[sflag:s3] =	ssyncadd.s32 $0xFFFFD800  }
0x5d: {  	[hbm4b:s12+s2] =	stream.linear.scatter [tilespmem:s7], [sflag:$0x2], $0xC800, $0x38;
	[tilespmem:$0x1A000] =	vst v63  }
0x5e: {  	s23 =	sor.u32 $0x1000, s9;
	s11 =	sadd.s32 $0x190, s10  }
0x5f: {  	[tilespmem:s23], [sflag:$0x1] =	stream.indirect.gather [hbm4b:s4+s5], $0x80, s11, s5, $0xb8;
	[tilespmem:$0x1A000] =	vst v63  }
0x60: {  	s24 =	sadd.s32 $0x3800, s9;
	s25 =	sadd.s32 $0x1E0, s10  }
0x61: {  	[tilespmem:s24], [sflag:$0x1] =	stream.indirect.gather [hbm4b:s4+s5], $0x80, s25, s5, $0xb8;
	[tilespmem:$0x1A000] =	vst v63  }
0x62: {  	s26 =	sadd.s32 $0x6000, s9;
	s28 =	sadd.s32 $0x230, s10  }
0x63: {  	[tilespmem:s26], [sflag:$0x1] =	stream.indirect.gather [hbm4b:s4+s5], $0x80, s28, s5, $0xb8;
	[tilespmem:$0x1A000] =	vst v63  }
0x64: {  	s29 =	sadd.s32 $0x8800, s9;
	s30 =	sadd.s32 $0x280, s10  }
0x65: {  	[tilespmem:s29], [sflag:$0x1] =	stream.indirect.gather [hbm4b:s4+s5], $0x80, s30, s5, $0xb8;
	[tilespmem:$0x1A000] =	vst v63  }
0x66: {  	s9 =	sadd.s32 $0xB000, s9;
	s10 =	sadd.s32 $0x2D0, s10  }
0x67: {  	[tilespmem:s9], [sflag:$0x1] =	stream.indirect.gather [hbm4b:s4+s5], $0x80, s10, s5, $0xb8;
	[tilespmem:$0x1A000] =	vst v63  }
0x68: {  	_ =	swait.ge [sflag:s6], $0xC800  }
0x69: {  	[sflag:s6] =	ssyncset.done $0x0  }
0x6a: {  	[sflag:s6] =	ssyncadd.s32 $0xFFFF3800  }
0x6b: {  	_ =	swait.ge [sflag:s3], $0x2800  }
0x6c: {  	[sflag:s3] =	ssyncset.done $0x0  }
0x6d: {  	[sflag:s3] =	ssyncadd.s32 $0xFFFFD800  }
0x6e: {  	_ =	swait.ge [sflag:s3], $0x2800  }
0x6f: {  	[sflag:s3] =	ssyncset.done $0x0  }
0x70: {  	[sflag:s3] =	ssyncadd.s32 $0xFFFFD800  }
0x71: {  	_ =	swait.ge [sflag:s3], $0x2800  }
0x72: {  	[sflag:s3] =	ssyncset.done $0x0  }
0x73: {  	[sflag:s3] =	ssyncadd.s32 $0xFFFFD800  }
0x74: {  	_ =	swait.ge [sflag:s3], $0x2800  }
0x75: {  	[sflag:s3] =	ssyncset.done $0x0  }
0x76: {  	[sflag:s3] =	ssyncadd.s32 $0xFFFFD800  }
0x77: {  	_ =	swait.ge [sflag:s3], $0x2800  }
0x78: {  	[sflag:s3] =	ssyncset.done $0x0  }
0x79: {  	s31 =	simm.s32 $0x2;
	[sflag:s3] =	ssyncadd.s32 $0xFFFFD800  }
0x7a: {  	[hbm4b:s8+s2] =	stream.linear.scatter [tilespmem:s23], [sflag:$0x2], $0xC800, $0x38;
	[tilespmem:$0x1A000] =	vst v63  }
0x7b: {  	_ =	swait.ge [sflag:s31], $0xC800  }
0x7c: {  	[sflag:s31] =	ssyncset.done $0x0  }
0x7d: {  	[sflag:s31] =	ssyncadd.s32 $0xFFFF3800  }
0x7e: {  	_ =	sfence.sel $0x180000  }
0x7f: {  	[bflag:$0x0] =	sbarrier.arrive $0xFFFF  }
0x80: {  	p0 =	sne.s32 s0, $0x0;
	_ =	strace $0x90000050  }
0x81: {  	s0 =	sadd.s32 @!p0 $0x100000, s1;
	[bflag:$0x2] =	sbarrier.arrive $0xFFFF  }
0x82: {  	[sflag:s0] =	ssyncadd.tile.s32 @!p0 $0x1;
	_ =	shalt  }
.Lfunc_end2:
_tile_overlayer_lowered:
.L_overlay_start_2:
0x83: {  	(tag) =	ssettag $0x2  }
0x84: {  	s0 =	rddreg [dreg:$0x0];
	s2 =	stileid.u32  }
0x85: {  	s1 =	rddreg [dreg:$0x1];
	p0 =	sne.s32 s2, $0x0  }
0x86: {  	s3 =	rddreg [dreg:$0x2];
	[bflag:$0x3] =	sbarrier.arrive $0xFFFF;
	s2 =	simm.s32 @!p0 $0x1C03  }
0x87: {  	[timem:s3], [sflag:s2] =	dma.local @!p0 [hbm:s0], s1  }
0x88: {  	s0 =	simm.s32 @!p0 $0x3  }
0x89: {  	_ =	swait.ge @!p0 [sflag:s0], s1  }
0x8a: {  	s1 =	ssub.s32 @!p0 $0x0, s1;
	[sflag:s0] =	ssyncset.done @!p0 $0x0  }
0x8b: {  	[sflag:s0] =	ssyncadd.s32 @!p0 s1  }
0x8c: {  	[bflag:$0x3] =	sbarrier.arrive $0xFFFF  }
0x8d: {  	_ =	shalt  }

// kernel: kernel.16.cloned.1.call-start
scs
__scs_entry_jumppad:
0x0: {  	(pc) =	sbr.rel $0x88, $3  }
0x1: {  	(tag) =	ssettag $0x0;
	lr =	simm.s32 $0x1  }
0x2: {  	[smem:$0x3F96] =	sst lr;
	_ =	strace $0xD0000000  }
0x3: {  	_ = 	snop  }
0x4: {  	_ = 	snop  }
0x5: {  	_ = 	snop  }
0x6: {  	_ = 	snop  }
0x7: {  	_ = 	snop  }
__scs_overlays_trampoline_lowered:
0x8: {  	[smem:$0x3FA5] =	sst s0  }
0x9: {  	[smem:$0x3FA6] =	sst s1  }
0xa: {  	[smem:$0x3FA7] =	sst s2  }
0xb: {  	[smem:$0x3FA8] =	sst s3  }
0xc: {  	[smem:$0x3FA9] =	sst s4  }
0xd: {  	[smem:$0x3FAA] =	sst s5  }
0xe: {  	[smem:$0x3FAB] =	sst s6  }
0xf: {  	[smem:$0x3FAC] =	sst s7  }
0x10: {  	[smem:$0x3FAD] =	sst s8  }
0x11: {  	[smem:$0x3FAE] =	sst s9;
	s0 =	simm.s32 @!p0 $0x0  }
0x12: {  	s1 =	sld [smem:$0x3F94];
	s0 =	simm.s32 @p0 $0x1  }
0x13: {  	[smem:$0x3FAF] =	sst s0;
	s0 =	simm.s32 @!p1 $0x0  }
0x14: {  	s2 =	sld [smem:$0x3F93];
	s0 =	simm.s32 @p1 $0x1  }
0x15: {  	[smem:$0x3FB0] =	sst s0;
	s0 =	simm.s32 @!p2 $0x0  }
0x16: {  	s3 =	sld [smem:$0x3FDB];
	s0 =	simm.s32 @p2 $0x1  }
0x17: {  	s4 =	simm.s32 $0x1BF5;
	[smem:$0x3FB2] =	sst s0  }
0x18: {  	s0 =	sld [smem:$0x3F95];
	_ =	swait.ge [sflag:s4], $0x0  }
0x19: {  	s7 =	sld [smem:$0x3F96]  }
0x1a: {  	s8 =	sadd.s32 $0xFFFFE003, lr  }
0x1b: {  	s9 =	sadd.s32 $0xFFFFFEF7, lr;
	s5 =	simm.s32 $0xFFFFFFFF;
	p2 =	slt.u32 s8, $0xFFFFF086  }
0x1c: {  	p1 =	slt.u32 s9, $0xF7A;
	s5 =	simm.s32 @!p2 $0x0  }
0x1d: {  	s5 =	simm.s32 @p1 $0x1;
	p0 =	seq.s32 s7, s2  }
0x1e: {  	s7 =	smul.u32 @!p0 $0xF7A, s2;
	p2 =	seq.s32 @!p0 s5, $0x0  }
0x1f: {  	s9 =	smul.u32 $0xF7A, s1;
	s8 =	simm.s32 @!p0 $0x1BF5;
	p2 =	por !p2, p0  }
0x20: {  	[sflag:s8] =	ssyncset.s32 @!p0 $0xFFFFF086;
	s6 =	sadd.s32 @!p0 s3, s7;
	s7 =	simm.s32 @!p0 $0x108  }
0x21: {  	s3 =	sadd.s32 s3, s9;
	s6 =	sadd.s32 @!p0 $0x88, s6;
	s7 =	simm.s32 @p2 $0x1082  }
0x22: {  	[simem:s7], [sflag:s8] =	dma.local @!p0 [hbm:s6], $0xF7A  }
0x23: {  	s9 =	sor.u32 $0xD0000000, s2;
	s6 =	simm.s32 $0x108;
	_ =	swait.ge @!p0 [sflag:s8], $0x0  }
0x24: {  	s3 =	sadd.s32 $0x88, s3;
	s6 =	simm.s32 @!p1 $0x1082;
	[sflag:s4] =	ssyncset.s32 $0xFFFFF086  }
0x25: {  	[simem:s6], [sflag:s4] =	dma.local [hbm:s3], $0xF7A  }
0x26: {  	[smem:$0x3F96] =	sst s1;
	(tag) =	ssettag s2;
	_ =	strace s9  }
0x27: {  	s1 =	sld [smem:$0x3FA6]  }
0x28: {  	s2 =	sld [smem:$0x3FA7]  }
0x29: {  	s4 =	sld [smem:$0x3FA9]  }
0x2a: {  	p0 =	seq.s32 s5, $0x0;
	s5 =	sld [smem:$0x3FAA]  }
0x2b: {  	s6 =	sld [smem:$0x3FAB]  }
0x2c: {  	s7 =	sld [smem:$0x3FAC]  }
0x2d: {  	s3 =	simm.s32 $0x108;
	s8 =	sld [smem:$0x3FAD]  }
0x2e: {  	s3 =	simm.s32 @!p0 $0x1082;
	s9 =	sld [smem:$0x3FAE]  }
0x2f: {  	lr =	sadd.s32 s0, s3;
	s0 =	sld [smem:$0x3FA5]  }
0x30: {  	s3 =	sld [smem:$0x3FA8]  }
0x31: {  	[smem:$0x3FB1] =	sst s10  }
0x32: {  	s10 =	sld [smem:$0x3FAF];
	_ =	sdelay $0x3  }
0x33: {  	p0 =	seq.s32 s10, $0x1;
	s10 =	sld [smem:$0x3FB1];
	_ =	sdelay $0x3  }
0x34: {  	[smem:$0x3FB1] =	sst s10  }
0x35: {  	s10 =	sld [smem:$0x3FB0];
	_ =	sdelay $0x3  }
0x36: {  	p1 =	seq.s32 s10, $0x1;
	s10 =	sld [smem:$0x3FB1];
	_ =	sdelay $0x3  }
0x37: {  	[smem:$0x3FB1] =	sst s10  }
0x38: {  	s10 =	sld [smem:$0x3FB2]  }
0x39: {  	_ = 	snop;
	(pc) =	sbr.ind lr, $3  }
0x3a: {  	_ = 	snop  }
0x3b: {  	_ = 	snop  }
0x3c: {  	p2 =	seq.s32 s10, $0x1;
	s10 =	sld [smem:$0x3FB1]  }
0x3d: {  	_ =	shalt  }
0x3e: {  	_ =	shalt  }
0x3f: {  	_ =	shalt  }
0x40: {  	_ =	shalt  }
0x41: {  	_ =	shalt  }
0x42: {  	_ =	shalt  }
0x43: {  	_ =	shalt  }
0x44: {  	_ =	shalt  }
0x45: {  	_ =	shalt  }
0x46: {  	_ =	shalt  }
0x47: {  	_ =	shalt  }
0x48: {  	_ =	shalt  }
0x49: {  	_ =	shalt  }
0x4a: {  	_ =	shalt  }
0x4b: {  	_ =	shalt  }
0x4c: {  	_ =	shalt  }
0x4d: {  	_ =	shalt  }
0x4e: {  	_ =	shalt  }
0x4f: {  	_ =	shalt  }
0x50: {  	_ =	shalt  }
0x51: {  	_ =	shalt  }
0x52: {  	_ =	shalt  }
0x53: {  	_ =	shalt  }
0x54: {  	_ =	shalt  }
0x55: {  	_ =	shalt  }
0x56: {  	_ =	shalt  }
0x57: {  	_ =	shalt  }
0x58: {  	_ =	shalt  }
0x59: {  	_ =	shalt  }
0x5a: {  	_ =	shalt  }
0x5b: {  	_ =	shalt  }
0x5c: {  	_ =	shalt  }
0x5d: {  	_ =	shalt  }
0x5e: {  	_ =	shalt  }
0x5f: {  	_ =	shalt  }
0x60: {  	_ =	shalt  }
0x61: {  	_ =	shalt  }
0x62: {  	_ =	shalt  }
0x63: {  	_ =	shalt  }
0x64: {  	_ =	shalt  }
0x65: {  	_ =	shalt  }
0x66: {  	_ =	shalt  }
0x67: {  	_ =	shalt  }
0x68: {  	_ =	shalt  }
0x69: {  	_ =	shalt  }
0x6a: {  	_ =	shalt  }
0x6b: {  	_ =	shalt  }
0x6c: {  	_ =	shalt  }
0x6d: {  	_ =	shalt  }
0x6e: {  	_ =	shalt  }
0x6f: {  	_ =	shalt  }
0x70: {  	_ =	shalt  }
0x71: {  	_ =	shalt  }
0x72: {  	_ =	shalt  }
0x73: {  	_ =	shalt  }
0x74: {  	_ =	shalt  }
0x75: {  	_ =	shalt  }
0x76: {  	_ =	shalt  }
0x77: {  	_ =	shalt  }
0x78: {  	_ =	shalt  }
0x79: {  	_ =	shalt  }
0x7a: {  	_ =	shalt  }
0x7b: {  	_ =	shalt  }
0x7c: {  	_ =	shalt  }
0x7d: {  	_ =	shalt  }
0x7e: {  	_ =	shalt  }
0x7f: {  	_ =	shalt  }
0x80: {  	_ =	shalt  }
0x81: {  	_ =	shalt  }
0x82: {  	_ =	shalt  }
0x83: {  	_ =	shalt  }
0x84: {  	_ =	shalt  }
0x85: {  	_ =	shalt  }
0x86: {  	_ =	shalt  }
0x87: {  	_ =	shalt  }
.Lfunc_end0:
.L_simem_size_0:
called_computation.1_lowered:
.L_overlay_start_0:
0x88: {  	s0 =	sld [smem:$0x3FD9]  }
0x89: {  	s1 =	sld [smem:$0x3FFE];
	_ =	sdelay $0x3  }
0x8a: {  	s0 =	sadd.s32 s1, s0  }
0x8b: {  	[smem:$0x3FBD] =	sst s0  }
0x8c: {  	_ = 	snop  }
0x8d: {  	(tm) =	ssettm $0x1  }
0x8e: {  	s15 =	sld [smem:$0x3FFB];
	_ =	sdelay $0x3  }
0x8f: {  	_ =	strace s15  }
0x90: {  	s0 =	sld [smem:$0x3FFC];
	_ =	sdelay $0x3  }
0x91: {  	_ =	strace s0  }
0x92: {  	s0 =	sld [smem:$0x3FFD];
	_ =	sdelay $0x3  }
0x93: {  	_ =	strace s0  }
0x94: {  	_ =	strace $0x8FFFFFFF  }
0x95: {  	s16 =	sld [smem:$0x3FDB];
	_ =	sdelay $0x1  }
0x96: {  	s17 =	simm.s32 $_scs_section_size  }
0x97: {  	s2 =	simm.s32 $_size__tile_overlayer_lowered;
	s3 =	simm.s32 $_tile_overlayer_lowered  }
0x98: {  	s20 =	simm.s32 $0x1BFF;
	s19 =	sshll.u32 s3, $0x1;
	s0 =	sadd.s32 s17, s16  }
0x99: {  	s4 =	simm.s32 $0x0;
	s18 =	sshll.u32 s2, $0x1;
	s2 =	sadd.s32 s19, s0  }
0x9a: {  	[timem:s4], [sflag:s20] =	dma.local [hbm:s2], s18  }
0x9b: {  	_ =	swait.ge [sflag:s20], s18  }
0x9c: {  	s1 =	ssub.s32 $0x0, s18;
	[sflag:s20] =	ssyncset.done $0x0  }
0x9d: {  	[sflag:s20] =	ssyncadd.s32 s1;
	_ =	sdelay $0x1  }
0x9e: {  	s21 =	simm.s32 $0x1B8B  }
0x9f: {  	_ =	swait.ge [sflag:s21], $0x1  }
0xa0: {  	[sflag:s21] =	ssyncset.done $0x0  }
0xa1: {  	s23 =	simm.s32 $0x1B8E;
	s22 =	sld [smem:$0x3FFE];
	[sflag:s21] =	ssyncadd.s32 $0xFFFFFFFF  }
0xa2: {  	s24 =	simm.s32 $execute0_lowered;
	[smem:$0x3FD2] =	sst s23  }
0xa3: {  	s2 =	sshll.u32 s24, $0x1;
	_ =	strace $0x8000004C;
	[dreg:$0x1] =	wrdreg $0xFFFFFFFF  }
0xa4: {  	s25 =	simm.s32 $_size_execute0_lowered;
	s0 =	sadd.s32 s0, s2;
	[dreg:$0x0] =	wrdreg $0x0  }
0xa5: {  	s2 =	sshll.u32 s25, $0x1;
	[dreg:$0x2] =	wrdreg s0  }
0xa6: {  	[dreg:$0x3] =	wrdreg s2  }
0xa7: {  	[dreg:$0x4] =	wrdreg $0xC0  }
0xa8: {  	_ =	task [dreg:s4], $0x5FFFF  }
0xa9: {  	[dreg:$0x1] =	wrdreg $0xFFFFFFFF  }
0xaa: {  	[dreg:$0x0] =	wrdreg $0x60  }
0xab: {  	[dreg:$0x2] =	wrdreg s22  }
0xac: {  	[dreg:$0x3] =	wrdreg $0xA  }
0xad: {  	_ =	task.clear_ibuf [dreg:s4], $0x4FFFF;
	_ =	strace $0x9000004C  }
0xae: {  	s26 =	simm.s32 $0xA;
	_ =	strace $0x8000004E  }
0xaf: {  	_ =	swait.ge [sflag:s26], $0x1  }
0xb0: {  	[sflag:s26] =	ssyncadd.s32 $0xFFFFFFFF  }
0xb1: {  	_ =	strace $0x9000004E  }
0xb2: {  	_ =	sfence  }
0xb3: {  	s28 =	sld [smem:$0x0];
	_ =	sdelay $0x1  }
0xb4: {  	s29 =	srdreg.scid  }
0xb5: {  	s30 =	sshll.u32 s29, $0xD;
	s31 =	sshrl.u32 s29, $0x2  }
0xb6: {  	s1 =	sand.u32 $0x1, s29;
	s2 =	sand.u32 $0x4000, s30;
	s0 =	sadd.s32 s31, s28  }
0xb7: {  	s1 =	sor.u32 s2, s1;
	s0 =	sshll.u32 s0, $0x11  }
0xb8: {  	s0 =	sor.u32 s0, s1  }
0xb9: {  	s0 =	sadd.s32 $0x8F2B, s0  }
0xba: {  	[sflag:s0] =	ssyncadd.remote.s32 $0x1  }
0xbb: {  	_ =	sfence.sel $0xFFFF  }
0xbc: {  	[dreg:$0x0] =	wrdreg $0xFFFFFFFF;
	(pc) =	sbr.abs _section_cstart, $3  }
0xbd: {  	[dreg:$0x1] =	wrdreg $0xFFFFFFFF  }
0xbe: {  	_ =	task.clear_ibuf [dreg:s4], $0x2FFFF;
	_ =	strace $0x9FFFFFFF  }
0xbf: {  	(tm) =	ssettm $0x7FFFFFFF  }
tec
execute0_lowered:
.L_overlay_start_1:
0x0: {  	(tag) =	ssettag $0x1  }
0x1: {  	s0 =	stileid.u32  }
0x2: {  	s6 =	rddreg [dreg:$0x0];
	s3 =	smul.u32 $0x1F4, s0  }
0x3: {  	s1 =	rddreg [dreg:$0x1];
	s2 =	simm.s32 $0x0  }
0x4: {  	[smem:$0x7FF] =	sst s2;
	s3 =	sadd.s32 s3, s6  }
0x5: {  	s14 =	simm.s32 $0x3;
	_ =	strace $0x8000004D;
	s3 =	sadd.s32 $0x6200, s3  }
0x6: {  	[tilespmem:s2], [sflag:$0x3] =	stream.linear.gather [hbm4b:s3+s2], $0xFA0, $0x38;
	[tilespmem:$0x1A000] =	vst v63  }
0x7: {  	_ =	swait.ge [sflag:s14], $0xFA0  }
0x8: {  	s5 =	simm.s32 $0x50;
	[sflag:s14] =	ssyncset.done $0x0  }
0x9: {  	s7 =	simm.s32 $0x1000;
	s4 =	sadd.s32 $0xA200, s6;
	[sflag:s14] =	ssyncadd.s32 $0xFFFFF060  }
0xa: {  	[tilespmem:s7], [sflag:$0x1] =	stream.indirect.gather [hbm4b:s4+s5], $0x80, s2, s5, $0xb8;
	[tilespmem:$0x1A000] =	vst v63  }
0xb: {  	s15 =	simm.s32 $0x3800  }
0xc: {  	[tilespmem:s15], [sflag:$0x1] =	stream.indirect.gather [hbm4b:s4+s5], $0x80, s5, s5, $0xb8;
	[tilespmem:$0x1A000] =	vst v63  }
0xd: {  	s16 =	simm.s32 $0xA0;
	s8 =	simm.s32 $0x6000  }
0xe: {  	[tilespmem:s8], [sflag:$0x1] =	stream.indirect.gather [hbm4b:s4+s5], $0x80, s16, s5, $0xb8;
	[tilespmem:$0x1A000] =	vst v63  }
0xf: {  	s17 =	simm.s32 $0xF0;
	s18 =	simm.s32 $0x8800  }
0x10: {  	[tilespmem:s18], [sflag:$0x1] =	stream.indirect.gather [hbm4b:s4+s5], $0x80, s17, s5, $0xb8;
	[tilespmem:$0x1A000] =	vst v63  }
0x11: {  	s19 =	simm.s32 $0x140;
	s20 =	simm.s32 $0xB000;
	s3 =	simm.s32 $0x1  }
0x12: {  	[tilespmem:s20], [sflag:$0x1] =	stream.indirect.gather [hbm4b:s4+s5], $0x80, s19, s5, $0xb8;
	[tilespmem:$0x1A000] =	vst v63  }
0x13: {  	_ =	swait.ge [sflag:s3], $0x2800  }
0x14: {  	[sflag:s3] =	ssyncset.done $0x0  }
0x15: {  	[sflag:s3] =	ssyncadd.s32 $0xFFFFD800  }
0x16: {  	_ =	swait.ge [sflag:s3], $0x2800  }
0x17: {  	[sflag:s3] =	ssyncset.done $0x0  }
0x18: {  	[sflag:s3] =	ssyncadd.s32 $0xFFFFD800  }
0x19: {  	_ =	swait.ge [sflag:s3], $0x2800  }
0x1a: {  	[sflag:s3] =	ssyncset.done $0x0  }
0x1b: {  	[sflag:s3] =	ssyncadd.s32 $0xFFFFD800  }
0x1c: {  	_ =	swait.ge [sflag:s3], $0x2800  }
0x1d: {  	[sflag:s3] =	ssyncset.done $0x0  }
0x1e: {  	s21 =	smul.u32 $0xFA00, s0;
	[sflag:s3] =	ssyncadd.s32 $0xFFFFD800  }
0x1f: {  	s9 =	simm.s32 $0xC800;
	s22 =	sand.u32 $0x1, s3;
	_ =	swait.ge [sflag:s3], $0x2800  }
0x20: {  	p0 =	seq.s32 s22, $0x1;
	s8 =	sadd.s32 s21, s6;
	[sflag:s3] =	ssyncset.done $0x0  }
0x21: {  	s9 =	simm.s32 @!p0 $0x0;
	s6 =	sadd.s32 $0x225400, s8;
	[sflag:s3] =	ssyncadd.s32 $0xFFFFD800  }
0x22: {  	[hbm4b:s6+s2] =	stream.linear.scatter [tilespmem:s7], [sflag:$0x2], $0xC800, $0x38;
	[tilespmem:$0x1A000] =	vst v63  }
0x23: {  	s23 =	simm.s32 $0x190;
	s7 =	sor.u32 $0x1000, s9  }
0x24: {  	[tilespmem:s7], [sflag:$0x1] =	stream.indirect.gather [hbm4b:s4+s5], $0x80, s23, s5, $0xb8;
	[tilespmem:$0x1A000] =	vst v63  }
0x25: {  	s10 =	simm.s32 $0x1E0;
	s24 =	sadd.s32 $0x3800, s9  }
0x26: {  	[tilespmem:s24], [sflag:$0x1] =	stream.indirect.gather [hbm4b:s4+s5], $0x80, s10, s5, $0xb8;
	[tilespmem:$0x1A000] =	vst v63  }
0x27: {  	s26 =	simm.s32 $0x230;
	s25 =	sadd.s32 $0x6000, s9  }
0x28: {  	[tilespmem:s25], [sflag:$0x1] =	stream.indirect.gather [hbm4b:s4+s5], $0x80, s26, s5, $0xb8;
	[tilespmem:$0x1A000] =	vst v63  }
0x29: {  	s29 =	simm.s32 $0x280;
	s28 =	sadd.s32 $0x8800, s9  }
0x2a: {  	[tilespmem:s28], [sflag:$0x1] =	stream.indirect.gather [hbm4b:s4+s5], $0x80, s29, s5, $0xb8;
	[tilespmem:$0x1A000] =	vst v63  }
0x2b: {  	s30 =	simm.s32 $0x2D0;
	s6 =	simm.s32 $0x2;
	s9 =	sadd.s32 $0xB000, s9  }
0x2c: {  	[tilespmem:s9], [sflag:$0x1] =	stream.indirect.gather [hbm4b:s4+s5], $0x80, s30, s5, $0xb8;
	[tilespmem:$0x1A000] =	vst v63  }
0x2d: {  	_ =	swait.ge [sflag:s6], $0xC800  }
0x2e: {  	[sflag:s6] =	ssyncset.done $0x0  }
0x2f: {  	[sflag:s6] =	ssyncadd.s32 $0xFFFF3800  }
0x30: {  	_ =	swait.ge [sflag:s3], $0x2800  }
0x31: {  	[sflag:s3] =	ssyncset.done $0x0  }
0x32: {  	[sflag:s3] =	ssyncadd.s32 $0xFFFFD800  }
0x33: {  	_ =	swait.ge [sflag:s3], $0x2800  }
0x34: {  	[sflag:s3] =	ssyncset.done $0x0  }
0x35: {  	[sflag:s3] =	ssyncadd.s32 $0xFFFFD800  }
0x36: {  	_ =	swait.ge [sflag:s3], $0x2800  }
0x37: {  	[sflag:s3] =	ssyncset.done $0x0  }
0x38: {  	[sflag:s3] =	ssyncadd.s32 $0xFFFFD800  }
0x39: {  	s11 =	simm.s32 $0x2;
	_ =	swait.ge [sflag:s3], $0x2800  }
0x3a: {  	s31 =	sand.u32 $0x1, s11;
	[sflag:s3] =	ssyncset.done $0x0  }
0x3b: {  	p1 =	seq.s32 s31, $0x1;
	s12 =	sadd.s32 $0x226D00, s8;
	[sflag:s3] =	ssyncadd.s32 $0xFFFFD800  }
0x3c: {  	s14 =	simm.s32 $0xC80;
	s8 =	sadd.s32 $0x1900, s12;
	_ =	swait.ge [sflag:s3], $0x2800  }
0x3d: {  	s10 =	simm.s32 $0x640;
	s9 =	simm.s32 $0xC800;
	[sflag:s3] =	ssyncset.done $0x0  }
.LBB2_1:
0x3e: {  	s15 =	simm.s32 $0xC800;
	s16 =	sshra.s32 s10, $0x2  }
0x3f: {  	[sflag:s3] =	ssyncadd.s32 $0xFFFFD800;
	s10 =	smov.u32 s14;
	s15 =	simm.s32 @!p1 $0x0  }
0x40: {  	[hbm4b:s12+s2] =	stream.linear.scatter [tilespmem:s7], [sflag:$0x2], $0xC800, $0x38;
	[tilespmem:$0x1A000] =	vst v63  }
0x41: {  	s13 =	sadd.s32 $0x640, s14;
	s7 =	sor.u32 $0x1000, s15;
	s12 =	sadd.s32 $0x190, s16  }
0x42: {  	[tilespmem:s7], [sflag:$0x1] =	stream.indirect.gather [hbm4b:s4+s5], $0x80, s12, s5, $0xb8;
	[tilespmem:$0x1A000] =	vst v63  }
0x43: {  	p0 =	sne.s32 s14, $0x3200;
	s14 =	sadd.s32 $0x1E0, s16;
	s12 =	sadd.s32 $0x3800, s15  }
0x44: {  	[tilespmem:s12], [sflag:$0x1] =	stream.indirect.gather [hbm4b:s4+s5], $0x80, s14, s5, $0xb8;
	[tilespmem:$0x1A000] =	vst v63  }
0x45: {  	s17 =	sadd.s32 $0x230, s16;
	s14 =	sadd.s32 $0x6000, s15;
	s12 =	smov.u32 s8  }
0x46: {  	[tilespmem:s14], [sflag:$0x1] =	stream.indirect.gather [hbm4b:s4+s5], $0x80, s17, s5, $0xb8;
	[tilespmem:$0x1A000] =	vst v63  }
0x47: {  	s14 =	sadd.s32 $0x8800, s15;
	s17 =	sadd.s32 $0x280, s16  }
0x48: {  	[tilespmem:s14], [sflag:$0x1] =	stream.indirect.gather [hbm4b:s4+s5], $0x80, s17, s5, $0xb8;
	[tilespmem:$0x1A000] =	vst v63  }
0x49: {  	s14 =	sadd.s32 $0xB000, s15;
	s15 =	sadd.s32 $0x2D0, s16  }
0x4a: {  	[tilespmem:s14], [sflag:$0x1] =	stream.indirect.gather [hbm4b:s4+s5], $0x80, s15, s5, $0xb8;
	[tilespmem:$0x1A000] =	vst v63  }
0x4b: {  	_ =	swait.ge [sflag:s6], $0xC800  }
0x4c: {  	[sflag:s6] =	ssyncset.done $0x0  }
0x4d: {  	[sflag:s6] =	ssyncadd.s32 $0xFFFF3800  }
0x4e: {  	_ =	swait.ge [sflag:s3], $0x2800  }
0x4f: {  	[sflag:s3] =	ssyncset.done $0x0  }
0x50: {  	[sflag:s3] =	ssyncadd.s32 $0xFFFFD800  }
0x51: {  	_ =	swait.ge [sflag:s3], $0x2800  }
0x52: {  	[sflag:s3] =	ssyncset.done $0x0  }
0x53: {  	[sflag:s3] =	ssyncadd.s32 $0xFFFFD800  }
0x54: {  	_ =	swait.ge [sflag:s3], $0x2800  }
0x55: {  	[sflag:s3] =	ssyncset.done $0x0  }
0x56: {  	[sflag:s3] =	ssyncadd.s32 $0xFFFFD800  }
.Ltmp0:
0x57: {  	_ =	swait.ge [sflag:s3], $0x2800;
	(pc) =	sbr.rel @p0 .LBB2_1-.Ltmp0, $4  }
0x58: {  	[sflag:s3] =	ssyncset.done $0x0  }
0x59: {  	s11 =	sadd.s32 $0x1, s11;
	[sflag:s3] =	ssyncadd.s32 $0xFFFFD800  }
0x5a: {  	s8 =	sadd.s32 $0x1900, s8;
	s14 =	sand.u32 $0x1, s11;
	_ =	swait.ge [sflag:s3], $0x2800  }
0x5b: {  	p1 =	seq.s32 s14, $0x1;
	s14 =	smov.u32 s13;
	[sflag:s3] =	ssyncset.done $0x0  }
0x5c: {  	s9 =	simm.s32 @!p1 $0x0;
	s10 =	sshra.s32 s10, $0x2;
	[sflag:s3] =	ssyncadd.s32 $0xFFFFD800  }
0x5d: {  	[hbm4b:s12+s2] =	stream.linear.scatter [tilespmem:s7], [sflag:$0x2], $0xC800, $0x38;
	[tilespmem:$0x1A000] =	vst v63  }
0x5e: {  	s23 =	sor.u32 $0x1000, s9;
	s11 =	sadd.s32 $0x190, s10  }
0x5f: {  	[tilespmem:s23], [sflag:$0x1] =	stream.indirect.gather [hbm4b:s4+s5], $0x80, s11, s5, $0xb8;
	[tilespmem:$0x1A000] =	vst v63  }
0x60: {  	s24 =	sadd.s32 $0x3800, s9;
	s25 =	sadd.s32 $0x1E0, s10  }
0x61: {  	[tilespmem:s24], [sflag:$0x1] =	stream.indirect.gather [hbm4b:s4+s5], $0x80, s25, s5, $0xb8;
	[tilespmem:$0x1A000] =	vst v63  }
0x62: {  	s26 =	sadd.s32 $0x6000, s9;
	s28 =	sadd.s32 $0x230, s10  }
0x63: {  	[tilespmem:s26], [sflag:$0x1] =	stream.indirect.gather [hbm4b:s4+s5], $0x80, s28, s5, $0xb8;
	[tilespmem:$0x1A000] =	vst v63  }
0x64: {  	s29 =	sadd.s32 $0x8800, s9;
	s30 =	sadd.s32 $0x280, s10  }
0x65: {  	[tilespmem:s29], [sflag:$0x1] =	stream.indirect.gather [hbm4b:s4+s5], $0x80, s30, s5, $0xb8;
	[tilespmem:$0x1A000] =	vst v63  }
0x66: {  	s9 =	sadd.s32 $0xB000, s9;
	s10 =	sadd.s32 $0x2D0, s10  }
0x67: {  	[tilespmem:s9], [sflag:$0x1] =	stream.indirect.gather [hbm4b:s4+s5], $0x80, s10, s5, $0xb8;
	[tilespmem:$0x1A000] =	vst v63  }
0x68: {  	_ =	swait.ge [sflag:s6], $0xC800  }
0x69: {  	[sflag:s6] =	ssyncset.done $0x0  }
0x6a: {  	[sflag:s6] =	ssyncadd.s32 $0xFFFF3800  }
0x6b: {  	_ =	swait.ge [sflag:s3], $0x2800  }
0x6c: {  	[sflag:s3] =	ssyncset.done $0x0  }
0x6d: {  	[sflag:s3] =	ssyncadd.s32 $0xFFFFD800  }
0x6e: {  	_ =	swait.ge [sflag:s3], $0x2800  }
0x6f: {  	[sflag:s3] =	ssyncset.done $0x0  }
0x70: {  	[sflag:s3] =	ssyncadd.s32 $0xFFFFD800  }
0x71: {  	_ =	swait.ge [sflag:s3], $0x2800  }
0x72: {  	[sflag:s3] =	ssyncset.done $0x0  }
0x73: {  	[sflag:s3] =	ssyncadd.s32 $0xFFFFD800  }
0x74: {  	_ =	swait.ge [sflag:s3], $0x2800  }
0x75: {  	[sflag:s3] =	ssyncset.done $0x0  }
0x76: {  	[sflag:s3] =	ssyncadd.s32 $0xFFFFD800  }
0x77: {  	_ =	swait.ge [sflag:s3], $0x2800  }
0x78: {  	[sflag:s3] =	ssyncset.done $0x0  }
0x79: {  	s31 =	simm.s32 $0x2;
	[sflag:s3] =	ssyncadd.s32 $0xFFFFD800  }
0x7a: {  	[hbm4b:s8+s2] =	stream.linear.scatter [tilespmem:s23], [sflag:$0x2], $0xC800, $0x38;
	[tilespmem:$0x1A000] =	vst v63  }
0x7b: {  	_ =	swait.ge [sflag:s31], $0xC800  }
0x7c: {  	[sflag:s31] =	ssyncset.done $0x0  }
0x7d: {  	[sflag:s31] =	ssyncadd.s32 $0xFFFF3800  }
0x7e: {  	_ =	sfence.sel $0x180000  }
0x7f: {  	[bflag:$0x0] =	sbarrier.arrive $0xFFFF  }
0x80: {  	p0 =	sne.s32 s0, $0x0;
	_ =	strace $0x9000004D  }
0x81: {  	s0 =	sadd.s32 @!p0 $0x100000, s1;
	[bflag:$0x2] =	sbarrier.arrive $0xFFFF  }
0x82: {  	[sflag:s0] =	ssyncadd.tile.s32 @!p0 $0x1;
	_ =	shalt  }
.Lfunc_end2:
_tile_overlayer_lowered:
.L_overlay_start_2:
0x83: {  	(tag) =	ssettag $0x2  }
0x84: {  	s0 =	rddreg [dreg:$0x0];
	s2 =	stileid.u32  }
0x85: {  	s1 =	rddreg [dreg:$0x1];
	p0 =	sne.s32 s2, $0x0  }
0x86: {  	s3 =	rddreg [dreg:$0x2];
	[bflag:$0x3] =	sbarrier.arrive $0xFFFF;
	s2 =	simm.s32 @!p0 $0x1C03  }
0x87: {  	[timem:s3], [sflag:s2] =	dma.local @!p0 [hbm:s0], s1  }
0x88: {  	s0 =	simm.s32 @!p0 $0x3  }
0x89: {  	_ =	swait.ge @!p0 [sflag:s0], s1  }
0x8a: {  	s1 =	ssub.s32 @!p0 $0x0, s1;
	[sflag:s0] =	ssyncset.done @!p0 $0x0  }
0x8b: {  	[sflag:s0] =	ssyncadd.s32 @!p0 s1  }
0x8c: {  	[bflag:$0x3] =	sbarrier.arrive $0xFFFF  }
0x8d: {  	_ =	shalt  }

// kernel: kernel.19.cloned.1.call-start
scs
__scs_entry_jumppad:
0x0: {  	(pc) =	sbr.rel $0x88, $3  }
0x1: {  	(tag) =	ssettag $0x0;
	lr =	simm.s32 $0x1  }
0x2: {  	[smem:$0x3F96] =	sst lr;
	_ =	strace $0xD0000000  }
0x3: {  	_ = 	snop  }
0x4: {  	_ = 	snop  }
0x5: {  	_ = 	snop  }
0x6: {  	_ = 	snop  }
0x7: {  	_ = 	snop  }
__scs_overlays_trampoline_lowered:
0x8: {  	[smem:$0x3FA5] =	sst s0  }
0x9: {  	[smem:$0x3FA6] =	sst s1  }
0xa: {  	[smem:$0x3FA7] =	sst s2  }
0xb: {  	[smem:$0x3FA8] =	sst s3  }
0xc: {  	[smem:$0x3FA9] =	sst s4  }
0xd: {  	[smem:$0x3FAA] =	sst s5  }
0xe: {  	[smem:$0x3FAB] =	sst s6  }
0xf: {  	[smem:$0x3FAC] =	sst s7  }
0x10: {  	[smem:$0x3FAD] =	sst s8  }
0x11: {  	[smem:$0x3FAE] =	sst s9;
	s0 =	simm.s32 @!p0 $0x0  }
0x12: {  	s1 =	sld [smem:$0x3F94];
	s0 =	simm.s32 @p0 $0x1  }
0x13: {  	[smem:$0x3FAF] =	sst s0;
	s0 =	simm.s32 @!p1 $0x0  }
0x14: {  	s2 =	sld [smem:$0x3F93];
	s0 =	simm.s32 @p1 $0x1  }
0x15: {  	[smem:$0x3FB0] =	sst s0;
	s0 =	simm.s32 @!p2 $0x0  }
0x16: {  	s3 =	sld [smem:$0x3FDB];
	s0 =	simm.s32 @p2 $0x1  }
0x17: {  	s4 =	simm.s32 $0x1BF5;
	[smem:$0x3FB2] =	sst s0  }
0x18: {  	s0 =	sld [smem:$0x3F95];
	_ =	swait.ge [sflag:s4], $0x0  }
0x19: {  	s7 =	sld [smem:$0x3F96]  }
0x1a: {  	s8 =	sadd.s32 $0xFFFFE003, lr  }
0x1b: {  	s9 =	sadd.s32 $0xFFFFFEF7, lr;
	s5 =	simm.s32 $0xFFFFFFFF;
	p2 =	slt.u32 s8, $0xFFFFF086  }
0x1c: {  	p1 =	slt.u32 s9, $0xF7A;
	s5 =	simm.s32 @!p2 $0x0  }
0x1d: {  	s5 =	simm.s32 @p1 $0x1;
	p0 =	seq.s32 s7, s2  }
0x1e: {  	s7 =	smul.u32 @!p0 $0xF7A, s2;
	p2 =	seq.s32 @!p0 s5, $0x0  }
0x1f: {  	s9 =	smul.u32 $0xF7A, s1;
	s8 =	simm.s32 @!p0 $0x1BF5;
	p2 =	por !p2, p0  }
0x20: {  	[sflag:s8] =	ssyncset.s32 @!p0 $0xFFFFF086;
	s6 =	sadd.s32 @!p0 s3, s7;
	s7 =	simm.s32 @!p0 $0x108  }
0x21: {  	s3 =	sadd.s32 s3, s9;
	s6 =	sadd.s32 @!p0 $0x88, s6;
	s7 =	simm.s32 @p2 $0x1082  }
0x22: {  	[simem:s7], [sflag:s8] =	dma.local @!p0 [hbm:s6], $0xF7A  }
0x23: {  	s9 =	sor.u32 $0xD0000000, s2;
	s6 =	simm.s32 $0x108;
	_ =	swait.ge @!p0 [sflag:s8], $0x0  }
0x24: {  	s3 =	sadd.s32 $0x88, s3;
	s6 =	simm.s32 @!p1 $0x1082;
	[sflag:s4] =	ssyncset.s32 $0xFFFFF086  }
0x25: {  	[simem:s6], [sflag:s4] =	dma.local [hbm:s3], $0xF7A  }
0x26: {  	[smem:$0x3F96] =	sst s1;
	(tag) =	ssettag s2;
	_ =	strace s9  }
0x27: {  	s1 =	sld [smem:$0x3FA6]  }
0x28: {  	s2 =	sld [smem:$0x3FA7]  }
0x29: {  	s4 =	sld [smem:$0x3FA9]  }
0x2a: {  	p0 =	seq.s32 s5, $0x0;
	s5 =	sld [smem:$0x3FAA]  }
0x2b: {  	s6 =	sld [smem:$0x3FAB]  }
0x2c: {  	s7 =	sld [smem:$0x3FAC]  }
0x2d: {  	s3 =	simm.s32 $0x108;
	s8 =	sld [smem:$0x3FAD]  }
0x2e: {  	s3 =	simm.s32 @!p0 $0x1082;
	s9 =	sld [smem:$0x3FAE]  }
0x2f: {  	lr =	sadd.s32 s0, s3;
	s0 =	sld [smem:$0x3FA5]  }
0x30: {  	s3 =	sld [smem:$0x3FA8]  }
0x31: {  	[smem:$0x3FB1] =	sst s10  }
0x32: {  	s10 =	sld [smem:$0x3FAF];
	_ =	sdelay $0x3  }
0x33: {  	p0 =	seq.s32 s10, $0x1;
	s10 =	sld [smem:$0x3FB1];
	_ =	sdelay $0x3  }
0x34: {  	[smem:$0x3FB1] =	sst s10  }
0x35: {  	s10 =	sld [smem:$0x3FB0];
	_ =	sdelay $0x3  }
0x36: {  	p1 =	seq.s32 s10, $0x1;
	s10 =	sld [smem:$0x3FB1];
	_ =	sdelay $0x3  }
0x37: {  	[smem:$0x3FB1] =	sst s10  }
0x38: {  	s10 =	sld [smem:$0x3FB2]  }
0x39: {  	_ = 	snop;
	(pc) =	sbr.ind lr, $3  }
0x3a: {  	_ = 	snop  }
0x3b: {  	_ = 	snop  }
0x3c: {  	p2 =	seq.s32 s10, $0x1;
	s10 =	sld [smem:$0x3FB1]  }
0x3d: {  	_ =	shalt  }
0x3e: {  	_ =	shalt  }
0x3f: {  	_ =	shalt  }
0x40: {  	_ =	shalt  }
0x41: {  	_ =	shalt  }
0x42: {  	_ =	shalt  }
0x43: {  	_ =	shalt  }
0x44: {  	_ =	shalt  }
0x45: {  	_ =	shalt  }
0x46: {  	_ =	shalt  }
0x47: {  	_ =	shalt  }
0x48: {  	_ =	shalt  }
0x49: {  	_ =	shalt  }
0x4a: {  	_ =	shalt  }
0x4b: {  	_ =	shalt  }
0x4c: {  	_ =	shalt  }
0x4d: {  	_ =	shalt  }
0x4e: {  	_ =	shalt  }
0x4f: {  	_ =	shalt  }
0x50: {  	_ =	shalt  }
0x51: {  	_ =	shalt  }
0x52: {  	_ =	shalt  }
0x53: {  	_ =	shalt  }
0x54: {  	_ =	shalt  }
0x55: {  	_ =	shalt  }
0x56: {  	_ =	shalt  }
0x57: {  	_ =	shalt  }
0x58: {  	_ =	shalt  }
0x59: {  	_ =	shalt  }
0x5a: {  	_ =	shalt  }
0x5b: {  	_ =	shalt  }
0x5c: {  	_ =	shalt  }
0x5d: {  	_ =	shalt  }
0x5e: {  	_ =	shalt  }
0x5f: {  	_ =	shalt  }
0x60: {  	_ =	shalt  }
0x61: {  	_ =	shalt  }
0x62: {  	_ =	shalt  }
0x63: {  	_ =	shalt  }
0x64: {  	_ =	shalt  }
0x65: {  	_ =	shalt  }
0x66: {  	_ =	shalt  }
0x67: {  	_ =	shalt  }
0x68: {  	_ =	shalt  }
0x69: {  	_ =	shalt  }
0x6a: {  	_ =	shalt  }
0x6b: {  	_ =	shalt  }
0x6c: {  	_ =	shalt  }
0x6d: {  	_ =	shalt  }
0x6e: {  	_ =	shalt  }
0x6f: {  	_ =	shalt  }
0x70: {  	_ =	shalt  }
0x71: {  	_ =	shalt  }
0x72: {  	_ =	shalt  }
0x73: {  	_ =	shalt  }
0x74: {  	_ =	shalt  }
0x75: {  	_ =	shalt  }
0x76: {  	_ =	shalt  }
0x77: {  	_ =	shalt  }
0x78: {  	_ =	shalt  }
0x79: {  	_ =	shalt  }
0x7a: {  	_ =	shalt  }
0x7b: {  	_ =	shalt  }
0x7c: {  	_ =	shalt  }
0x7d: {  	_ =	shalt  }
0x7e: {  	_ =	shalt  }
0x7f: {  	_ =	shalt  }
0x80: {  	_ =	shalt  }
0x81: {  	_ =	shalt  }
0x82: {  	_ =	shalt  }
0x83: {  	_ =	shalt  }
0x84: {  	_ =	shalt  }
0x85: {  	_ =	shalt  }
0x86: {  	_ =	shalt  }
0x87: {  	_ =	shalt  }
.Lfunc_end0:
.L_simem_size_0:
called_computation.2_lowered:
.L_overlay_start_0:
0x88: {  	s0 =	sld [smem:$0x3FD9]  }
0x89: {  	s1 =	sld [smem:$0x3FFE];
	_ =	sdelay $0x3  }
0x8a: {  	s0 =	sadd.s32 s1, s0  }
0x8b: {  	[smem:$0x3FBD] =	sst s0  }
0x8c: {  	_ = 	snop  }
0x8d: {  	(tm) =	ssettm $0x1  }
0x8e: {  	s15 =	sld [smem:$0x3FFB];
	_ =	sdelay $0x3  }
0x8f: {  	_ =	strace s15  }
0x90: {  	s0 =	sld [smem:$0x3FFC];
	_ =	sdelay $0x3  }
0x91: {  	_ =	strace s0  }
0x92: {  	s0 =	sld [smem:$0x3FFD];
	_ =	sdelay $0x3  }
0x93: {  	_ =	strace s0  }
0x94: {  	_ =	strace $0x8FFFFFFF  }
0x95: {  	s16 =	sld [smem:$0x3FDB];
	_ =	sdelay $0x1  }
0x96: {  	s17 =	simm.s32 $_scs_section_size  }
0x97: {  	s2 =	simm.s32 $_size__tile_overlayer_lowered;
	s3 =	simm.s32 $_tile_overlayer_lowered  }
0x98: {  	s20 =	simm.s32 $0x1BFF;
	s19 =	sshll.u32 s3, $0x1;
	s0 =	sadd.s32 s17, s16  }
0x99: {  	s4 =	simm.s32 $0x0;
	s18 =	sshll.u32 s2, $0x1;
	s2 =	sadd.s32 s19, s0  }
0x9a: {  	[timem:s4], [sflag:s20] =	dma.local [hbm:s2], s18  }
0x9b: {  	_ =	swait.ge [sflag:s20], s18  }
0x9c: {  	s1 =	ssub.s32 $0x0, s18;
	[sflag:s20] =	ssyncset.done $0x0  }
0x9d: {  	[sflag:s20] =	ssyncadd.s32 s1;
	_ =	sdelay $0x1  }
0x9e: {  	s21 =	simm.s32 $0x1B8B  }
0x9f: {  	_ =	swait.ge [sflag:s21], $0x1  }
0xa0: {  	[sflag:s21] =	ssyncset.done $0x0  }
0xa1: {  	s23 =	simm.s32 $0x1B8E;
	s22 =	sld [smem:$0x3FFE];
	[sflag:s21] =	ssyncadd.s32 $0xFFFFFFFF  }
0xa2: {  	s24 =	simm.s32 $execute0_lowered;
	[smem:$0x3FD2] =	sst s23  }
0xa3: {  	s2 =	sshll.u32 s24, $0x1;
	_ =	strace $0x80000049;
	[dreg:$0x1] =	wrdreg $0xFFFFFFFF  }
0xa4: {  	s25 =	simm.s32 $_size_execute0_lowered;
	s0 =	sadd.s32 s0, s2;
	[dreg:$0x0] =	wrdreg $0x0  }
0xa5: {  	s2 =	sshll.u32 s25, $0x1;
	[dreg:$0x2] =	wrdreg s0  }
0xa6: {  	[dreg:$0x3] =	wrdreg s2  }
0xa7: {  	[dreg:$0x4] =	wrdreg $0xC0  }
0xa8: {  	_ =	task [dreg:s4], $0x5FFFF  }
0xa9: {  	[dreg:$0x1] =	wrdreg $0xFFFFFFFF  }
0xaa: {  	[dreg:$0x0] =	wrdreg $0x60  }
0xab: {  	[dreg:$0x2] =	wrdreg s22  }
0xac: {  	[dreg:$0x3] =	wrdreg $0xB  }
0xad: {  	_ =	task.clear_ibuf [dreg:s4], $0x4FFFF;
	_ =	strace $0x90000049  }
0xae: {  	s26 =	simm.s32 $0xB;
	_ =	strace $0x8000004B  }
0xaf: {  	_ =	swait.ge [sflag:s26], $0x1  }
0xb0: {  	[sflag:s26] =	ssyncadd.s32 $0xFFFFFFFF  }
0xb1: {  	_ =	strace $0x9000004B  }
0xb2: {  	_ =	sfence  }
0xb3: {  	s28 =	sld [smem:$0x0];
	_ =	sdelay $0x1  }
0xb4: {  	s29 =	srdreg.scid  }
0xb5: {  	s30 =	sshll.u32 s29, $0xD;
	s31 =	sshrl.u32 s29, $0x2  }
0xb6: {  	s1 =	sand.u32 $0x1, s29;
	s2 =	sand.u32 $0x4000, s30;
	s0 =	sadd.s32 s31, s28  }
0xb7: {  	s1 =	sor.u32 s2, s1;
	s0 =	sshll.u32 s0, $0x11  }
0xb8: {  	s0 =	sor.u32 s0, s1  }
0xb9: {  	s0 =	sadd.s32 $0x8F2B, s0  }
0xba: {  	[sflag:s0] =	ssyncadd.remote.s32 $0x1  }
0xbb: {  	_ =	sfence.sel $0xFFFF  }
0xbc: {  	[dreg:$0x0] =	wrdreg $0xFFFFFFFF;
	(pc) =	sbr.abs _section_cstart, $3  }
0xbd: {  	[dreg:$0x1] =	wrdreg $0xFFFFFFFF  }
0xbe: {  	_ =	task.clear_ibuf [dreg:s4], $0x2FFFF;
	_ =	strace $0x9FFFFFFF  }
0xbf: {  	(tm) =	ssettm $0x7FFFFFFF  }
tec
execute0_lowered:
.L_overlay_start_1:
0x0: {  	(tag) =	ssettag $0x1  }
0x1: {  	s0 =	stileid.u32  }
0x2: {  	s6 =	rddreg [dreg:$0x0];
	s3 =	smul.u32 $0x1F4, s0  }
0x3: {  	s1 =	rddreg [dreg:$0x1];
	s2 =	simm.s32 $0x0  }
0x4: {  	[smem:$0x7FF] =	sst s2;
	s3 =	sadd.s32 s3, s6  }
0x5: {  	s14 =	simm.s32 $0x3;
	_ =	strace $0x8000004A;
	s3 =	sadd.s32 $0x4200, s3  }
0x6: {  	[tilespmem:s2], [sflag:$0x3] =	stream.linear.gather [hbm4b:s3+s2], $0xFA0, $0x38;
	[tilespmem:$0x1A000] =	vst v63  }
0x7: {  	_ =	swait.ge [sflag:s14], $0xFA0  }
0x8: {  	s5 =	simm.s32 $0x50;
	[sflag:s14] =	ssyncset.done $0x0  }
0x9: {  	s7 =	simm.s32 $0x1000;
	s4 =	sadd.s32 $0xA200, s6;
	[sflag:s14] =	ssyncadd.s32 $0xFFFFF060  }
0xa: {  	[tilespmem:s7], [sflag:$0x1] =	stream.indirect.gather [hbm4b:s4+s5], $0x80, s2, s5, $0xb8;
	[tilespmem:$0x1A000] =	vst v63  }
0xb: {  	s15 =	simm.s32 $0x3800  }
0xc: {  	[tilespmem:s15], [sflag:$0x1] =	stream.indirect.gather [hbm4b:s4+s5], $0x80, s5, s5, $0xb8;
	[tilespmem:$0x1A000] =	vst v63  }
0xd: {  	s16 =	simm.s32 $0xA0;
	s8 =	simm.s32 $0x6000  }
0xe: {  	[tilespmem:s8], [sflag:$0x1] =	stream.indirect.gather [hbm4b:s4+s5], $0x80, s16, s5, $0xb8;
	[tilespmem:$0x1A000] =	vst v63  }
0xf: {  	s17 =	simm.s32 $0xF0;
	s18 =	simm.s32 $0x8800  }
0x10: {  	[tilespmem:s18], [sflag:$0x1] =	stream.indirect.gather [hbm4b:s4+s5], $0x80, s17, s5, $0xb8;
	[tilespmem:$0x1A000] =	vst v63  }
0x11: {  	s19 =	simm.s32 $0x140;
	s20 =	simm.s32 $0xB000;
	s3 =	simm.s32 $0x1  }
0x12: {  	[tilespmem:s20], [sflag:$0x1] =	stream.indirect.gather [hbm4b:s4+s5], $0x80, s19, s5, $0xb8;
	[tilespmem:$0x1A000] =	vst v63  }
0x13: {  	_ =	swait.ge [sflag:s3], $0x2800  }
0x14: {  	[sflag:s3] =	ssyncset.done $0x0  }
0x15: {  	[sflag:s3] =	ssyncadd.s32 $0xFFFFD800  }
0x16: {  	_ =	swait.ge [sflag:s3], $0x2800  }
0x17: {  	[sflag:s3] =	ssyncset.done $0x0  }
0x18: {  	[sflag:s3] =	ssyncadd.s32 $0xFFFFD800  }
0x19: {  	_ =	swait.ge [sflag:s3], $0x2800  }
0x1a: {  	[sflag:s3] =	ssyncset.done $0x0  }
0x1b: {  	[sflag:s3] =	ssyncadd.s32 $0xFFFFD800  }
0x1c: {  	_ =	swait.ge [sflag:s3], $0x2800  }
0x1d: {  	[sflag:s3] =	ssyncset.done $0x0  }
0x1e: {  	s21 =	smul.u32 $0xFA00, s0;
	[sflag:s3] =	ssyncadd.s32 $0xFFFFD800  }
0x1f: {  	s9 =	simm.s32 $0xC800;
	s22 =	sand.u32 $0x1, s3;
	_ =	swait.ge [sflag:s3], $0x2800  }
0x20: {  	p0 =	seq.s32 s22, $0x1;
	s8 =	sadd.s32 s21, s6;
	[sflag:s3] =	ssyncset.done $0x0  }
0x21: {  	s9 =	simm.s32 @!p0 $0x0;
	s6 =	sadd.s32 $0x12B400, s8;
	[sflag:s3] =	ssyncadd.s32 $0xFFFFD800  }
0x22: {  	[hbm4b:s6+s2] =	stream.linear.scatter [tilespmem:s7], [sflag:$0x2], $0xC800, $0x38;
	[tilespmem:$0x1A000] =	vst v63  }
0x23: {  	s23 =	simm.s32 $0x190;
	s7 =	sor.u32 $0x1000, s9  }
0x24: {  	[tilespmem:s7], [sflag:$0x1] =	stream.indirect.gather [hbm4b:s4+s5], $0x80, s23, s5, $0xb8;
	[tilespmem:$0x1A000] =	vst v63  }
0x25: {  	s10 =	simm.s32 $0x1E0;
	s24 =	sadd.s32 $0x3800, s9  }
0x26: {  	[tilespmem:s24], [sflag:$0x1] =	stream.indirect.gather [hbm4b:s4+s5], $0x80, s10, s5, $0xb8;
	[tilespmem:$0x1A000] =	vst v63  }
0x27: {  	s26 =	simm.s32 $0x230;
	s25 =	sadd.s32 $0x6000, s9  }
0x28: {  	[tilespmem:s25], [sflag:$0x1] =	stream.indirect.gather [hbm4b:s4+s5], $0x80, s26, s5, $0xb8;
	[tilespmem:$0x1A000] =	vst v63  }
0x29: {  	s29 =	simm.s32 $0x280;
	s28 =	sadd.s32 $0x8800, s9  }
0x2a: {  	[tilespmem:s28], [sflag:$0x1] =	stream.indirect.gather [hbm4b:s4+s5], $0x80, s29, s5, $0xb8;
	[tilespmem:$0x1A000] =	vst v63  }
0x2b: {  	s30 =	simm.s32 $0x2D0;
	s6 =	simm.s32 $0x2;
	s9 =	sadd.s32 $0xB000, s9  }
0x2c: {  	[tilespmem:s9], [sflag:$0x1] =	stream.indirect.gather [hbm4b:s4+s5], $0x80, s30, s5, $0xb8;
	[tilespmem:$0x1A000] =	vst v63  }
0x2d: {  	_ =	swait.ge [sflag:s6], $0xC800  }
0x2e: {  	[sflag:s6] =	ssyncset.done $0x0  }
0x2f: {  	[sflag:s6] =	ssyncadd.s32 $0xFFFF3800  }
0x30: {  	_ =	swait.ge [sflag:s3], $0x2800  }
0x31: {  	[sflag:s3] =	ssyncset.done $0x0  }
0x32: {  	[sflag:s3] =	ssyncadd.s32 $0xFFFFD800  }
0x33: {  	_ =	swait.ge [sflag:s3], $0x2800  }
0x34: {  	[sflag:s3] =	ssyncset.done $0x0  }
0x35: {  	[sflag:s3] =	ssyncadd.s32 $0xFFFFD800  }
0x36: {  	_ =	swait.ge [sflag:s3], $0x2800  }
0x37: {  	[sflag:s3] =	ssyncset.done $0x0  }
0x38: {  	[sflag:s3] =	ssyncadd.s32 $0xFFFFD800  }
0x39: {  	s11 =	simm.s32 $0x2;
	_ =	swait.ge [sflag:s3], $0x2800  }
0x3a: {  	s31 =	sand.u32 $0x1, s11;
	[sflag:s3] =	ssyncset.done $0x0  }
0x3b: {  	p1 =	seq.s32 s31, $0x1;
	s12 =	sadd.s32 $0x12CD00, s8;
	[sflag:s3] =	ssyncadd.s32 $0xFFFFD800  }
0x3c: {  	s14 =	simm.s32 $0xC80;
	s8 =	sadd.s32 $0x1900, s12;
	_ =	swait.ge [sflag:s3], $0x2800  }
0x3d: {  	s10 =	simm.s32 $0x640;
	s9 =	simm.s32 $0xC800;
	[sflag:s3] =	ssyncset.done $0x0  }
.LBB2_1:
0x3e: {  	s15 =	simm.s32 $0xC800;
	s16 =	sshra.s32 s10, $0x2  }
0x3f: {  	[sflag:s3] =	ssyncadd.s32 $0xFFFFD800;
	s10 =	smov.u32 s14;
	s15 =	simm.s32 @!p1 $0x0  }
0x40: {  	[hbm4b:s12+s2] =	stream.linear.scatter [tilespmem:s7], [sflag:$0x2], $0xC800, $0x38;
	[tilespmem:$0x1A000] =	vst v63  }
0x41: {  	s13 =	sadd.s32 $0x640, s14;
	s7 =	sor.u32 $0x1000, s15;
	s12 =	sadd.s32 $0x190, s16  }
0x42: {  	[tilespmem:s7], [sflag:$0x1] =	stream.indirect.gather [hbm4b:s4+s5], $0x80, s12, s5, $0xb8;
	[tilespmem:$0x1A000] =	vst v63  }
0x43: {  	p0 =	sne.s32 s14, $0x3200;
	s14 =	sadd.s32 $0x1E0, s16;
	s12 =	sadd.s32 $0x3800, s15  }
0x44: {  	[tilespmem:s12], [sflag:$0x1] =	stream.indirect.gather [hbm4b:s4+s5], $0x80, s14, s5, $0xb8;
	[tilespmem:$0x1A000] =	vst v63  }
0x45: {  	s17 =	sadd.s32 $0x230, s16;
	s14 =	sadd.s32 $0x6000, s15;
	s12 =	smov.u32 s8  }
0x46: {  	[tilespmem:s14], [sflag:$0x1] =	stream.indirect.gather [hbm4b:s4+s5], $0x80, s17, s5, $0xb8;
	[tilespmem:$0x1A000] =	vst v63  }
0x47: {  	s14 =	sadd.s32 $0x8800, s15;
	s17 =	sadd.s32 $0x280, s16  }
0x48: {  	[tilespmem:s14], [sflag:$0x1] =	stream.indirect.gather [hbm4b:s4+s5], $0x80, s17, s5, $0xb8;
	[tilespmem:$0x1A000] =	vst v63  }
0x49: {  	s14 =	sadd.s32 $0xB000, s15;
	s15 =	sadd.s32 $0x2D0, s16  }
0x4a: {  	[tilespmem:s14], [sflag:$0x1] =	stream.indirect.gather [hbm4b:s4+s5], $0x80, s15, s5, $0xb8;
	[tilespmem:$0x1A000] =	vst v63  }
0x4b: {  	_ =	swait.ge [sflag:s6], $0xC800  }
0x4c: {  	[sflag:s6] =	ssyncset.done $0x0  }
0x4d: {  	[sflag:s6] =	ssyncadd.s32 $0xFFFF3800  }
0x4e: {  	_ =	swait.ge [sflag:s3], $0x2800  }
0x4f: {  	[sflag:s3] =	ssyncset.done $0x0  }
0x50: {  	[sflag:s3] =	ssyncadd.s32 $0xFFFFD800  }
0x51: {  	_ =	swait.ge [sflag:s3], $0x2800  }
0x52: {  	[sflag:s3] =	ssyncset.done $0x0  }
0x53: {  	[sflag:s3] =	ssyncadd.s32 $0xFFFFD800  }
0x54: {  	_ =	swait.ge [sflag:s3], $0x2800  }
0x55: {  	[sflag:s3] =	ssyncset.done $0x0  }
0x56: {  	[sflag:s3] =	ssyncadd.s32 $0xFFFFD800  }
.Ltmp0:
0x57: {  	_ =	swait.ge [sflag:s3], $0x2800;
	(pc) =	sbr.rel @p0 .LBB2_1-.Ltmp0, $4  }
0x58: {  	[sflag:s3] =	ssyncset.done $0x0  }
0x59: {  	s11 =	sadd.s32 $0x1, s11;
	[sflag:s3] =	ssyncadd.s32 $0xFFFFD800  }
0x5a: {  	s8 =	sadd.s32 $0x1900, s8;
	s14 =	sand.u32 $0x1, s11;
	_ =	swait.ge [sflag:s3], $0x2800  }
0x5b: {  	p1 =	seq.s32 s14, $0x1;
	s14 =	smov.u32 s13;
	[sflag:s3] =	ssyncset.done $0x0  }
0x5c: {  	s9 =	simm.s32 @!p1 $0x0;
	s10 =	sshra.s32 s10, $0x2;
	[sflag:s3] =	ssyncadd.s32 $0xFFFFD800  }
0x5d: {  	[hbm4b:s12+s2] =	stream.linear.scatter [tilespmem:s7], [sflag:$0x2], $0xC800, $0x38;
	[tilespmem:$0x1A000] =	vst v63  }
0x5e: {  	s23 =	sor.u32 $0x1000, s9;
	s11 =	sadd.s32 $0x190, s10  }
0x5f: {  	[tilespmem:s23], [sflag:$0x1] =	stream.indirect.gather [hbm4b:s4+s5], $0x80, s11, s5, $0xb8;
	[tilespmem:$0x1A000] =	vst v63  }
0x60: {  	s24 =	sadd.s32 $0x3800, s9;
	s25 =	sadd.s32 $0x1E0, s10  }
0x61: {  	[tilespmem:s24], [sflag:$0x1] =	stream.indirect.gather [hbm4b:s4+s5], $0x80, s25, s5, $0xb8;
	[tilespmem:$0x1A000] =	vst v63  }
0x62: {  	s26 =	sadd.s32 $0x6000, s9;
	s28 =	sadd.s32 $0x230, s10  }
0x63: {  	[tilespmem:s26], [sflag:$0x1] =	stream.indirect.gather [hbm4b:s4+s5], $0x80, s28, s5, $0xb8;
	[tilespmem:$0x1A000] =	vst v63  }
0x64: {  	s29 =	sadd.s32 $0x8800, s9;
	s30 =	sadd.s32 $0x280, s10  }
0x65: {  	[tilespmem:s29], [sflag:$0x1] =	stream.indirect.gather [hbm4b:s4+s5], $0x80, s30, s5, $0xb8;
	[tilespmem:$0x1A000] =	vst v63  }
0x66: {  	s9 =	sadd.s32 $0xB000, s9;
	s10 =	sadd.s32 $0x2D0, s10  }
0x67: {  	[tilespmem:s9], [sflag:$0x1] =	stream.indirect.gather [hbm4b:s4+s5], $0x80, s10, s5, $0xb8;
	[tilespmem:$0x1A000] =	vst v63  }
0x68: {  	_ =	swait.ge [sflag:s6], $0xC800  }
0x69: {  	[sflag:s6] =	ssyncset.done $0x0  }
0x6a: {  	[sflag:s6] =	ssyncadd.s32 $0xFFFF3800  }
0x6b: {  	_ =	swait.ge [sflag:s3], $0x2800  }
0x6c: {  	[sflag:s3] =	ssyncset.done $0x0  }
0x6d: {  	[sflag:s3] =	ssyncadd.s32 $0xFFFFD800  }
0x6e: {  	_ =	swait.ge [sflag:s3], $0x2800  }
0x6f: {  	[sflag:s3] =	ssyncset.done $0x0  }
0x70: {  	[sflag:s3] =	ssyncadd.s32 $0xFFFFD800  }
0x71: {  	_ =	swait.ge [sflag:s3], $0x2800  }
0x72: {  	[sflag:s3] =	ssyncset.done $0x0  }
0x73: {  	[sflag:s3] =	ssyncadd.s32 $0xFFFFD800  }
0x74: {  	_ =	swait.ge [sflag:s3], $0x2800  }
0x75: {  	[sflag:s3] =	ssyncset.done $0x0  }
0x76: {  	[sflag:s3] =	ssyncadd.s32 $0xFFFFD800  }
0x77: {  	_ =	swait.ge [sflag:s3], $0x2800  }
0x78: {  	[sflag:s3] =	ssyncset.done $0x0  }
0x79: {  	s31 =	simm.s32 $0x2;
	[sflag:s3] =	ssyncadd.s32 $0xFFFFD800  }
0x7a: {  	[hbm4b:s8+s2] =	stream.linear.scatter [tilespmem:s23], [sflag:$0x2], $0xC800, $0x38;
	[tilespmem:$0x1A000] =	vst v63  }
0x7b: {  	_ =	swait.ge [sflag:s31], $0xC800  }
0x7c: {  	[sflag:s31] =	ssyncset.done $0x0  }
0x7d: {  	[sflag:s31] =	ssyncadd.s32 $0xFFFF3800  }
0x7e: {  	_ =	sfence.sel $0x180000  }
0x7f: {  	[bflag:$0x0] =	sbarrier.arrive $0xFFFF  }
0x80: {  	p0 =	sne.s32 s0, $0x0;
	_ =	strace $0x9000004A  }
0x81: {  	s0 =	sadd.s32 @!p0 $0x100000, s1;
	[bflag:$0x2] =	sbarrier.arrive $0xFFFF  }
0x82: {  	[sflag:s0] =	ssyncadd.tile.s32 @!p0 $0x1;
	_ =	shalt  }
.Lfunc_end2:
_tile_overlayer_lowered:
.L_overlay_start_2:
0x83: {  	(tag) =	ssettag $0x2  }
0x84: {  	s0 =	rddreg [dreg:$0x0];
	s2 =	stileid.u32  }
0x85: {  	s1 =	rddreg [dreg:$0x1];
	p0 =	sne.s32 s2, $0x0  }
0x86: {  	s3 =	rddreg [dreg:$0x2];
	[bflag:$0x3] =	sbarrier.arrive $0xFFFF;
	s2 =	simm.s32 @!p0 $0x1C03  }
0x87: {  	[timem:s3], [sflag:s2] =	dma.local @!p0 [hbm:s0], s1  }
0x88: {  	s0 =	simm.s32 @!p0 $0x3  }
0x89: {  	_ =	swait.ge @!p0 [sflag:s0], s1  }
0x8a: {  	s1 =	ssub.s32 @!p0 $0x0, s1;
	[sflag:s0] =	ssyncset.done @!p0 $0x0  }
0x8b: {  	[sflag:s0] =	ssyncadd.s32 @!p0 s1  }
0x8c: {  	[bflag:$0x3] =	sbarrier.arrive $0xFFFF  }
0x8d: {  	_ =	shalt  }

// kernel: kernel.22.cloned.1.call-start
scs
__scs_entry_jumppad:
0x0: {  	(pc) =	sbr.rel $0x88, $3  }
0x1: {  	(tag) =	ssettag $0x0;
	lr =	simm.s32 $0x1  }
0x2: {  	[smem:$0x3F96] =	sst lr;
	_ =	strace $0xD0000000  }
0x3: {  	_ = 	snop  }
0x4: {  	_ = 	snop  }
0x5: {  	_ = 	snop  }
0x6: {  	_ = 	snop  }
0x7: {  	_ = 	snop  }
__scs_overlays_trampoline_lowered:
0x8: {  	[smem:$0x3FA5] =	sst s0  }
0x9: {  	[smem:$0x3FA6] =	sst s1  }
0xa: {  	[smem:$0x3FA7] =	sst s2  }
0xb: {  	[smem:$0x3FA8] =	sst s3  }
0xc: {  	[smem:$0x3FA9] =	sst s4  }
0xd: {  	[smem:$0x3FAA] =	sst s5  }
0xe: {  	[smem:$0x3FAB] =	sst s6  }
0xf: {  	[smem:$0x3FAC] =	sst s7  }
0x10: {  	[smem:$0x3FAD] =	sst s8  }
0x11: {  	[smem:$0x3FAE] =	sst s9;
	s0 =	simm.s32 @!p0 $0x0  }
0x12: {  	s1 =	sld [smem:$0x3F94];
	s0 =	simm.s32 @p0 $0x1  }
0x13: {  	[smem:$0x3FAF] =	sst s0;
	s0 =	simm.s32 @!p1 $0x0  }
0x14: {  	s2 =	sld [smem:$0x3F93];
	s0 =	simm.s32 @p1 $0x1  }
0x15: {  	[smem:$0x3FB0] =	sst s0;
	s0 =	simm.s32 @!p2 $0x0  }
0x16: {  	s3 =	sld [smem:$0x3FDB];
	s0 =	simm.s32 @p2 $0x1  }
0x17: {  	s4 =	simm.s32 $0x1BF5;
	[smem:$0x3FB2] =	sst s0  }
0x18: {  	s0 =	sld [smem:$0x3F95];
	_ =	swait.ge [sflag:s4], $0x0  }
0x19: {  	s7 =	sld [smem:$0x3F96]  }
0x1a: {  	s8 =	sadd.s32 $0xFFFFE003, lr  }
0x1b: {  	s9 =	sadd.s32 $0xFFFFFEF7, lr;
	s5 =	simm.s32 $0xFFFFFFFF;
	p2 =	slt.u32 s8, $0xFFFFF086  }
0x1c: {  	p1 =	slt.u32 s9, $0xF7A;
	s5 =	simm.s32 @!p2 $0x0  }
0x1d: {  	s5 =	simm.s32 @p1 $0x1;
	p0 =	seq.s32 s7, s2  }
0x1e: {  	s7 =	smul.u32 @!p0 $0xF7A, s2;
	p2 =	seq.s32 @!p0 s5, $0x0  }
0x1f: {  	s9 =	smul.u32 $0xF7A, s1;
	s8 =	simm.s32 @!p0 $0x1BF5;
	p2 =	por !p2, p0  }
0x20: {  	[sflag:s8] =	ssyncset.s32 @!p0 $0xFFFFF086;
	s6 =	sadd.s32 @!p0 s3, s7;
	s7 =	simm.s32 @!p0 $0x108  }
0x21: {  	s3 =	sadd.s32 s3, s9;
	s6 =	sadd.s32 @!p0 $0x88, s6;
	s7 =	simm.s32 @p2 $0x1082  }
0x22: {  	[simem:s7], [sflag:s8] =	dma.local @!p0 [hbm:s6], $0xF7A  }
0x23: {  	s9 =	sor.u32 $0xD0000000, s2;
	s6 =	simm.s32 $0x108;
	_ =	swait.ge @!p0 [sflag:s8], $0x0  }
0x24: {  	s3 =	sadd.s32 $0x88, s3;
	s6 =	simm.s32 @!p1 $0x1082;
	[sflag:s4] =	ssyncset.s32 $0xFFFFF086  }
0x25: {  	[simem:s6], [sflag:s4] =	dma.local [hbm:s3], $0xF7A  }
0x26: {  	[smem:$0x3F96] =	sst s1;
	(tag) =	ssettag s2;
	_ =	strace s9  }
0x27: {  	s1 =	sld [smem:$0x3FA6]  }
0x28: {  	s2 =	sld [smem:$0x3FA7]  }
0x29: {  	s4 =	sld [smem:$0x3FA9]  }
0x2a: {  	p0 =	seq.s32 s5, $0x0;
	s5 =	sld [smem:$0x3FAA]  }
0x2b: {  	s6 =	sld [smem:$0x3FAB]  }
0x2c: {  	s7 =	sld [smem:$0x3FAC]  }
0x2d: {  	s3 =	simm.s32 $0x108;
	s8 =	sld [smem:$0x3FAD]  }
0x2e: {  	s3 =	simm.s32 @!p0 $0x1082;
	s9 =	sld [smem:$0x3FAE]  }
0x2f: {  	lr =	sadd.s32 s0, s3;
	s0 =	sld [smem:$0x3FA5]  }
0x30: {  	s3 =	sld [smem:$0x3FA8]  }
0x31: {  	[smem:$0x3FB1] =	sst s10  }
0x32: {  	s10 =	sld [smem:$0x3FAF];
	_ =	sdelay $0x3  }
0x33: {  	p0 =	seq.s32 s10, $0x1;
	s10 =	sld [smem:$0x3FB1];
	_ =	sdelay $0x3  }
0x34: {  	[smem:$0x3FB1] =	sst s10  }
0x35: {  	s10 =	sld [smem:$0x3FB0];
	_ =	sdelay $0x3  }
0x36: {  	p1 =	seq.s32 s10, $0x1;
	s10 =	sld [smem:$0x3FB1];
	_ =	sdelay $0x3  }
0x37: {  	[smem:$0x3FB1] =	sst s10  }
0x38: {  	s10 =	sld [smem:$0x3FB2]  }
0x39: {  	_ = 	snop;
	(pc) =	sbr.ind lr, $3  }
0x3a: {  	_ = 	snop  }
0x3b: {  	_ = 	snop  }
0x3c: {  	p2 =	seq.s32 s10, $0x1;
	s10 =	sld [smem:$0x3FB1]  }
0x3d: {  	_ =	shalt  }
0x3e: {  	_ =	shalt  }
0x3f: {  	_ =	shalt  }
0x40: {  	_ =	shalt  }
0x41: {  	_ =	shalt  }
0x42: {  	_ =	shalt  }
0x43: {  	_ =	shalt  }
0x44: {  	_ =	shalt  }
0x45: {  	_ =	shalt  }
0x46: {  	_ =	shalt  }
0x47: {  	_ =	shalt  }
0x48: {  	_ =	shalt  }
0x49: {  	_ =	shalt  }
0x4a: {  	_ =	shalt  }
0x4b: {  	_ =	shalt  }
0x4c: {  	_ =	shalt  }
0x4d: {  	_ =	shalt  }
0x4e: {  	_ =	shalt  }
0x4f: {  	_ =	shalt  }
0x50: {  	_ =	shalt  }
0x51: {  	_ =	shalt  }
0x52: {  	_ =	shalt  }
0x53: {  	_ =	shalt  }
0x54: {  	_ =	shalt  }
0x55: {  	_ =	shalt  }
0x56: {  	_ =	shalt  }
0x57: {  	_ =	shalt  }
0x58: {  	_ =	shalt  }
0x59: {  	_ =	shalt  }
0x5a: {  	_ =	shalt  }
0x5b: {  	_ =	shalt  }
0x5c: {  	_ =	shalt  }
0x5d: {  	_ =	shalt  }
0x5e: {  	_ =	shalt  }
0x5f: {  	_ =	shalt  }
0x60: {  	_ =	shalt  }
0x61: {  	_ =	shalt  }
0x62: {  	_ =	shalt  }
0x63: {  	_ =	shalt  }
0x64: {  	_ =	shalt  }
0x65: {  	_ =	shalt  }
0x66: {  	_ =	shalt  }
0x67: {  	_ =	shalt  }
0x68: {  	_ =	shalt  }
0x69: {  	_ =	shalt  }
0x6a: {  	_ =	shalt  }
0x6b: {  	_ =	shalt  }
0x6c: {  	_ =	shalt  }
0x6d: {  	_ =	shalt  }
0x6e: {  	_ =	shalt  }
0x6f: {  	_ =	shalt  }
0x70: {  	_ =	shalt  }
0x71: {  	_ =	shalt  }
0x72: {  	_ =	shalt  }
0x73: {  	_ =	shalt  }
0x74: {  	_ =	shalt  }
0x75: {  	_ =	shalt  }
0x76: {  	_ =	shalt  }
0x77: {  	_ =	shalt  }
0x78: {  	_ =	shalt  }
0x79: {  	_ =	shalt  }
0x7a: {  	_ =	shalt  }
0x7b: {  	_ =	shalt  }
0x7c: {  	_ =	shalt  }
0x7d: {  	_ =	shalt  }
0x7e: {  	_ =	shalt  }
0x7f: {  	_ =	shalt  }
0x80: {  	_ =	shalt  }
0x81: {  	_ =	shalt  }
0x82: {  	_ =	shalt  }
0x83: {  	_ =	shalt  }
0x84: {  	_ =	shalt  }
0x85: {  	_ =	shalt  }
0x86: {  	_ =	shalt  }
0x87: {  	_ =	shalt  }
.Lfunc_end0:
.L_simem_size_0:
called_computation.3_lowered:
.L_overlay_start_0:
0x88: {  	s0 =	sld [smem:$0x3FD9]  }
0x89: {  	s1 =	sld [smem:$0x3FFE];
	_ =	sdelay $0x3  }
0x8a: {  	s0 =	sadd.s32 s1, s0  }
0x8b: {  	[smem:$0x3FBD] =	sst s0  }
0x8c: {  	_ = 	snop  }
0x8d: {  	s0 =	sld [smem:$0x3FD0];
	(tm) =	ssettm $0x1  }
0x8e: {  	s16 =	sld [smem:$0x3FFB];
	_ =	sdelay $0x3  }
0x8f: {  	_ =	strace s16  }
0x90: {  	s1 =	sld [smem:$0x3FFC];
	_ =	sdelay $0x3  }
0x91: {  	_ =	strace s1  }
0x92: {  	s1 =	sld [smem:$0x3FFD];
	_ =	sdelay $0x3  }
0x93: {  	_ =	strace s1  }
0x94: {  	_ =	strace $0x8FFFFFFF  }
0x95: {  	s17 =	sld [smem:$0x3FDB];
	_ =	sdelay $0x1  }
0x96: {  	s2 =	simm.s32 $_scs_section_size  }
0x97: {  	s3 =	simm.s32 $_size__tile_overlayer_lowered;
	s4 =	simm.s32 $_tile_overlayer_lowered  }
0x98: {  	s20 =	simm.s32 $0x1BFF;
	s19 =	sshll.u32 s4, $0x1;
	s1 =	sadd.s32 s2, s17  }
0x99: {  	s5 =	simm.s32 $0x0;
	s18 =	sshll.u32 s3, $0x1;
	s3 =	sadd.s32 s19, s1  }
0x9a: {  	[timem:s5], [sflag:s20] =	dma.local [hbm:s3], s18  }
0x9b: {  	_ =	swait.ge [sflag:s20], s18  }
0x9c: {  	s2 =	ssub.s32 $0x0, s18;
	[sflag:s20] =	ssyncset.done $0x0  }
0x9d: {  	[sflag:s20] =	ssyncadd.s32 s2;
	_ =	sdelay $0x1  }
0x9e: {  	s21 =	simm.s32 $0x1B8B  }
0x9f: {  	_ =	swait.ge [sflag:s21], $0x1  }
0xa0: {  	[sflag:s21] =	ssyncset.done $0x0  }
0xa1: {  	s23 =	simm.s32 $0x1B8E;
	s22 =	sld [smem:$0x3FFE];
	[sflag:s21] =	ssyncadd.s32 $0xFFFFFFFF  }
0xa2: {  	s24 =	simm.s32 $execute0_lowered;
	[smem:$0x3FD2] =	sst s23  }
0xa3: {  	s3 =	sshll.u32 s24, $0x1;
	_ =	strace $0x80000046;
	[dreg:$0x1] =	wrdreg $0xFFFFFFFF  }
0xa4: {  	s25 =	simm.s32 $_size_execute0_lowered;
	s1 =	sadd.s32 s1, s3;
	[dreg:$0x0] =	wrdreg $0x0  }
0xa5: {  	s3 =	sshll.u32 s25, $0x1;
	[dreg:$0x2] =	wrdreg s1  }
0xa6: {  	[dreg:$0x3] =	wrdreg s3  }
0xa7: {  	[dreg:$0x4] =	wrdreg $0xC0  }
0xa8: {  	_ =	task [dreg:s5], $0x5FFFF  }
0xa9: {  	[dreg:$0x1] =	wrdreg $0xFFFFFFFF  }
0xaa: {  	[dreg:$0x0] =	wrdreg $0x60  }
0xab: {  	[dreg:$0x2] =	wrdreg s22  }
0xac: {  	[dreg:$0x3] =	wrdreg s0  }
0xad: {  	[dreg:$0x4] =	wrdreg $0xC  }
0xae: {  	_ =	task.clear_ibuf [dreg:s5], $0x5FFFF;
	_ =	strace $0x90000046  }
0xaf: {  	s26 =	simm.s32 $0xC;
	_ =	strace $0x80000048  }
0xb0: {  	_ =	swait.ge [sflag:s26], $0x1  }
0xb1: {  	[sflag:s26] =	ssyncadd.s32 $0xFFFFFFFF  }
0xb2: {  	_ =	strace $0x90000048  }
0xb3: {  	_ =	sfence  }
0xb4: {  	s28 =	sld [smem:$0x0];
	_ =	sdelay $0x1  }
0xb5: {  	s29 =	srdreg.scid  }
0xb6: {  	s30 =	sshll.u32 s29, $0xD;
	s31 =	sshrl.u32 s29, $0x2  }
0xb7: {  	s2 =	sand.u32 $0x4000, s30;
	s1 =	sand.u32 $0x1, s29;
	s0 =	sadd.s32 s31, s28  }
0xb8: {  	s1 =	sor.u32 s2, s1;
	s0 =	sshll.u32 s0, $0x11  }
0xb9: {  	s0 =	sor.u32 s0, s1  }
0xba: {  	s0 =	sadd.s32 $0x8F2B, s0  }
0xbb: {  	[sflag:s0] =	ssyncadd.remote.s32 $0x1  }
0xbc: {  	_ =	sfence.sel $0xFFFF  }
0xbd: {  	[dreg:$0x0] =	wrdreg $0xFFFFFFFF;
	(pc) =	sbr.abs _section_cstart, $3  }
0xbe: {  	[dreg:$0x1] =	wrdreg $0xFFFFFFFF  }
0xbf: {  	_ =	task.clear_ibuf [dreg:s5], $0x2FFFF;
	_ =	strace $0x9FFFFFFF  }
0xc0: {  	(tm) =	ssettm $0x7FFFFFFF  }
0xc1: {  	_ =	shalt  }
tec
execute0_lowered:
.L_overlay_start_1:
0x0: {  	(tag) =	ssettag $0x1  }
0x1: {  	s6 =	rddreg [dreg:$0x0]  }
0x2: {  	s3 =	rddreg [dreg:$0x1];
	s1 =	stileid.u32  }
0x3: {  	s0 =	rddreg [dreg:$0x2];
	s2 =	simm.s32 $0x0;
	s4 =	smul.u32 $0x1F4, s1  }
0x4: {  	[smem:$0x7FF] =	sst s2  }
0x5: {  	s14 =	simm.s32 $0x3;
	_ =	strace $0x80000047;
	s3 =	sadd.s32 s3, s4  }
0x6: {  	[tilespmem:s2], [sflag:$0x3] =	stream.linear.gather [hbm4b:s3+s2], $0xFA0, $0x38;
	[tilespmem:$0x1A000] =	vst v63  }
0x7: {  	_ =	swait.ge [sflag:s14], $0xFA0  }
0x8: {  	s5 =	simm.s32 $0x50;
	[sflag:s14] =	ssyncset.done $0x0  }
0x9: {  	s7 =	simm.s32 $0x1000;
	s4 =	sadd.s32 $0xA200, s6;
	[sflag:s14] =	ssyncadd.s32 $0xFFFFF060  }
0xa: {  	[tilespmem:s7], [sflag:$0x1] =	stream.indirect.gather [hbm4b:s4+s5], $0x80, s2, s5, $0xb8;
	[tilespmem:$0x1A000] =	vst v63  }
0xb: {  	s15 =	simm.s32 $0x3800  }
0xc: {  	[tilespmem:s15], [sflag:$0x1] =	stream.indirect.gather [hbm4b:s4+s5], $0x80, s5, s5, $0xb8;
	[tilespmem:$0x1A000] =	vst v63  }
0xd: {  	s16 =	simm.s32 $0xA0;
	s8 =	simm.s32 $0x6000  }
0xe: {  	[tilespmem:s8], [sflag:$0x1] =	stream.indirect.gather [hbm4b:s4+s5], $0x80, s16, s5, $0xb8;
	[tilespmem:$0x1A000] =	vst v63  }
0xf: {  	s17 =	simm.s32 $0xF0;
	s18 =	simm.s32 $0x8800  }
0x10: {  	[tilespmem:s18], [sflag:$0x1] =	stream.indirect.gather [hbm4b:s4+s5], $0x80, s17, s5, $0xb8;
	[tilespmem:$0x1A000] =	vst v63  }
0x11: {  	s19 =	simm.s32 $0x140;
	s20 =	simm.s32 $0xB000;
	s3 =	simm.s32 $0x1  }
0x12: {  	[tilespmem:s20], [sflag:$0x1] =	stream.indirect.gather [hbm4b:s4+s5], $0x80, s19, s5, $0xb8;
	[tilespmem:$0x1A000] =	vst v63  }
0x13: {  	_ =	swait.ge [sflag:s3], $0x2800  }
0x14: {  	[sflag:s3] =	ssyncset.done $0x0  }
0x15: {  	[sflag:s3] =	ssyncadd.s32 $0xFFFFD800  }
0x16: {  	_ =	swait.ge [sflag:s3], $0x2800  }
0x17: {  	[sflag:s3] =	ssyncset.done $0x0  }
0x18: {  	[sflag:s3] =	ssyncadd.s32 $0xFFFFD800  }
0x19: {  	_ =	swait.ge [sflag:s3], $0x2800  }
0x1a: {  	[sflag:s3] =	ssyncset.done $0x0  }
0x1b: {  	[sflag:s3] =	ssyncadd.s32 $0xFFFFD800  }
0x1c: {  	_ =	swait.ge [sflag:s3], $0x2800  }
0x1d: {  	[sflag:s3] =	ssyncset.done $0x0  }
0x1e: {  	s21 =	smul.u32 $0xFA00, s1;
	[sflag:s3] =	ssyncadd.s32 $0xFFFFD800  }
0x1f: {  	s9 =	simm.s32 $0xC800;
	s22 =	sand.u32 $0x1, s3;
	_ =	swait.ge [sflag:s3], $0x2800  }
0x20: {  	p0 =	seq.s32 s22, $0x1;
	s8 =	sadd.s32 s21, s6;
	[sflag:s3] =	ssyncset.done $0x0  }
0x21: {  	s9 =	simm.s32 @!p0 $0x0;
	s6 =	sadd.s32 $0x31400, s8;
	[sflag:s3] =	ssyncadd.s32 $0xFFFFD800  }
0x22: {  	[hbm4b:s6+s2] =	stream.linear.scatter [tilespmem:s7], [sflag:$0x2], $0xC800, $0x38;
	[tilespmem:$0x1A000] =	vst v63  }
0x23: {  	s23 =	simm.s32 $0x190;
	s7 =	sor.u32 $0x1000, s9  }
0x24: {  	[tilespmem:s7], [sflag:$0x1] =	stream.indirect.gather [hbm4b:s4+s5], $0x80, s23, s5, $0xb8;
	[tilespmem:$0x1A000] =	vst v63  }
0x25: {  	s10 =	simm.s32 $0x1E0;
	s24 =	sadd.s32 $0x3800, s9  }
0x26: {  	[tilespmem:s24], [sflag:$0x1] =	stream.indirect.gather [hbm4b:s4+s5], $0x80, s10, s5, $0xb8;
	[tilespmem:$0x1A000] =	vst v63  }
0x27: {  	s26 =	simm.s32 $0x230;
	s25 =	sadd.s32 $0x6000, s9  }
0x28: {  	[tilespmem:s25], [sflag:$0x1] =	stream.indirect.gather [hbm4b:s4+s5], $0x80, s26, s5, $0xb8;
	[tilespmem:$0x1A000] =	vst v63  }
0x29: {  	s29 =	simm.s32 $0x280;
	s28 =	sadd.s32 $0x8800, s9  }
0x2a: {  	[tilespmem:s28], [sflag:$0x1] =	stream.indirect.gather [hbm4b:s4+s5], $0x80, s29, s5, $0xb8;
	[tilespmem:$0x1A000] =	vst v63  }
0x2b: {  	s30 =	simm.s32 $0x2D0;
	s6 =	simm.s32 $0x2;
	s9 =	sadd.s32 $0xB000, s9  }
0x2c: {  	[tilespmem:s9], [sflag:$0x1] =	stream.indirect.gather [hbm4b:s4+s5], $0x80, s30, s5, $0xb8;
	[tilespmem:$0x1A000] =	vst v63  }
0x2d: {  	_ =	swait.ge [sflag:s6], $0xC800  }
0x2e: {  	[sflag:s6] =	ssyncset.done $0x0  }
0x2f: {  	[sflag:s6] =	ssyncadd.s32 $0xFFFF3800  }
0x30: {  	_ =	swait.ge [sflag:s3], $0x2800  }
0x31: {  	[sflag:s3] =	ssyncset.done $0x0  }
0x32: {  	[sflag:s3] =	ssyncadd.s32 $0xFFFFD800  }
0x33: {  	_ =	swait.ge [sflag:s3], $0x2800  }
0x34: {  	[sflag:s3] =	ssyncset.done $0x0  }
0x35: {  	[sflag:s3] =	ssyncadd.s32 $0xFFFFD800  }
0x36: {  	_ =	swait.ge [sflag:s3], $0x2800  }
0x37: {  	[sflag:s3] =	ssyncset.done $0x0  }
0x38: {  	[sflag:s3] =	ssyncadd.s32 $0xFFFFD800  }
0x39: {  	s11 =	simm.s32 $0x2;
	_ =	swait.ge [sflag:s3], $0x2800  }
0x3a: {  	s31 =	sand.u32 $0x1, s11;
	[sflag:s3] =	ssyncset.done $0x0  }
0x3b: {  	p1 =	seq.s32 s31, $0x1;
	s12 =	sadd.s32 $0x32D00, s8;
	[sflag:s3] =	ssyncadd.s32 $0xFFFFD800  }
0x3c: {  	s14 =	simm.s32 $0xC80;
	s8 =	sadd.s32 $0x1900, s12;
	_ =	swait.ge [sflag:s3], $0x2800  }
0x3d: {  	s10 =	simm.s32 $0x640;
	s9 =	simm.s32 $0xC800;
	[sflag:s3] =	ssyncset.done $0x0  }
.LBB2_1:
0x3e: {  	s15 =	simm.s32 $0xC800;
	s16 =	sshra.s32 s10, $0x2  }
0x3f: {  	[sflag:s3] =	ssyncadd.s32 $0xFFFFD800;
	s10 =	smov.u32 s14;
	s15 =	simm.s32 @!p1 $0x0  }
0x40: {  	[hbm4b:s12+s2] =	stream.linear.scatter [tilespmem:s7], [sflag:$0x2], $0xC800, $0x38;
	[tilespmem:$0x1A000] =	vst v63  }
0x41: {  	s13 =	sadd.s32 $0x640, s14;
	s7 =	sor.u32 $0x1000, s15;
	s12 =	sadd.s32 $0x190, s16  }
0x42: {  	[tilespmem:s7], [sflag:$0x1] =	stream.indirect.gather [hbm4b:s4+s5], $0x80, s12, s5, $0xb8;
	[tilespmem:$0x1A000] =	vst v63  }
0x43: {  	p0 =	sne.s32 s14, $0x3200;
	s14 =	sadd.s32 $0x1E0, s16;
	s12 =	sadd.s32 $0x3800, s15  }
0x44: {  	[tilespmem:s12], [sflag:$0x1] =	stream.indirect.gather [hbm4b:s4+s5], $0x80, s14, s5, $0xb8;
	[tilespmem:$0x1A000] =	vst v63  }
0x45: {  	s17 =	sadd.s32 $0x230, s16;
	s14 =	sadd.s32 $0x6000, s15;
	s12 =	smov.u32 s8  }
0x46: {  	[tilespmem:s14], [sflag:$0x1] =	stream.indirect.gather [hbm4b:s4+s5], $0x80, s17, s5, $0xb8;
	[tilespmem:$0x1A000] =	vst v63  }
0x47: {  	s14 =	sadd.s32 $0x8800, s15;
	s17 =	sadd.s32 $0x280, s16  }
0x48: {  	[tilespmem:s14], [sflag:$0x1] =	stream.indirect.gather [hbm4b:s4+s5], $0x80, s17, s5, $0xb8;
	[tilespmem:$0x1A000] =	vst v63  }
0x49: {  	s14 =	sadd.s32 $0xB000, s15;
	s15 =	sadd.s32 $0x2D0, s16  }
0x4a: {  	[tilespmem:s14], [sflag:$0x1] =	stream.indirect.gather [hbm4b:s4+s5], $0x80, s15, s5, $0xb8;
	[tilespmem:$0x1A000] =	vst v63  }
0x4b: {  	_ =	swait.ge [sflag:s6], $0xC800  }
0x4c: {  	[sflag:s6] =	ssyncset.done $0x0  }
0x4d: {  	[sflag:s6] =	ssyncadd.s32 $0xFFFF3800  }
0x4e: {  	_ =	swait.ge [sflag:s3], $0x2800  }
0x4f: {  	[sflag:s3] =	ssyncset.done $0x0  }
0x50: {  	[sflag:s3] =	ssyncadd.s32 $0xFFFFD800  }
0x51: {  	_ =	swait.ge [sflag:s3], $0x2800  }
0x52: {  	[sflag:s3] =	ssyncset.done $0x0  }
0x53: {  	[sflag:s3] =	ssyncadd.s32 $0xFFFFD800  }
0x54: {  	_ =	swait.ge [sflag:s3], $0x2800  }
0x55: {  	[sflag:s3] =	ssyncset.done $0x0  }
0x56: {  	[sflag:s3] =	ssyncadd.s32 $0xFFFFD800  }
.Ltmp0:
0x57: {  	_ =	swait.ge [sflag:s3], $0x2800;
	(pc) =	sbr.rel @p0 .LBB2_1-.Ltmp0, $4  }
0x58: {  	[sflag:s3] =	ssyncset.done $0x0  }
0x59: {  	s11 =	sadd.s32 $0x1, s11;
	[sflag:s3] =	ssyncadd.s32 $0xFFFFD800  }
0x5a: {  	s8 =	sadd.s32 $0x1900, s8;
	s14 =	sand.u32 $0x1, s11;
	_ =	swait.ge [sflag:s3], $0x2800  }
0x5b: {  	p1 =	seq.s32 s14, $0x1;
	s14 =	smov.u32 s13;
	[sflag:s3] =	ssyncset.done $0x0  }
0x5c: {  	s9 =	simm.s32 @!p1 $0x0;
	s10 =	sshra.s32 s10, $0x2;
	[sflag:s3] =	ssyncadd.s32 $0xFFFFD800  }
0x5d: {  	[hbm4b:s12+s2] =	stream.linear.scatter [tilespmem:s7], [sflag:$0x2], $0xC800, $0x38;
	[tilespmem:$0x1A000] =	vst v63  }
0x5e: {  	s23 =	sor.u32 $0x1000, s9;
	s11 =	sadd.s32 $0x190, s10  }
0x5f: {  	[tilespmem:s23], [sflag:$0x1] =	stream.indirect.gather [hbm4b:s4+s5], $0x80, s11, s5, $0xb8;
	[tilespmem:$0x1A000] =	vst v63  }
0x60: {  	s24 =	sadd.s32 $0x3800, s9;
	s25 =	sadd.s32 $0x1E0, s10  }
0x61: {  	[tilespmem:s24], [sflag:$0x1] =	stream.indirect.gather [hbm4b:s4+s5], $0x80, s25, s5, $0xb8;
	[tilespmem:$0x1A000] =	vst v63  }
0x62: {  	s26 =	sadd.s32 $0x6000, s9;
	s28 =	sadd.s32 $0x230, s10  }
0x63: {  	[tilespmem:s26], [sflag:$0x1] =	stream.indirect.gather [hbm4b:s4+s5], $0x80, s28, s5, $0xb8;
	[tilespmem:$0x1A000] =	vst v63  }
0x64: {  	s29 =	sadd.s32 $0x8800, s9;
	s30 =	sadd.s32 $0x280, s10  }
0x65: {  	[tilespmem:s29], [sflag:$0x1] =	stream.indirect.gather [hbm4b:s4+s5], $0x80, s30, s5, $0xb8;
	[tilespmem:$0x1A000] =	vst v63  }
0x66: {  	s9 =	sadd.s32 $0xB000, s9;
	s10 =	sadd.s32 $0x2D0, s10  }
0x67: {  	[tilespmem:s9], [sflag:$0x1] =	stream.indirect.gather [hbm4b:s4+s5], $0x80, s10, s5, $0xb8;
	[tilespmem:$0x1A000] =	vst v63  }
0x68: {  	_ =	swait.ge [sflag:s6], $0xC800  }
0x69: {  	[sflag:s6] =	ssyncset.done $0x0  }
0x6a: {  	[sflag:s6] =	ssyncadd.s32 $0xFFFF3800  }
0x6b: {  	_ =	swait.ge [sflag:s3], $0x2800  }
0x6c: {  	[sflag:s3] =	ssyncset.done $0x0  }
0x6d: {  	[sflag:s3] =	ssyncadd.s32 $0xFFFFD800  }
0x6e: {  	_ =	swait.ge [sflag:s3], $0x2800  }
0x6f: {  	[sflag:s3] =	ssyncset.done $0x0  }
0x70: {  	[sflag:s3] =	ssyncadd.s32 $0xFFFFD800  }
0x71: {  	_ =	swait.ge [sflag:s3], $0x2800  }
0x72: {  	[sflag:s3] =	ssyncset.done $0x0  }
0x73: {  	[sflag:s3] =	ssyncadd.s32 $0xFFFFD800  }
0x74: {  	_ =	swait.ge [sflag:s3], $0x2800  }
0x75: {  	[sflag:s3] =	ssyncset.done $0x0  }
0x76: {  	[sflag:s3] =	ssyncadd.s32 $0xFFFFD800  }
0x77: {  	_ =	swait.ge [sflag:s3], $0x2800  }
0x78: {  	[sflag:s3] =	ssyncset.done $0x0  }
0x79: {  	s31 =	simm.s32 $0x2;
	[sflag:s3] =	ssyncadd.s32 $0xFFFFD800  }
0x7a: {  	[hbm4b:s8+s2] =	stream.linear.scatter [tilespmem:s23], [sflag:$0x2], $0xC800, $0x38;
	[tilespmem:$0x1A000] =	vst v63  }
0x7b: {  	_ =	swait.ge [sflag:s31], $0xC800  }
0x7c: {  	[sflag:s31] =	ssyncset.done $0x0  }
0x7d: {  	[sflag:s31] =	ssyncadd.s32 $0xFFFF3800  }
0x7e: {  	_ =	sfence.sel $0x180000  }
0x7f: {  	[bflag:$0x0] =	sbarrier.arrive $0xFFFF  }
0x80: {  	p0 =	sne.s32 s1, $0x0;
	_ =	strace $0x90000047  }
0x81: {  	s0 =	sadd.s32 @!p0 $0x100000, s0;
	[bflag:$0x2] =	sbarrier.arrive $0xFFFF  }
0x82: {  	[sflag:s0] =	ssyncadd.tile.s32 @!p0 $0x1;
	_ =	shalt  }
.Lfunc_end2:
_tile_overlayer_lowered:
.L_overlay_start_2:
0x83: {  	(tag) =	ssettag $0x2  }
0x84: {  	s0 =	rddreg [dreg:$0x0];
	s2 =	stileid.u32  }
0x85: {  	s1 =	rddreg [dreg:$0x1];
	p0 =	sne.s32 s2, $0x0  }
0x86: {  	s3 =	rddreg [dreg:$0x2];
	[bflag:$0x3] =	sbarrier.arrive $0xFFFF;
	s2 =	simm.s32 @!p0 $0x1C03  }
0x87: {  	[timem:s3], [sflag:s2] =	dma.local @!p0 [hbm:s0], s1  }
0x88: {  	s0 =	simm.s32 @!p0 $0x3  }
0x89: {  	_ =	swait.ge @!p0 [sflag:s0], s1  }
0x8a: {  	s1 =	ssub.s32 @!p0 $0x0, s1;
	[sflag:s0] =	ssyncset.done @!p0 $0x0  }
0x8b: {  	[sflag:s0] =	ssyncadd.s32 @!p0 s1  }
0x8c: {  	[bflag:$0x3] =	sbarrier.arrive $0xFFFF  }
0x8d: {  	_ =	shalt  }

// kernel: kernel.25.cloned.1.call-start
scs
__scs_entry_jumppad:
0x0: {  	(pc) =	sbr.rel $0x88, $3  }
0x1: {  	(tag) =	ssettag $0x0;
	lr =	simm.s32 $0x1  }
0x2: {  	[smem:$0x3F96] =	sst lr;
	_ =	strace $0xD0000000  }
0x3: {  	_ = 	snop  }
0x4: {  	_ = 	snop  }
0x5: {  	_ = 	snop  }
0x6: {  	_ = 	snop  }
0x7: {  	_ = 	snop  }
__scs_overlays_trampoline_lowered:
0x8: {  	[smem:$0x3FA5] =	sst s0  }
0x9: {  	[smem:$0x3FA6] =	sst s1  }
0xa: {  	[smem:$0x3FA7] =	sst s2  }
0xb: {  	[smem:$0x3FA8] =	sst s3  }
0xc: {  	[smem:$0x3FA9] =	sst s4  }
0xd: {  	[smem:$0x3FAA] =	sst s5  }
0xe: {  	[smem:$0x3FAB] =	sst s6  }
0xf: {  	[smem:$0x3FAC] =	sst s7  }
0x10: {  	[smem:$0x3FAD] =	sst s8  }
0x11: {  	[smem:$0x3FAE] =	sst s9;
	s0 =	simm.s32 @!p0 $0x0  }
0x12: {  	s1 =	sld [smem:$0x3F94];
	s0 =	simm.s32 @p0 $0x1  }
0x13: {  	[smem:$0x3FAF] =	sst s0;
	s0 =	simm.s32 @!p1 $0x0  }
0x14: {  	s2 =	sld [smem:$0x3F93];
	s0 =	simm.s32 @p1 $0x1  }
0x15: {  	[smem:$0x3FB0] =	sst s0;
	s0 =	simm.s32 @!p2 $0x0  }
0x16: {  	s3 =	sld [smem:$0x3FDB];
	s0 =	simm.s32 @p2 $0x1  }
0x17: {  	s4 =	simm.s32 $0x1BF5;
	[smem:$0x3FB2] =	sst s0  }
0x18: {  	s0 =	sld [smem:$0x3F95];
	_ =	swait.ge [sflag:s4], $0x0  }
0x19: {  	s7 =	sld [smem:$0x3F96]  }
0x1a: {  	s8 =	sadd.s32 $0xFFFFE003, lr  }
0x1b: {  	s9 =	sadd.s32 $0xFFFFFEF7, lr;
	s5 =	simm.s32 $0xFFFFFFFF;
	p2 =	slt.u32 s8, $0xFFFFF086  }
0x1c: {  	p1 =	slt.u32 s9, $0xF7A;
	s5 =	simm.s32 @!p2 $0x0  }
0x1d: {  	s5 =	simm.s32 @p1 $0x1;
	p0 =	seq.s32 s7, s2  }
0x1e: {  	s7 =	smul.u32 @!p0 $0xF7A, s2;
	p2 =	seq.s32 @!p0 s5, $0x0  }
0x1f: {  	s9 =	smul.u32 $0xF7A, s1;
	s8 =	simm.s32 @!p0 $0x1BF5;
	p2 =	por !p2, p0  }
0x20: {  	[sflag:s8] =	ssyncset.s32 @!p0 $0xFFFFF086;
	s6 =	sadd.s32 @!p0 s3, s7;
	s7 =	simm.s32 @!p0 $0x108  }
0x21: {  	s3 =	sadd.s32 s3, s9;
	s6 =	sadd.s32 @!p0 $0x88, s6;
	s7 =	simm.s32 @p2 $0x1082  }
0x22: {  	[simem:s7], [sflag:s8] =	dma.local @!p0 [hbm:s6], $0xF7A  }
0x23: {  	s9 =	sor.u32 $0xD0000000, s2;
	s6 =	simm.s32 $0x108;
	_ =	swait.ge @!p0 [sflag:s8], $0x0  }
0x24: {  	s3 =	sadd.s32 $0x88, s3;
	s6 =	simm.s32 @!p1 $0x1082;
	[sflag:s4] =	ssyncset.s32 $0xFFFFF086  }
0x25: {  	[simem:s6], [sflag:s4] =	dma.local [hbm:s3], $0xF7A  }
0x26: {  	[smem:$0x3F96] =	sst s1;
	(tag) =	ssettag s2;
	_ =	strace s9  }
0x27: {  	s1 =	sld [smem:$0x3FA6]  }
0x28: {  	s2 =	sld [smem:$0x3FA7]  }
0x29: {  	s4 =	sld [smem:$0x3FA9]  }
0x2a: {  	p0 =	seq.s32 s5, $0x0;
	s5 =	sld [smem:$0x3FAA]  }
0x2b: {  	s6 =	sld [smem:$0x3FAB]  }
0x2c: {  	s7 =	sld [smem:$0x3FAC]  }
0x2d: {  	s3 =	simm.s32 $0x108;
	s8 =	sld [smem:$0x3FAD]  }
0x2e: {  	s3 =	simm.s32 @!p0 $0x1082;
	s9 =	sld [smem:$0x3FAE]  }
0x2f: {  	lr =	sadd.s32 s0, s3;
	s0 =	sld [smem:$0x3FA5]  }
0x30: {  	s3 =	sld [smem:$0x3FA8]  }
0x31: {  	[smem:$0x3FB1] =	sst s10  }
0x32: {  	s10 =	sld [smem:$0x3FAF];
	_ =	sdelay $0x3  }
0x33: {  	p0 =	seq.s32 s10, $0x1;
	s10 =	sld [smem:$0x3FB1];
	_ =	sdelay $0x3  }
0x34: {  	[smem:$0x3FB1] =	sst s10  }
0x35: {  	s10 =	sld [smem:$0x3FB0];
	_ =	sdelay $0x3  }
0x36: {  	p1 =	seq.s32 s10, $0x1;
	s10 =	sld [smem:$0x3FB1];
	_ =	sdelay $0x3  }
0x37: {  	[smem:$0x3FB1] =	sst s10  }
0x38: {  	s10 =	sld [smem:$0x3FB2]  }
0x39: {  	_ = 	snop;
	(pc) =	sbr.ind lr, $3  }
0x3a: {  	_ = 	snop  }
0x3b: {  	_ = 	snop  }
0x3c: {  	p2 =	seq.s32 s10, $0x1;
	s10 =	sld [smem:$0x3FB1]  }
0x3d: {  	_ =	shalt  }
0x3e: {  	_ =	shalt  }
0x3f: {  	_ =	shalt  }
0x40: {  	_ =	shalt  }
0x41: {  	_ =	shalt  }
0x42: {  	_ =	shalt  }
0x43: {  	_ =	shalt  }
0x44: {  	_ =	shalt  }
0x45: {  	_ =	shalt  }
0x46: {  	_ =	shalt  }
0x47: {  	_ =	shalt  }
0x48: {  	_ =	shalt  }
0x49: {  	_ =	shalt  }
0x4a: {  	_ =	shalt  }
0x4b: {  	_ =	shalt  }
0x4c: {  	_ =	shalt  }
0x4d: {  	_ =	shalt  }
0x4e: {  	_ =	shalt  }
0x4f: {  	_ =	shalt  }
0x50: {  	_ =	shalt  }
0x51: {  	_ =	shalt  }
0x52: {  	_ =	shalt  }
0x53: {  	_ =	shalt  }
0x54: {  	_ =	shalt  }
0x55: {  	_ =	shalt  }
0x56: {  	_ =	shalt  }
0x57: {  	_ =	shalt  }
0x58: {  	_ =	shalt  }
0x59: {  	_ =	shalt  }
0x5a: {  	_ =	shalt  }
0x5b: {  	_ =	shalt  }
0x5c: {  	_ =	shalt  }
0x5d: {  	_ =	shalt  }
0x5e: {  	_ =	shalt  }
0x5f: {  	_ =	shalt  }
0x60: {  	_ =	shalt  }
0x61: {  	_ =	shalt  }
0x62: {  	_ =	shalt  }
0x63: {  	_ =	shalt  }
0x64: {  	_ =	shalt  }
0x65: {  	_ =	shalt  }
0x66: {  	_ =	shalt  }
0x67: {  	_ =	shalt  }
0x68: {  	_ =	shalt  }
0x69: {  	_ =	shalt  }
0x6a: {  	_ =	shalt  }
0x6b: {  	_ =	shalt  }
0x6c: {  	_ =	shalt  }
0x6d: {  	_ =	shalt  }
0x6e: {  	_ =	shalt  }
0x6f: {  	_ =	shalt  }
0x70: {  	_ =	shalt  }
0x71: {  	_ =	shalt  }
0x72: {  	_ =	shalt  }
0x73: {  	_ =	shalt  }
0x74: {  	_ =	shalt  }
0x75: {  	_ =	shalt  }
0x76: {  	_ =	shalt  }
0x77: {  	_ =	shalt  }
0x78: {  	_ =	shalt  }
0x79: {  	_ =	shalt  }
0x7a: {  	_ =	shalt  }
0x7b: {  	_ =	shalt  }
0x7c: {  	_ =	shalt  }
0x7d: {  	_ =	shalt  }
0x7e: {  	_ =	shalt  }
0x7f: {  	_ =	shalt  }
0x80: {  	_ =	shalt  }
0x81: {  	_ =	shalt  }
0x82: {  	_ =	shalt  }
0x83: {  	_ =	shalt  }
0x84: {  	_ =	shalt  }
0x85: {  	_ =	shalt  }
0x86: {  	_ =	shalt  }
0x87: {  	_ =	shalt  }
.Lfunc_end0:
.L_simem_size_0:
called_computation.4_lowered:
.L_overlay_start_0:
0x88: {  	s0 =	sld [smem:$0x3FD9]  }
0x89: {  	s1 =	sld [smem:$0x3FFE];
	_ =	sdelay $0x3  }
0x8a: {  	s0 =	sadd.s32 s1, s0  }
0x8b: {  	[smem:$0x3FBD] =	sst s0  }
0x8c: {  	_ = 	snop  }
0x8d: {  	(tm) =	ssettm $0x1  }
0x8e: {  	s15 =	sld [smem:$0x3FFB];
	_ =	sdelay $0x3  }
0x8f: {  	_ =	strace s15  }
0x90: {  	s0 =	sld [smem:$0x3FFC];
	_ =	sdelay $0x3  }
0x91: {  	_ =	strace s0  }
0x92: {  	s0 =	sld [smem:$0x3FFD];
	_ =	sdelay $0x3  }
0x93: {  	_ =	strace s0  }
0x94: {  	_ =	strace $0x8FFFFFFF  }
0x95: {  	s16 =	sld [smem:$0x3FDB];
	_ =	sdelay $0x1  }
0x96: {  	s17 =	simm.s32 $_scs_section_size  }
0x97: {  	s2 =	simm.s32 $_size__tile_overlayer_lowered;
	s3 =	simm.s32 $_tile_overlayer_lowered  }
0x98: {  	s20 =	simm.s32 $0x1BFF;
	s19 =	sshll.u32 s3, $0x1;
	s0 =	sadd.s32 s17, s16  }
0x99: {  	s4 =	simm.s32 $0x0;
	s18 =	sshll.u32 s2, $0x1;
	s2 =	sadd.s32 s19, s0  }
0x9a: {  	[timem:s4], [sflag:s20] =	dma.local [hbm:s2], s18  }
0x9b: {  	_ =	swait.ge [sflag:s20], s18  }
0x9c: {  	s1 =	ssub.s32 $0x0, s18;
	[sflag:s20] =	ssyncset.done $0x0  }
0x9d: {  	[sflag:s20] =	ssyncadd.s32 s1;
	_ =	sdelay $0x1  }
0x9e: {  	s21 =	simm.s32 $0x1B8B  }
0x9f: {  	_ =	swait.ge [sflag:s21], $0x1  }
0xa0: {  	[sflag:s21] =	ssyncset.done $0x0  }
0xa1: {  	s23 =	simm.s32 $0x1B8E;
	s22 =	sld [smem:$0x3FFE];
	[sflag:s21] =	ssyncadd.s32 $0xFFFFFFFF  }
0xa2: {  	s24 =	simm.s32 $execute0_lowered;
	[smem:$0x3FD2] =	sst s23  }
0xa3: {  	s2 =	sshll.u32 s24, $0x1;
	_ =	strace $0x80000052;
	[dreg:$0x1] =	wrdreg $0xFFFFFFFF  }
0xa4: {  	s25 =	simm.s32 $_size_execute0_lowered;
	s0 =	sadd.s32 s0, s2;
	[dreg:$0x0] =	wrdreg $0x0  }
0xa5: {  	s2 =	sshll.u32 s25, $0x1;
	[dreg:$0x2] =	wrdreg s0  }
0xa6: {  	[dreg:$0x3] =	wrdreg s2  }
0xa7: {  	[dreg:$0x4] =	wrdreg $0xC0  }
0xa8: {  	_ =	task [dreg:s4], $0x5FFFF  }
0xa9: {  	[dreg:$0x1] =	wrdreg $0xFFFFFFFF  }
0xaa: {  	[dreg:$0x0] =	wrdreg $0x60  }
0xab: {  	[dreg:$0x2] =	wrdreg s22  }
0xac: {  	[dreg:$0x3] =	wrdreg $0xD  }
0xad: {  	_ =	task.clear_ibuf [dreg:s4], $0x4FFFF;
	_ =	strace $0x90000052  }
0xae: {  	s26 =	simm.s32 $0xD;
	_ =	strace $0x80000054  }
0xaf: {  	_ =	swait.ge [sflag:s26], $0x1  }
0xb0: {  	[sflag:s26] =	ssyncadd.s32 $0xFFFFFFFF  }
0xb1: {  	_ =	strace $0x90000054  }
0xb2: {  	_ =	sfence  }
0xb3: {  	s28 =	sld [smem:$0x0];
	_ =	sdelay $0x1  }
0xb4: {  	s29 =	srdreg.scid  }
0xb5: {  	s30 =	sshll.u32 s29, $0xD;
	s31 =	sshrl.u32 s29, $0x2  }
0xb6: {  	s1 =	sand.u32 $0x1, s29;
	s2 =	sand.u32 $0x4000, s30;
	s0 =	sadd.s32 s31, s28  }
0xb7: {  	s1 =	sor.u32 s2, s1;
	s0 =	sshll.u32 s0, $0x11  }
0xb8: {  	s0 =	sor.u32 s0, s1  }
0xb9: {  	s0 =	sadd.s32 $0x8F2B, s0  }
0xba: {  	[sflag:s0] =	ssyncadd.remote.s32 $0x1  }
0xbb: {  	_ =	sfence.sel $0xFFFF  }
0xbc: {  	[dreg:$0x0] =	wrdreg $0xFFFFFFFF;
	(pc) =	sbr.abs _section_cstart, $3  }
0xbd: {  	[dreg:$0x1] =	wrdreg $0xFFFFFFFF  }
0xbe: {  	_ =	task.clear_ibuf [dreg:s4], $0x2FFFF;
	_ =	strace $0x9FFFFFFF  }
0xbf: {  	(tm) =	ssettm $0x7FFFFFFF  }
tec
execute0_lowered:
.L_overlay_start_1:
0x0: {  	(tag) =	ssettag $0x1  }
0x1: {  	s0 =	stileid.u32  }
0x2: {  	s6 =	rddreg [dreg:$0x0];
	s3 =	smul.u32 $0x1F4, s0  }
0x3: {  	s1 =	rddreg [dreg:$0x1];
	s2 =	simm.s32 $0x0  }
0x4: {  	[smem:$0x7FF] =	sst s2;
	s3 =	sadd.s32 s3, s6  }
0x5: {  	s14 =	simm.s32 $0x3;
	_ =	strace $0x80000053;
	s3 =	sadd.s32 $0x8200, s3  }
0x6: {  	[tilespmem:s2], [sflag:$0x3] =	stream.linear.gather [hbm4b:s3+s2], $0xFA0, $0x38;
	[tilespmem:$0x1A000] =	vst v63  }
0x7: {  	_ =	swait.ge [sflag:s14], $0xFA0  }
0x8: {  	s5 =	simm.s32 $0x50;
	[sflag:s14] =	ssyncset.done $0x0  }
0x9: {  	s7 =	simm.s32 $0x1000;
	s4 =	sadd.s32 $0xA200, s6;
	[sflag:s14] =	ssyncadd.s32 $0xFFFFF060  }
0xa: {  	[tilespmem:s7], [sflag:$0x1] =	stream.indirect.gather [hbm4b:s4+s5], $0x80, s2, s5, $0xb8;
	[tilespmem:$0x1A000] =	vst v63  }
0xb: {  	s15 =	simm.s32 $0x3800  }
0xc: {  	[tilespmem:s15], [sflag:$0x1] =	stream.indirect.gather [hbm4b:s4+s5], $0x80, s5, s5, $0xb8;
	[tilespmem:$0x1A000] =	vst v63  }
0xd: {  	s16 =	simm.s32 $0xA0;
	s8 =	simm.s32 $0x6000  }
0xe: {  	[tilespmem:s8], [sflag:$0x1] =	stream.indirect.gather [hbm4b:s4+s5], $0x80, s16, s5, $0xb8;
	[tilespmem:$0x1A000] =	vst v63  }
0xf: {  	s17 =	simm.s32 $0xF0;
	s18 =	simm.s32 $0x8800  }
0x10: {  	[tilespmem:s18], [sflag:$0x1] =	stream.indirect.gather [hbm4b:s4+s5], $0x80, s17, s5, $0xb8;
	[tilespmem:$0x1A000] =	vst v63  }
0x11: {  	s19 =	simm.s32 $0x140;
	s20 =	simm.s32 $0xB000;
	s3 =	simm.s32 $0x1  }
0x12: {  	[tilespmem:s20], [sflag:$0x1] =	stream.indirect.gather [hbm4b:s4+s5], $0x80, s19, s5, $0xb8;
	[tilespmem:$0x1A000] =	vst v63  }
0x13: {  	_ =	swait.ge [sflag:s3], $0x2800  }
0x14: {  	[sflag:s3] =	ssyncset.done $0x0  }
0x15: {  	[sflag:s3] =	ssyncadd.s32 $0xFFFFD800  }
0x16: {  	_ =	swait.ge [sflag:s3], $0x2800  }
0x17: {  	[sflag:s3] =	ssyncset.done $0x0  }
0x18: {  	[sflag:s3] =	ssyncadd.s32 $0xFFFFD800  }
0x19: {  	_ =	swait.ge [sflag:s3], $0x2800  }
0x1a: {  	[sflag:s3] =	ssyncset.done $0x0  }
0x1b: {  	[sflag:s3] =	ssyncadd.s32 $0xFFFFD800  }
0x1c: {  	_ =	swait.ge [sflag:s3], $0x2800  }
0x1d: {  	[sflag:s3] =	ssyncset.done $0x0  }
0x1e: {  	s21 =	smul.u32 $0xFA00, s0;
	[sflag:s3] =	ssyncadd.s32 $0xFFFFD800  }
0x1f: {  	s9 =	simm.s32 $0xC800;
	s22 =	sand.u32 $0x1, s3;
	_ =	swait.ge [sflag:s3], $0x2800  }
0x20: {  	p0 =	seq.s32 s22, $0x1;
	s8 =	sadd.s32 s21, s6;
	[sflag:s3] =	ssyncset.done $0x0  }
0x21: {  	s9 =	simm.s32 @!p0 $0x0;
	s6 =	sadd.s32 $0x41B400, s8;
	[sflag:s3] =	ssyncadd.s32 $0xFFFFD800  }
0x22: {  	[hbm4b:s6+s2] =	stream.linear.scatter [tilespmem:s7], [sflag:$0x2], $0xC800, $0x38;
	[tilespmem:$0x1A000] =	vst v63  }
0x23: {  	s23 =	simm.s32 $0x190;
	s7 =	sor.u32 $0x1000, s9  }
0x24: {  	[tilespmem:s7], [sflag:$0x1] =	stream.indirect.gather [hbm4b:s4+s5], $0x80, s23, s5, $0xb8;
	[tilespmem:$0x1A000] =	vst v63  }
0x25: {  	s10 =	simm.s32 $0x1E0;
	s24 =	sadd.s32 $0x3800, s9  }
0x26: {  	[tilespmem:s24], [sflag:$0x1] =	stream.indirect.gather [hbm4b:s4+s5], $0x80, s10, s5, $0xb8;
	[tilespmem:$0x1A000] =	vst v63  }
0x27: {  	s26 =	simm.s32 $0x230;
	s25 =	sadd.s32 $0x6000, s9  }
0x28: {  	[tilespmem:s25], [sflag:$0x1] =	stream.indirect.gather [hbm4b:s4+s5], $0x80, s26, s5, $0xb8;
	[tilespmem:$0x1A000] =	vst v63  }
0x29: {  	s29 =	simm.s32 $0x280;
	s28 =	sadd.s32 $0x8800, s9  }
0x2a: {  	[tilespmem:s28], [sflag:$0x1] =	stream.indirect.gather [hbm4b:s4+s5], $0x80, s29, s5, $0xb8;
	[tilespmem:$0x1A000] =	vst v63  }
0x2b: {  	s30 =	simm.s32 $0x2D0;
	s6 =	simm.s32 $0x2;
	s9 =	sadd.s32 $0xB000, s9  }
0x2c: {  	[tilespmem:s9], [sflag:$0x1] =	stream.indirect.gather [hbm4b:s4+s5], $0x80, s30, s5, $0xb8;
	[tilespmem:$0x1A000] =	vst v63  }
0x2d: {  	_ =	swait.ge [sflag:s6], $0xC800  }
0x2e: {  	[sflag:s6] =	ssyncset.done $0x0  }
0x2f: {  	[sflag:s6] =	ssyncadd.s32 $0xFFFF3800  }
0x30: {  	_ =	swait.ge [sflag:s3], $0x2800  }
0x31: {  	[sflag:s3] =	ssyncset.done $0x0  }
0x32: {  	[sflag:s3] =	ssyncadd.s32 $0xFFFFD800  }
0x33: {  	_ =	swait.ge [sflag:s3], $0x2800  }
0x34: {  	[sflag:s3] =	ssyncset.done $0x0  }
0x35: {  	[sflag:s3] =	ssyncadd.s32 $0xFFFFD800  }
0x36: {  	_ =	swait.ge [sflag:s3], $0x2800  }
0x37: {  	[sflag:s3] =	ssyncset.done $0x0  }
0x38: {  	[sflag:s3] =	ssyncadd.s32 $0xFFFFD800  }
0x39: {  	s11 =	simm.s32 $0x2;
	_ =	swait.ge [sflag:s3], $0x2800  }
0x3a: {  	s31 =	sand.u32 $0x1, s11;
	[sflag:s3] =	ssyncset.done $0x0  }
0x3b: {  	p1 =	seq.s32 s31, $0x1;
	s12 =	sadd.s32 $0x41CD00, s8;
	[sflag:s3] =	ssyncadd.s32 $0xFFFFD800  }
0x3c: {  	s14 =	simm.s32 $0xC80;
	s8 =	sadd.s32 $0x1900, s12;
	_ =	swait.ge [sflag:s3], $0x2800  }
0x3d: {  	s10 =	simm.s32 $0x640;
	s9 =	simm.s32 $0xC800;
	[sflag:s3] =	ssyncset.done $0x0  }
.LBB2_1:
0x3e: {  	s15 =	simm.s32 $0xC800;
	s16 =	sshra.s32 s10, $0x2  }
0x3f: {  	[sflag:s3] =	ssyncadd.s32 $0xFFFFD800;
	s10 =	smov.u32 s14;
	s15 =	simm.s32 @!p1 $0x0  }
0x40: {  	[hbm4b:s12+s2] =	stream.linear.scatter [tilespmem:s7], [sflag:$0x2], $0xC800, $0x38;
	[tilespmem:$0x1A000] =	vst v63  }
0x41: {  	s13 =	sadd.s32 $0x640, s14;
	s7 =	sor.u32 $0x1000, s15;
	s12 =	sadd.s32 $0x190, s16  }
0x42: {  	[tilespmem:s7], [sflag:$0x1] =	stream.indirect.gather [hbm4b:s4+s5], $0x80, s12, s5, $0xb8;
	[tilespmem:$0x1A000] =	vst v63  }
0x43: {  	p0 =	sne.s32 s14, $0x3200;
	s14 =	sadd.s32 $0x1E0, s16;
	s12 =	sadd.s32 $0x3800, s15  }
0x44: {  	[tilespmem:s12], [sflag:$0x1] =	stream.indirect.gather [hbm4b:s4+s5], $0x80, s14, s5, $0xb8;
	[tilespmem:$0x1A000] =	vst v63  }
0x45: {  	s17 =	sadd.s32 $0x230, s16;
	s14 =	sadd.s32 $0x6000, s15;
	s12 =	smov.u32 s8  }
0x46: {  	[tilespmem:s14], [sflag:$0x1] =	stream.indirect.gather [hbm4b:s4+s5], $0x80, s17, s5, $0xb8;
	[tilespmem:$0x1A000] =	vst v63  }
0x47: {  	s14 =	sadd.s32 $0x8800, s15;
	s17 =	sadd.s32 $0x280, s16  }
0x48: {  	[tilespmem:s14], [sflag:$0x1] =	stream.indirect.gather [hbm4b:s4+s5], $0x80, s17, s5, $0xb8;
	[tilespmem:$0x1A000] =	vst v63  }
0x49: {  	s14 =	sadd.s32 $0xB000, s15;
	s15 =	sadd.s32 $0x2D0, s16  }
0x4a: {  	[tilespmem:s14], [sflag:$0x1] =	stream.indirect.gather [hbm4b:s4+s5], $0x80, s15, s5, $0xb8;
	[tilespmem:$0x1A000] =	vst v63  }
0x4b: {  	_ =	swait.ge [sflag:s6], $0xC800  }
0x4c: {  	[sflag:s6] =	ssyncset.done $0x0  }
0x4d: {  	[sflag:s6] =	ssyncadd.s32 $0xFFFF3800  }
0x4e: {  	_ =	swait.ge [sflag:s3], $0x2800  }
0x4f: {  	[sflag:s3] =	ssyncset.done $0x0  }
0x50: {  	[sflag:s3] =	ssyncadd.s32 $0xFFFFD800  }
0x51: {  	_ =	swait.ge [sflag:s3], $0x2800  }
0x52: {  	[sflag:s3] =	ssyncset.done $0x0  }
0x53: {  	[sflag:s3] =	ssyncadd.s32 $0xFFFFD800  }
0x54: {  	_ =	swait.ge [sflag:s3], $0x2800  }
0x55: {  	[sflag:s3] =	ssyncset.done $0x0  }
0x56: {  	[sflag:s3] =	ssyncadd.s32 $0xFFFFD800  }
.Ltmp0:
0x57: {  	_ =	swait.ge [sflag:s3], $0x2800;
	(pc) =	sbr.rel @p0 .LBB2_1-.Ltmp0, $4  }
0x58: {  	[sflag:s3] =	ssyncset.done $0x0  }
0x59: {  	s11 =	sadd.s32 $0x1, s11;
	[sflag:s3] =	ssyncadd.s32 $0xFFFFD800  }
0x5a: {  	s8 =	sadd.s32 $0x1900, s8;
	s14 =	sand.u32 $0x1, s11;
	_ =	swait.ge [sflag:s3], $0x2800  }
0x5b: {  	p1 =	seq.s32 s14, $0x1;
	s14 =	smov.u32 s13;
	[sflag:s3] =	ssyncset.done $0x0  }
0x5c: {  	s9 =	simm.s32 @!p1 $0x0;
	s10 =	sshra.s32 s10, $0x2;
	[sflag:s3] =	ssyncadd.s32 $0xFFFFD800  }
0x5d: {  	[hbm4b:s12+s2] =	stream.linear.scatter [tilespmem:s7], [sflag:$0x2], $0xC800, $0x38;
	[tilespmem:$0x1A000] =	vst v63  }
0x5e: {  	s23 =	sor.u32 $0x1000, s9;
	s11 =	sadd.s32 $0x190, s10  }
0x5f: {  	[tilespmem:s23], [sflag:$0x1] =	stream.indirect.gather [hbm4b:s4+s5], $0x80, s11, s5, $0xb8;
	[tilespmem:$0x1A000] =	vst v63  }
0x60: {  	s24 =	sadd.s32 $0x3800, s9;
	s25 =	sadd.s32 $0x1E0, s10  }
0x61: {  	[tilespmem:s24], [sflag:$0x1] =	stream.indirect.gather [hbm4b:s4+s5], $0x80, s25, s5, $0xb8;
	[tilespmem:$0x1A000] =	vst v63  }
0x62: {  	s26 =	sadd.s32 $0x6000, s9;
	s28 =	sadd.s32 $0x230, s10  }
0x63: {  	[tilespmem:s26], [sflag:$0x1] =	stream.indirect.gather [hbm4b:s4+s5], $0x80, s28, s5, $0xb8;
	[tilespmem:$0x1A000] =	vst v63  }
0x64: {  	s29 =	sadd.s32 $0x8800, s9;
	s30 =	sadd.s32 $0x280, s10  }
0x65: {  	[tilespmem:s29], [sflag:$0x1] =	stream.indirect.gather [hbm4b:s4+s5], $0x80, s30, s5, $0xb8;
	[tilespmem:$0x1A000] =	vst v63  }
0x66: {  	s9 =	sadd.s32 $0xB000, s9;
	s10 =	sadd.s32 $0x2D0, s10  }
0x67: {  	[tilespmem:s9], [sflag:$0x1] =	stream.indirect.gather [hbm4b:s4+s5], $0x80, s10, s5, $0xb8;
	[tilespmem:$0x1A000] =	vst v63  }
0x68: {  	_ =	swait.ge [sflag:s6], $0xC800  }
0x69: {  	[sflag:s6] =	ssyncset.done $0x0  }
0x6a: {  	[sflag:s6] =	ssyncadd.s32 $0xFFFF3800  }
0x6b: {  	_ =	swait.ge [sflag:s3], $0x2800  }
0x6c: {  	[sflag:s3] =	ssyncset.done $0x0  }
0x6d: {  	[sflag:s3] =	ssyncadd.s32 $0xFFFFD800  }
0x6e: {  	_ =	swait.ge [sflag:s3], $0x2800  }
0x6f: {  	[sflag:s3] =	ssyncset.done $0x0  }
0x70: {  	[sflag:s3] =	ssyncadd.s32 $0xFFFFD800  }
0x71: {  	_ =	swait.ge [sflag:s3], $0x2800  }
0x72: {  	[sflag:s3] =	ssyncset.done $0x0  }
0x73: {  	[sflag:s3] =	ssyncadd.s32 $0xFFFFD800  }
0x74: {  	_ =	swait.ge [sflag:s3], $0x2800  }
0x75: {  	[sflag:s3] =	ssyncset.done $0x0  }
0x76: {  	[sflag:s3] =	ssyncadd.s32 $0xFFFFD800  }
0x77: {  	_ =	swait.ge [sflag:s3], $0x2800  }
0x78: {  	[sflag:s3] =	ssyncset.done $0x0  }
0x79: {  	s31 =	simm.s32 $0x2;
	[sflag:s3] =	ssyncadd.s32 $0xFFFFD800  }
0x7a: {  	[hbm4b:s8+s2] =	stream.linear.scatter [tilespmem:s23], [sflag:$0x2], $0xC800, $0x38;
	[tilespmem:$0x1A000] =	vst v63  }
0x7b: {  	_ =	swait.ge [sflag:s31], $0xC800  }
0x7c: {  	[sflag:s31] =	ssyncset.done $0x0  }
0x7d: {  	[sflag:s31] =	ssyncadd.s32 $0xFFFF3800  }
0x7e: {  	_ =	sfence.sel $0x180000  }
0x7f: {  	[bflag:$0x0] =	sbarrier.arrive $0xFFFF  }
0x80: {  	p0 =	sne.s32 s0, $0x0;
	_ =	strace $0x90000053  }
0x81: {  	s0 =	sadd.s32 @!p0 $0x100000, s1;
	[bflag:$0x2] =	sbarrier.arrive $0xFFFF  }
0x82: {  	[sflag:s0] =	ssyncadd.tile.s32 @!p0 $0x1;
	_ =	shalt  }
.Lfunc_end2:
_tile_overlayer_lowered:
.L_overlay_start_2:
0x83: {  	(tag) =	ssettag $0x2  }
0x84: {  	s0 =	rddreg [dreg:$0x0];
	s2 =	stileid.u32  }
0x85: {  	s1 =	rddreg [dreg:$0x1];
	p0 =	sne.s32 s2, $0x0  }
0x86: {  	s3 =	rddreg [dreg:$0x2];
	[bflag:$0x3] =	sbarrier.arrive $0xFFFF;
	s2 =	simm.s32 @!p0 $0x1C03  }
0x87: {  	[timem:s3], [sflag:s2] =	dma.local @!p0 [hbm:s0], s1  }
0x88: {  	s0 =	simm.s32 @!p0 $0x3  }
0x89: {  	_ =	swait.ge @!p0 [sflag:s0], s1  }
0x8a: {  	s1 =	ssub.s32 @!p0 $0x0, s1;
	[sflag:s0] =	ssyncset.done @!p0 $0x0  }
0x8b: {  	[sflag:s0] =	ssyncadd.s32 @!p0 s1  }
0x8c: {  	[bflag:$0x3] =	sbarrier.arrive $0xFFFF  }
0x8d: {  	_ =	shalt  }

</sc_bundles>
